<compile_context>
chip_gen: v7x
topology: tpu7x:2x2x1
jax: 0.10.2.dev20260603
libtpu: 0.0.44.dev20260713+nightly
codegen_flags: <defaults>
</compile_context>

<pallas_src>
import functools
import jax
import jax.numpy as jnp
from jax import lax
from jax.experimental import pallas as pl
from jax.experimental.pallas import tpu as pltpu
from jax.experimental.pallas import tpu_sc as plsc

NC, NS, LANES = 2, 16, 16
NW = NC * NS


def _mesh():
    return plsc.VectorSubcoreMesh(core_axis_name="c", subcore_axis_name="s",
                                  num_cores=NC, num_subcores=NS)


def _make_deg_kernel(E, NP):
    EPW = E // NW

    @functools.partial(
        pl.kernel,
        out_type=jax.ShapeDtypeStruct((NW, NP), jnp.float32),
        mesh=_mesh(),
        scratch_types=[
            pltpu.VMEM((NP,), jnp.float32),
            pltpu.VMEM((EPW,), jnp.int32),
        ],
        compiler_params=pltpu.CompilerParams(needs_layout_passes=False),
    )
    def deg_kernel(dst_hbm, out_hbm, hist_v, idx_v):
        c = lax.axis_index("c")
        s = lax.axis_index("s")
        wid = c * NS + s

        def zero_body(i, carry):
            hist_v[pl.ds(i * LANES, LANES)] = jnp.zeros((LANES,), jnp.float32)
            return carry
        lax.fori_loop(0, NP // LANES, zero_body, 0)

        pltpu.sync_copy(dst_hbm.at[pl.ds(wid * EPW, EPW)], idx_v)

        ones = jnp.full((LANES,), 1.0, jnp.float32)

        def body(i, carry):
            idx = idx_v[pl.ds(i * LANES, LANES)]
            plsc.addupdate_scatter(hist_v, [idx], ones)
            return carry
        lax.fori_loop(0, EPW // LANES, body, 0)

        pltpu.sync_copy(hist_v, out_hbm.at[wid])

    return deg_kernel


def _make_scatter_kernel(NPAD, F, NB, B):
    SLAB = NPAD // NS
    ZR = 64
    EPW = NB * B

    @functools.partial(
        pl.kernel,
        out_type=jax.ShapeDtypeStruct((NC, NPAD, F), jnp.float32),
        mesh=_mesh(),
        scratch_types=[
            pltpu.VMEM_SHARED((NPAD, F), jnp.float32),
            pltpu.VMEM((EPW,), jnp.int32),
            pltpu.VMEM((B, F), jnp.float32),
            pltpu.VMEM((B, F), jnp.float32),
            pltpu.VMEM((B, F), jnp.float32),
            pltpu.VMEM((1, B), jnp.int32),
            pltpu.VMEM((1, B), jnp.int32),
            pltpu.VMEM((1, B), jnp.int32),
            pltpu.VMEM((1, B), jnp.int32),
            pltpu.VMEM((1, B), jnp.int32),
            pltpu.VMEM((1, B), jnp.int32),
            pltpu.SemaphoreType.DMA,
            pltpu.SemaphoreType.DMA,
            pltpu.SemaphoreType.DMA,
            pltpu.SemaphoreType.DMA,
            pltpu.SemaphoreType.DMA,
            pltpu.SemaphoreType.DMA,
        ],
        compiler_params=pltpu.CompilerParams(needs_layout_passes=False),
    )
    def scatter_kernel(y_hbm, packed_hbm, out_hbm, acc_sh, packed_v,
                       rb0, rb1, rb2, sb0, sb1, sb2, db0, db1, db2,
                       g0, g1, g2, s0, s1, s2):
        c = lax.axis_index("c")
        s = lax.axis_index("s")
        wid = c * NS + s
        rows = (rb0, rb1, rb2)
        srcb = (sb0, sb1, sb2)
        dstb = (db0, db1, db2)
        gsem = (g0, g1, g2)
        ssem = (s0, s1, s2)
        mask = jnp.full((LANES,), 0x3FFF, jnp.int32)
        sh14 = jnp.full((LANES,), 14, jnp.int32)

        def unpack(g, m):
            for k in range(B // LANES):
                p = packed_v[pl.ds(g * B + k * LANES, LANES)]
                srcb[m][0, pl.ds(k * LANES, LANES)] = p & mask
                dstb[m][0, pl.ds(k * LANES, LANES)] = (
                    lax.shift_right_logical(p, sh14))

        def gather(g, m):
            pltpu.async_copy(y_hbm.at[srcb[m].at[0]], rows[m], gsem[m])

        def gwait(m):
            pltpu.make_async_copy(y_hbm.at[srcb[m].at[0]], rows[m],
                                  gsem[m]).wait()

        def scatter(m):
            pltpu.async_copy(rows[m], acc_sh.at[dstb[m].at[0]], ssem[m],
                             add=True)

        def swait(m):
            pltpu.make_async_copy(rows[m], acc_sh.at[dstb[m].at[0]],
                                  ssem[m]).wait()

        pltpu.sync_copy(packed_hbm.at[wid], packed_v)
        unpack(0, 0)
        gather(0, 0)
        unpack(1, 1)
        gather(1, 1)

        def zb(i, carry):
            r = i // (F // LANES)
            col = i % (F // LANES)
            rb2[r, pl.ds(col * LANES, LANES)] = jnp.zeros((LANES,), jnp.float32)
            return carry
        lax.fori_loop(0, ZR * (F // LANES), zb, 0)
        for k in range(SLAB // ZR):
            pltpu.sync_copy(rb2.at[pl.ds(0, ZR)],
                            acc_sh.at[pl.ds(s * SLAB + k * ZR, ZR)])
        plsc.subcore_barrier()

        gwait(0)
        scatter(0)
        unpack(2, 2)
        gather(2, 2)

        def body(i, carry):
            for t in range(3):
                g = 3 * i + 1 + t
                m = (1 + t) % 3
                gwait(m)
                scatter(m)
                swait((m + 2) % 3)

                @pl.when(g + 2 < NB)
                def _():
                    unpack(g + 2, (m + 2) % 3)
                    gather(g + 2, (m + 2) % 3)
            return carry
        lax.fori_loop(0, (NB - 2) // 3, body, 0)

        mlast = (NB - 1) % 3
        gwait(mlast)
        scatter(mlast)
        swait((mlast + 2) % 3)
        swait(mlast)

        plsc.subcore_barrier()
        pltpu.sync_copy(acc_sh.at[pl.ds(s * SLAB, SLAB)],
                        out_hbm.at[c, pl.ds(s * SLAB, SLAB)])

    return scatter_kernel


def _dinv_col(degp_blk):
    d = jnp.transpose(degp_blk)
    deg = jnp.sum(d, axis=1, keepdims=True) + 1.0
    return lax.rsqrt(deg)


def _y1_body(degp_ref, x_ref, y_ref):
    dinv = _dinv_col(degp_ref[...])
    y_ref[...] = x_ref[...] * dinv


def _mid_body(degp_ref, sp_ref, y1_ref, w1_ref, b1_ref, w2_ref, y2_ref):
    dinv = _dinv_col(degp_ref[...])
    px = dinv * (sp_ref[0] + sp_ref[1] + y1_ref[...])
    h1 = jnp.dot(px, w1_ref[...], preferred_element_type=jnp.float32)
    h1 = jnp.maximum(h1 + b1_ref[...], 0.0)
    h2 = jnp.dot(h1, w2_ref[...], preferred_element_type=jnp.float32)
    y2_ref[...] = h2 * dinv


def _out_body(degp_ref, sp_ref, y2_ref, b2_ref, o_ref):
    dinv = _dinv_col(degp_ref[...])
    o_ref[...] = dinv * (sp_ref[0] + sp_ref[1] + y2_ref[...]) + b2_ref[...]


@jax.jit
def kernel(x, edge_index, W1, b1, W2, b2):
    N, F = x.shape
    E = edge_index.shape[1]
    NP = 10240
    BN = 2048
    B = 80
    EPW = E // NW
    NB = EPW // B

    src = edge_index[0].astype(jnp.int32)
    dst = edge_index[1].astype(jnp.int32)
    packed = (src | (dst << 14)).reshape(NW, EPW)

    degp = _make_deg_kernel(E, NP)(dst)

    grid = (NP // BN,)
    degp_spec = pl.BlockSpec((NW, BN), lambda i: (0, i))
    row_spec = pl.BlockSpec((BN, F), lambda i: (i, 0))
    sp_spec = pl.BlockSpec((NC, BN, F), lambda i: (0, i, 0))

    y1 = pl.pallas_call(
        _y1_body,
        grid=grid,
        in_specs=[degp_spec, row_spec],
        out_specs=row_spec,
        out_shape=jax.ShapeDtypeStruct((N, F), jnp.float32),
    )(degp, x)

    scat = _make_scatter_kernel(NP, F, NB, B)
    s1p = scat(y1, packed)

    y2 = pl.pallas_call(
        _mid_body,
        grid=grid,
        in_specs=[degp_spec, sp_spec, row_spec,
                  pl.BlockSpec((F, 2 * F), lambda i: (0, 0)),
                  pl.BlockSpec((1, 2 * F), lambda i: (0, 0)),
                  pl.BlockSpec((2 * F, F), lambda i: (0, 0))],
        out_specs=row_spec,
        out_shape=jax.ShapeDtypeStruct((N, F), jnp.float32),
    )(degp, s1p, y1, W1, b1.reshape(1, -1), W2)

    s2p = scat(y2, packed)

    out = pl.pallas_call(
        _out_body,
        grid=grid,
        in_specs=[degp_spec, sp_spec, row_spec,
                  pl.BlockSpec((1, F), lambda i: (0, 0))],
        out_specs=row_spec,
        out_shape=jax.ShapeDtypeStruct((N, F), jnp.float32),
    )(degp, s2p, y2, b2.reshape(1, -1))

    return out

# --- scband reference (transcript-rebuilt; emitter-appended) ---
"""Pipeline reference for scband-encoder-9096740733413 (READ-ONLY COPY).

The authoritative reference and input builder live on the scoring server;
editing this copy changes nothing except your own understanding.
"""

import jax, jax.numpy as jnp
import numpy as np

N_NODES = 10000


def gcn_conv(x, edge_index, W, b):
    n = x.shape[0]
    loop = jnp.arange(n, dtype=edge_index.dtype)
    src = jnp.concatenate([edge_index[0], loop])
    dst = jnp.concatenate([edge_index[1], loop])
    # symmetric normalization (PyG gcn_norm with self-loops)
    deg = jnp.zeros((n,), dtype=x.dtype).at[dst].add(1.0)
    deg_inv_sqrt = jnp.where(deg > 0, jax.lax.rsqrt(deg), 0.0)
    norm = deg_inv_sqrt[src] * deg_inv_sqrt[dst]
    h = x @ W
    msgs = h[src] * norm[:, None]
    out = jnp.zeros((n, W.shape[1]), dtype=x.dtype).at[dst].add(msgs)
    return out + b


def setup_inputs(seed: int = 0) -> dict:
    key = jax.random.key(seed)
    k1, k2, k3, k4, k5, k6 = jax.random.split(key, 6)
    in_ch, out_ch = 128, 128
    x = jax.random.normal(k1, (N_NODES, in_ch), dtype=jnp.float32)
    edge_index = jax.random.randint(k2, (2, 320000), 0, N_NODES, dtype=jnp.int64)
    s1 = 1.0 / np.sqrt(in_ch)
    W1 = jax.random.uniform(k3, (in_ch, 2 * out_ch), minval=-s1, maxval=s1, dtype=jnp.float32)
    b1 = jnp.zeros((2 * out_ch,), dtype=jnp.float32)
    s2 = 1.0 / np.sqrt(2 * out_ch)
    W2 = jax.random.uniform(k4, (2 * out_ch, out_ch), minval=-s2, maxval=s2, dtype=jnp.float32)
    b2 = jnp.zeros((out_ch,), dtype=jnp.float32)
    return {"x": x, "edge_index": edge_index, "W1": W1, "b1": b1, "W2": W2, "b2": b2}


def reference(x, edge_index, W1, b1, W2, b2):
    h = jax.nn.relu(gcn_conv(x, edge_index, W1, b1))
    out = gcn_conv(h, edge_index, W2, b2)
    return out

if __name__ == "__main__":
    import jax
    _d = setup_inputs()
    print(jax.jit(kernel)(*tuple(_d.values())))

</pallas_src>

<mosaic_0001>
#map = affine_map<(d0, d1) -> (0, 0)>
#map1 = affine_map<(d0, d1) -> (0, 0, 0)>
module attributes {stable_mosaic.version = 14 : i64} {
  func.func @scatter_kernel(%arg0: i32, %arg1: i32, %arg2: memref<10000x128xf32, #tpu.memory_space<hbm>>, %arg3: memref<32x10000xi32, #tpu.memory_space<hbm>>, %arg4: memref<2x10240x128xf32, #tpu.memory_space<hbm>>, %arg5: memref<10240x128xf32, #tpu.memory_space<vmem_shared>>, %arg6: memref<10000xi32, #tpu.memory_space<vmem>>, %arg7: memref<80x128xf32, #tpu.memory_space<vmem>>, %arg8: memref<80x128xf32, #tpu.memory_space<vmem>>, %arg9: memref<80x128xf32, #tpu.memory_space<vmem>>, %arg10: memref<1x80xi32, #tpu.memory_space<vmem>>, %arg11: memref<1x80xi32, #tpu.memory_space<vmem>>, %arg12: memref<1x80xi32, #tpu.memory_space<vmem>>, %arg13: memref<1x80xi32, #tpu.memory_space<vmem>>, %arg14: memref<1x80xi32, #tpu.memory_space<vmem>>, %arg15: memref<1x80xi32, #tpu.memory_space<vmem>>, %arg16: memref<!tpu.dma_semaphore, #tpu.memory_space<semaphore_mem>>, %arg17: memref<!tpu.dma_semaphore, #tpu.memory_space<semaphore_mem>>, %arg18: memref<!tpu.dma_semaphore, #tpu.memory_space<semaphore_mem>>, %arg19: memref<!tpu.dma_semaphore, #tpu.memory_space<semaphore_mem>>, %arg20: memref<!tpu.dma_semaphore, #tpu.memory_space<semaphore_mem>>, %arg21: memref<!tpu.dma_semaphore, #tpu.memory_space<semaphore_mem>>) attributes {dimension_semantics = [#tpu.dimension_semantics<core_parallel>, #tpu.dimension_semantics<subcore_parallel>], iteration_bounds = array<i64: 2, 16>, scalar_prefetch = 0 : i64, scratch_operands = 17 : i64, tpu.core_type = #tpu.core_type<sc_vector_subcore>, window_params = [{transform_indices = #map}, {transform_indices = #map}, {transform_indices = #map1}]} {
    %mul3A = arith.constant 16 : i32
    %mul3A_0 = arith.muli %arg0, %mul3A : i32
    %add3A = arith.addi %mul3A_0, %arg1 : i32
    %broadcast_in_dim3A = arith.constant 16383 : i32
    %broadcast_in_dim3A_1 = vector.broadcast %broadcast_in_dim3A : i32 to vector<16xi32>
    %broadcast_in_dim3A_2 = arith.constant 14 : i32
    %broadcast_in_dim3A_3 = vector.broadcast %broadcast_in_dim3A_2 : i32 to vector<16xi32>
    "tpu.region"() ({
      %run_scoped3A = tpu.sem_alloc : memref<!tpu.dma_semaphore, #tpu.memory_space<semaphore_mem>>
      %dma_start3A_297 = arith.constant 0 : i32
      %dma_start3A_298 = tpu.memref_slice %arg3[%add3A, %dma_start3A_297] : memref<32x10000xi32, #tpu.memory_space<hbm>> -> memref<1x10000xi32, #tpu.memory_space<hbm>>
      %dma_start3A_299 = tpu.memref_squeeze %dma_start3A_298 : memref<1x10000xi32, #tpu.memory_space<hbm>> -> memref<10000xi32, #tpu.memory_space<hbm>>
      %dma_start3A_300 = arith.constant 0 : i32
      %dma_start3A_301 = tpu.memref_slice %arg3[%add3A, %dma_start3A_300] : memref<32x10000xi32, #tpu.memory_space<hbm>> -> memref<1x10000xi32, #tpu.memory_space<hbm>>
      %dma_start3A_302 = tpu.memref_squeeze %dma_start3A_301 : memref<1x10000xi32, #tpu.memory_space<hbm>> -> memref<10000xi32, #tpu.memory_space<hbm>>
      tpu.enqueue_dma source(%dma_start3A_302 : memref<10000xi32, #tpu.memory_space<hbm>>) target(%arg6 : memref<10000xi32, #tpu.memory_space<vmem>>) target_semaphore(%run_scoped3A : memref<!tpu.dma_semaphore, #tpu.memory_space<semaphore_mem>>)
      %dma_wait3A_303 = arith.constant 0 : i32
      %dma_wait3A_304 = tpu.memref_slice %arg3[%add3A, %dma_wait3A_303] : memref<32x10000xi32, #tpu.memory_space<hbm>> -> memref<1x10000xi32, #tpu.memory_space<hbm>>
      %dma_wait3A_305 = tpu.memref_squeeze %dma_wait3A_304 : memref<1x10000xi32, #tpu.memory_space<hbm>> -> memref<10000xi32, #tpu.memory_space<hbm>>
      %dma_wait3A_306 = arith.constant 0 : i32
      %dma_wait3A_307 = tpu.memref_slice %arg3[%add3A, %dma_wait3A_306] : memref<32x10000xi32, #tpu.memory_space<hbm>> -> memref<1x10000xi32, #tpu.memory_space<hbm>>
      %dma_wait3A_308 = tpu.memref_squeeze %dma_wait3A_307 : memref<1x10000xi32, #tpu.memory_space<hbm>> -> memref<10000xi32, #tpu.memory_space<hbm>>
      tpu.wait_dma2 semaphore(%run_scoped3A : memref<!tpu.dma_semaphore, #tpu.memory_space<semaphore_mem>>) src(%dma_wait3A_308 : memref<10000xi32, #tpu.memory_space<hbm>>) dst(%arg6 : memref<10000xi32, #tpu.memory_space<vmem>>)
      tpu.yield
    }) : () -> ()
    %get3A = arith.constant 0 : index
    %get3A_4 = tpu.vector_load %arg6[%get3A] {strides = array<i32>} : memref<10000xi32, #tpu.memory_space<vmem>>, vector<16xi32>,
    %and3A = arith.andi %get3A_4, %broadcast_in_dim3A_1 : vector<16xi32>
    %swap3A = arith.constant 0 : i32
    %swap3A_5 = arith.index_cast %swap3A : i32 to index
    %swap3A_6 = arith.constant 0 : index
    %swap3A_7 = tpu.vector_load %arg10[%swap3A_5, %swap3A_6] {strides = array<i32>} : memref<1x80xi32, #tpu.memory_space<vmem>>, vector<16xi32>,
    tpu.vector_store %arg10[%swap3A_5, %swap3A_6], %and3A {strides = array<i32>} : memref<1x80xi32, #tpu.memory_space<vmem>>, vector<16xi32>,
    %shift_right_logical3A = arith.shrui %get3A_4, %broadcast_in_dim3A_3 : vector<16xi32>
    %swap3A_8 = arith.constant 0 : i32
    %swap3A_9 = arith.index_cast %swap3A_8 : i32 to index
    %swap3A_10 = arith.constant 0 : index
    %swap3A_11 = tpu.vector_load %arg13[%swap3A_9, %swap3A_10] {strides = array<i32>} : memref<1x80xi32, #tpu.memory_space<vmem>>, vector<16xi32>,
    tpu.vector_store %arg13[%swap3A_9, %swap3A_10], %shift_right_logical3A {strides = array<i32>} : memref<1x80xi32, #tpu.memory_space<vmem>>, vector<16xi32>,
    %get3A_12 = arith.constant 16 : index
    %get3A_13 = tpu.vector_load %arg6[%get3A_12] {strides = array<i32>} : memref<10000xi32, #tpu.memory_space<vmem>>, vector<16xi32>,
    %and3A_14 = arith.andi %get3A_13, %broadcast_in_dim3A_1 : vector<16xi32>
    %swap3A_15 = arith.constant 0 : i32
    %swap3A_16 = arith.index_cast %swap3A_15 : i32 to index
    %swap3A_17 = arith.constant 16 : index
    %swap3A_18 = tpu.vector_load %arg10[%swap3A_16, %swap3A_17] {strides = array<i32>} : memref<1x80xi32, #tpu.memory_space<vmem>>, vector<16xi32>,
    tpu.vector_store %arg10[%swap3A_16, %swap3A_17], %and3A_14 {strides = array<i32>} : memref<1x80xi32, #tpu.memory_space<vmem>>, vector<16xi32>,
    %shift_right_logical3A_19 = arith.shrui %get3A_13, %broadcast_in_dim3A_3 : vector<16xi32>
    %swap3A_20 = arith.constant 0 : i32
    %swap3A_21 = arith.index_cast %swap3A_20 : i32 to index
    %swap3A_22 = arith.constant 16 : index
    %swap3A_23 = tpu.vector_load %arg13[%swap3A_21, %swap3A_22] {strides = array<i32>} : memref<1x80xi32, #tpu.memory_space<vmem>>, vector<16xi32>,
    tpu.vector_store %arg13[%swap3A_21, %swap3A_22], %shift_right_logical3A_19 {strides = array<i32>} : memref<1x80xi32, #tpu.memory_space<vmem>>, vector<16xi32>,
    %get3A_24 = arith.constant 32 : index
    %get3A_25 = tpu.vector_load %arg6[%get3A_24] {strides = array<i32>} : memref<10000xi32, #tpu.memory_space<vmem>>, vector<16xi32>,
    %and3A_26 = arith.andi %get3A_25, %broadcast_in_dim3A_1 : vector<16xi32>
    %swap3A_27 = arith.constant 0 : i32
    %swap3A_28 = arith.index_cast %swap3A_27 : i32 to index
    %swap3A_29 = arith.constant 32 : index
    %swap3A_30 = tpu.vector_load %arg10[%swap3A_28, %swap3A_29] {strides = array<i32>} : memref<1x80xi32, #tpu.memory_space<vmem>>, vector<16xi32>,
    tpu.vector_store %arg10[%swap3A_28, %swap3A_29], %and3A_26 {strides = array<i32>} : memref<1x80xi32, #tpu.memory_space<vmem>>, vector<16xi32>,
    %shift_right_logical3A_31 = arith.shrui %get3A_25, %broadcast_in_dim3A_3 : vector<16xi32>
    %swap3A_32 = arith.constant 0 : i32
    %swap3A_33 = arith.index_cast %swap3A_32 : i32 to index
    %swap3A_34 = arith.constant 32 : index
    %swap3A_35 = tpu.vector_load %arg13[%swap3A_33, %swap3A_34] {strides = array<i32>} : memref<1x80xi32, #tpu.memory_space<vmem>>, vector<16xi32>,
    tpu.vector_store %arg13[%swap3A_33, %swap3A_34], %shift_right_logical3A_31 {strides = array<i32>} : memref<1x80xi32, #tpu.memory_space<vmem>>, vector<16xi32>,
    %get3A_36 = arith.constant 48 : index
    %get3A_37 = tpu.vector_load %arg6[%get3A_36] {strides = array<i32>} : memref<10000xi32, #tpu.memory_space<vmem>>, vector<16xi32>,
    %and3A_38 = arith.andi %get3A_37, %broadcast_in_dim3A_1 : vector<16xi32>
    %swap3A_39 = arith.constant 0 : i32
    %swap3A_40 = arith.index_cast %swap3A_39 : i32 to index
    %swap3A_41 = arith.constant 48 : index
    %swap3A_42 = tpu.vector_load %arg10[%swap3A_40, %swap3A_41] {strides = array<i32>} : memref<1x80xi32, #tpu.memory_space<vmem>>, vector<16xi32>,
    tpu.vector_store %arg10[%swap3A_40, %swap3A_41], %and3A_38 {strides = array<i32>} : memref<1x80xi32, #tpu.memory_space<vmem>>, vector<16xi32>,
    %shift_right_logical3A_43 = arith.shrui %get3A_37, %broadcast_in_dim3A_3 : vector<16xi32>
    %swap3A_44 = arith.constant 0 : i32
    %swap3A_45 = arith.index_cast %swap3A_44 : i32 to index
    %swap3A_46 = arith.constant 48 : index
    %swap3A_47 = tpu.vector_load %arg13[%swap3A_45, %swap3A_46] {strides = array<i32>} : memref<1x80xi32, #tpu.memory_space<vmem>>, vector<16xi32>,
    tpu.vector_store %arg13[%swap3A_45, %swap3A_46], %shift_right_logical3A_43 {strides = array<i32>} : memref<1x80xi32, #tpu.memory_space<vmem>>, vector<16xi32>,
    %get3A_48 = arith.constant 64 : index
    %get3A_49 = tpu.vector_load %arg6[%get3A_48] {strides = array<i32>} : memref<10000xi32, #tpu.memory_space<vmem>>, vector<16xi32>,
    %and3A_50 = arith.andi %get3A_49, %broadcast_in_dim3A_1 : vector<16xi32>
    %swap3A_51 = arith.constant 0 : i32
    %swap3A_52 = arith.index_cast %swap3A_51 : i32 to index
    %swap3A_53 = arith.constant 64 : index
    %swap3A_54 = tpu.vector_load %arg10[%swap3A_52, %swap3A_53] {strides = array<i32>} : memref<1x80xi32, #tpu.memory_space<vmem>>, vector<16xi32>,
    tpu.vector_store %arg10[%swap3A_52, %swap3A_53], %and3A_50 {strides = array<i32>} : memref<1x80xi32, #tpu.memory_space<vmem>>, vector<16xi32>,
    %shift_right_logical3A_55 = arith.shrui %get3A_49, %broadcast_in_dim3A_3 : vector<16xi32>
    %swap3A_56 = arith.constant 0 : i32
    %swap3A_57 = arith.index_cast %swap3A_56 : i32 to index
    %swap3A_58 = arith.constant 64 : index
    %swap3A_59 = tpu.vector_load %arg13[%swap3A_57, %swap3A_58] {strides = array<i32>} : memref<1x80xi32, #tpu.memory_space<vmem>>, vector<16xi32>,
    tpu.vector_store %arg13[%swap3A_57, %swap3A_58], %shift_right_logical3A_55 {strides = array<i32>} : memref<1x80xi32, #tpu.memory_space<vmem>>, vector<16xi32>,
    %dma_start3A = arith.constant 0 : i32
    %dma_start3A_60 = arith.constant 0 : i32
    %dma_start3A_61 = tpu.memref_slice %arg10[%dma_start3A, %dma_start3A_60] : memref<1x80xi32, #tpu.memory_space<vmem>> -> memref<1x80xi32, #tpu.memory_space<vmem>>
    %dma_start3A_62 = tpu.memref_squeeze %dma_start3A_61 : memref<1x80xi32, #tpu.memory_space<vmem>> -> memref<80xi32, #tpu.memory_space<vmem>>
    %dma_start3A_63 = arith.constant 0 : i32
    %dma_start3A_64 = arith.constant 0 : i32
    %dma_start3A_65 = tpu.memref_slice %arg2[%dma_start3A_63, %dma_start3A_64] : memref<10000x128xf32, #tpu.memory_space<hbm>> -> memref<10000x128xf32, #tpu.memory_space<hbm>>
    tpu.enqueue_indirect_dma source(%dma_start3A_65 : memref<10000x128xf32, #tpu.memory_space<hbm>>) target(%arg7 : memref<80x128xf32, #tpu.memory_space<vmem>>) offsets(%dma_start3A_62 : memref<80xi32, #tpu.memory_space<vmem>>) semaphore(%arg16 : memref<!tpu.dma_semaphore, #tpu.memory_space<semaphore_mem>>)
    %get3A_66 = arith.constant 80 : index
    %get3A_67 = tpu.vector_load %arg6[%get3A_66] {strides = array<i32>} : memref<10000xi32, #tpu.memory_space<vmem>>, vector<16xi32>,
    %and3A_68 = arith.andi %get3A_67, %broadcast_in_dim3A_1 : vector<16xi32>
    %swap3A_69 = arith.constant 0 : i32
    %swap3A_70 = arith.index_cast %swap3A_69 : i32 to index
    %swap3A_71 = arith.constant 0 : index
    %swap3A_72 = tpu.vector_load %arg11[%swap3A_70, %swap3A_71] {strides = array<i32>} : memref<1x80xi32, #tpu.memory_space<vmem>>, vector<16xi32>,
    tpu.vector_store %arg11[%swap3A_70, %swap3A_71], %and3A_68 {strides = array<i32>} : memref<1x80xi32, #tpu.memory_space<vmem>>, vector<16xi32>,
    %shift_right_logical3A_73 = arith.shrui %get3A_67, %broadcast_in_dim3A_3 : vector<16xi32>
    %swap3A_74 = arith.constant 0 : i32
    %swap3A_75 = arith.index_cast %swap3A_74 : i32 to index
    %swap3A_76 = arith.constant 0 : index
    %swap3A_77 = tpu.vector_load %arg14[%swap3A_75, %swap3A_76] {strides = array<i32>} : memref<1x80xi32, #tpu.memory_space<vmem>>, vector<16xi32>,
    tpu.vector_store %arg14[%swap3A_75, %swap3A_76], %shift_right_logical3A_73 {strides = array<i32>} : memref<1x80xi32, #tpu.memory_space<vmem>>, vector<16xi32>,
    %get3A_78 = arith.constant 96 : index
    %get3A_79 = tpu.vector_load %arg6[%get3A_78] {strides = array<i32>} : memref<10000xi32, #tpu.memory_space<vmem>>, vector<16xi32>,
    %and3A_80 = arith.andi %get3A_79, %broadcast_in_dim3A_1 : vector<16xi32>
    %swap3A_81 = arith.constant 0 : i32
    %swap3A_82 = arith.index_cast %swap3A_81 : i32 to index
    %swap3A_83 = arith.constant 16 : index
    %swap3A_84 = tpu.vector_load %arg11[%swap3A_82, %swap3A_83] {strides = array<i32>} : memref<1x80xi32, #tpu.memory_space<vmem>>, vector<16xi32>,
    tpu.vector_store %arg11[%swap3A_82, %swap3A_83], %and3A_80 {strides = array<i32>} : memref<1x80xi32, #tpu.memory_space<vmem>>, vector<16xi32>,
    %shift_right_logical3A_85 = arith.shrui %get3A_79, %broadcast_in_dim3A_3 : vector<16xi32>
    %swap3A_86 = arith.constant 0 : i32
    %swap3A_87 = arith.index_cast %swap3A_86 : i32 to index
    %swap3A_88 = arith.constant 16 : index
    %swap3A_89 = tpu.vector_load %arg14[%swap3A_87, %swap3A_88] {strides = array<i32>} : memref<1x80xi32, #tpu.memory_space<vmem>>, vector<16xi32>,
    tpu.vector_store %arg14[%swap3A_87, %swap3A_88], %shift_right_logical3A_85 {strides = array<i32>} : memref<1x80xi32, #tpu.memory_space<vmem>>, vector<16xi32>,
    %get3A_90 = arith.constant 112 : index
    %get3A_91 = tpu.vector_load %arg6[%get3A_90] {strides = array<i32>} : memref<10000xi32, #tpu.memory_space<vmem>>, vector<16xi32>,
    %and3A_92 = arith.andi %get3A_91, %broadcast_in_dim3A_1 : vector<16xi32>
    %swap3A_93 = arith.constant 0 : i32
    %swap3A_94 = arith.index_cast %swap3A_93 : i32 to index
    %swap3A_95 = arith.constant 32 : index
    %swap3A_96 = tpu.vector_load %arg11[%swap3A_94, %swap3A_95] {strides = array<i32>} : memref<1x80xi32, #tpu.memory_space<vmem>>, vector<16xi32>,
    tpu.vector_store %arg11[%swap3A_94, %swap3A_95], %and3A_92 {strides = array<i32>} : memref<1x80xi32, #tpu.memory_space<vmem>>, vector<16xi32>,
    %shift_right_logical3A_97 = arith.shrui %get3A_91, %broadcast_in_dim3A_3 : vector<16xi32>
    %swap3A_98 = arith.constant 0 : i32
    %swap3A_99 = arith.index_cast %swap3A_98 : i32 to index
    %swap3A_100 = arith.constant 32 : index
    %swap3A_101 = tpu.vector_load %arg14[%swap3A_99, %swap3A_100] {strides = array<i32>} : memref<1x80xi32, #tpu.memory_space<vmem>>, vector<16xi32>,
    tpu.vector_store %arg14[%swap3A_99, %swap3A_100], %shift_right_logical3A_97 {strides = array<i32>} : memref<1x80xi32, #tpu.memory_space<vmem>>, vector<16xi32>,
    %get3A_102 = arith.constant 128 : index
    %get3A_103 = tpu.vector_load %arg6[%get3A_102] {strides = array<i32>} : memref<10000xi32, #tpu.memory_space<vmem>>, vector<16xi32>,
    %and3A_104 = arith.andi %get3A_103, %broadcast_in_dim3A_1 : vector<16xi32>
    %swap3A_105 = arith.constant 0 : i32
    %swap3A_106 = arith.index_cast %swap3A_105 : i32 to index
    %swap3A_107 = arith.constant 48 : index
    %swap3A_108 = tpu.vector_load %arg11[%swap3A_106, %swap3A_107] {strides = array<i32>} : memref<1x80xi32, #tpu.memory_space<vmem>>, vector<16xi32>,
    tpu.vector_store %arg11[%swap3A_106, %swap3A_107], %and3A_104 {strides = array<i32>} : memref<1x80xi32, #tpu.memory_space<vmem>>, vector<16xi32>,
    %shift_right_logical3A_109 = arith.shrui %get3A_103, %broadcast_in_dim3A_3 : vector<16xi32>
    %swap3A_110 = arith.constant 0 : i32
    %swap3A_111 = arith.index_cast %swap3A_110 : i32 to index
    %swap3A_112 = arith.constant 48 : index
    %swap3A_113 = tpu.vector_load %arg14[%swap3A_111, %swap3A_112] {strides = array<i32>} : memref<1x80xi32, #tpu.memory_space<vmem>>, vector<16xi32>,
    tpu.vector_store %arg14[%swap3A_111, %swap3A_112], %shift_right_logical3A_109 {strides = array<i32>} : memref<1x80xi32, #tpu.memory_space<vmem>>, vector<16xi32>,
    %get3A_114 = arith.constant 144 : index
    %get3A_115 = tpu.vector_load %arg6[%get3A_114] {strides = array<i32>} : memref<10000xi32, #tpu.memory_space<vmem>>, vector<16xi32>,
    %and3A_116 = arith.andi %get3A_115, %broadcast_in_dim3A_1 : vector<16xi32>
    %swap3A_117 = arith.constant 0 : i32
    %swap3A_118 = arith.index_cast %swap3A_117 : i32 to index
    %swap3A_119 = arith.constant 64 : index
    %swap3A_120 = tpu.vector_load %arg11[%swap3A_118, %swap3A_119] {strides = array<i32>} : memref<1x80xi32, #tpu.memory_space<vmem>>, vector<16xi32>,
    tpu.vector_store %arg11[%swap3A_118, %swap3A_119], %and3A_116 {strides = array<i32>} : memref<1x80xi32, #tpu.memory_space<vmem>>, vector<16xi32>,
    %shift_right_logical3A_121 = arith.shrui %get3A_115, %broadcast_in_dim3A_3 : vector<16xi32>
    %swap3A_122 = arith.constant 0 : i32
    %swap3A_123 = arith.index_cast %swap3A_122 : i32 to index
    %swap3A_124 = arith.constant 64 : index
    %swap3A_125 = tpu.vector_load %arg14[%swap3A_123, %swap3A_124] {strides = array<i32>} : memref<1x80xi32, #tpu.memory_space<vmem>>, vector<16xi32>,
    tpu.vector_store %arg14[%swap3A_123, %swap3A_124], %shift_right_logical3A_121 {strides = array<i32>} : memref<1x80xi32, #tpu.memory_space<vmem>>, vector<16xi32>,
    %dma_start3A_126 = arith.constant 0 : i32
    %dma_start3A_127 = arith.constant 0 : i32
    %dma_start3A_128 = tpu.memref_slice %arg11[%dma_start3A_126, %dma_start3A_127] : memref<1x80xi32, #tpu.memory_space<vmem>> -> memref<1x80xi32, #tpu.memory_space<vmem>>
    %dma_start3A_129 = tpu.memref_squeeze %dma_start3A_128 : memref<1x80xi32, #tpu.memory_space<vmem>> -> memref<80xi32, #tpu.memory_space<vmem>>
    %dma_start3A_130 = arith.constant 0 : i32
    %dma_start3A_131 = arith.constant 0 : i32
    %dma_start3A_132 = tpu.memref_slice %arg2[%dma_start3A_130, %dma_start3A_131] : memref<10000x128xf32, #tpu.memory_space<hbm>> -> memref<10000x128xf32, #tpu.memory_space<hbm>>
    tpu.enqueue_indirect_dma source(%dma_start3A_132 : memref<10000x128xf32, #tpu.memory_space<hbm>>) target(%arg8 : memref<80x128xf32, #tpu.memory_space<vmem>>) offsets(%dma_start3A_129 : memref<80xi32, #tpu.memory_space<vmem>>) semaphore(%arg17 : memref<!tpu.dma_semaphore, #tpu.memory_space<semaphore_mem>>)
    %scan3A = arith.constant 0 : i32
    %scan3A_133 = arith.constant 0 : i32
    %scan3A_134 = arith.constant 512 : i32
    %scan3A_135 = arith.addi %scan3A_133, %scan3A_134 : i32
    %scan3A_136 = arith.constant 1 : i32
    scf.for %scan3A_297 = %scan3A_133 to %scan3A_135 step %scan3A_136  : i32 {
      %jit3A = arith.constant 8 : i32
      %div3A = arith.divsi %scan3A_297, %jit3A : i32
      %sign3A = arith.constant 0 : i32
      %sign3A_298 = arith.cmpi sgt, %scan3A_297, %sign3A : i32
      %sign3A_299 = arith.extui %sign3A_298 : i1 to i32
      %sign3A_300 = arith.constant 0 : i32
      %sign3A_301 = arith.cmpi slt, %scan3A_297, %sign3A_300 : i32
      %sign3A_302 = arith.extui %sign3A_301 : i1 to i32
      %sign3A_303 = arith.subi %sign3A_299, %sign3A_302 : i32
      %sign3A_304 = arith.constant 0 : i32
      %sign3A_305 = arith.cmpi sgt, %jit3A, %sign3A_304 : i32
      %sign3A_306 = arith.extui %sign3A_305 : i1 to i32
      %sign3A_307 = arith.constant 0 : i32
      %sign3A_308 = arith.cmpi slt, %jit3A, %sign3A_307 : i32
      %sign3A_309 = arith.extui %sign3A_308 : i1 to i32
      %sign3A_310 = arith.subi %sign3A_306, %sign3A_309 : i32
      %ne3A = arith.cmpi ne, %sign3A_303, %sign3A_310 : i32
      %rem3A = arith.remsi %scan3A_297, %jit3A : i32
      %ne3A_311 = arith.constant 0 : i32
      %ne3A_312 = arith.cmpi ne, %rem3A, %ne3A_311 : i32
      %and3A_313 = arith.andi %ne3A, %ne3A_312 : i1
      %sub3A = arith.constant 1 : i32
      %sub3A_314 = arith.subi %div3A, %sub3A : i32
      %select_n3A = arith.select %and3A_313, %sub3A_314, %div3A : i32
      %jit3A_315 = arith.constant 8 : i32
      %eq3A = arith.constant 0 : i32
      %eq3A_316 = arith.cmpi eq, %jit3A_315, %eq3A : i32
      %jit3A_317 = arith.constant 1 : i32
      %select_n3A_318 = arith.select %eq3A_316, %jit3A_317, %jit3A_315 : i32
      %rem3A_319 = arith.remsi %scan3A_297, %select_n3A_318 : i32
      %ne3A_320 = arith.constant 0 : i32
      %ne3A_321 = arith.cmpi ne, %rem3A_319, %ne3A_320 : i32
      %lt3A = arith.constant 0 : i32
      %lt3A_322 = arith.cmpi slt, %rem3A_319, %lt3A : i32
      %lt3A_323 = arith.constant 0 : i32
      %lt3A_324 = arith.cmpi slt, %select_n3A_318, %lt3A_323 : i32
      %ne3A_325 = arith.xori %lt3A_322, %lt3A_324 : i1
      %and3A_326 = arith.andi %ne3A_325, %ne3A_321 : i1
      %add3A_327 = arith.addi %rem3A_319, %select_n3A_318 : i32
      %select_n3A_328 = arith.select %and3A_326, %add3A_327, %rem3A_319 : i32
      %broadcast_in_dim3A_329 = arith.constant 0.000000e+00 : f32
      %broadcast_in_dim3A_330 = vector.broadcast %broadcast_in_dim3A_329 : f32 to vector<16xf32>
      %mul3A_331 = arith.constant 16 : i32
      %mul3A_332 = arith.muli %select_n3A_328, %mul3A_331 : i32
      %swap3A_333 = arith.index_cast %select_n3A : i32 to index
      %swap3A_334 = arith.index_cast %mul3A_332 : i32 to index
      %swap3A_335 = tpu.vector_load %arg9[%swap3A_333, %swap3A_334] {strides = array<i32>} : memref<80x128xf32, #tpu.memory_space<vmem>>, vector<16xf32>,
      tpu.vector_store %arg9[%swap3A_333, %swap3A_334], %broadcast_in_dim3A_330 {strides = array<i32>} : memref<80x128xf32, #tpu.memory_space<vmem>>, vector<16xf32>,
    }
    %scan3A_137 = arith.constant 512 : i32
    %mul3A_138 = arith.constant 640 : i32
    %mul3A_139 = arith.muli %arg1, %mul3A_138 : i32
    %add3A_140 = arith.constant 0 : i32
    %add3A_141 = arith.addi %mul3A_139, %add3A_140 : i32
    "tpu.region"() ({
      %run_scoped3A = tpu.sem_alloc : memref<!tpu.dma_semaphore, #tpu.memory_space<semaphore_mem>>
      %dma_start3A_297 = arith.constant 0 : i32
      %dma_start3A_298 = arith.constant 0 : i32
      %dma_start3A_299 = tpu.memref_slice %arg9[%dma_start3A_297, %dma_start3A_298] : memref<80x128xf32, #tpu.memory_space<vmem>> -> memref<64x128xf32, #tpu.memory_space<vmem>>
      %dma_start3A_300 = arith.constant 0 : i32
      %dma_start3A_301 = tpu.memref_slice %arg5[%add3A_141, %dma_start3A_300] : memref<10240x128xf32, #tpu.memory_space<vmem_shared>> -> memref<64x128xf32, #tpu.memory_space<vmem_shared>>
      %dma_start3A_302 = arith.constant 0 : i32
      %dma_start3A_303 = tpu.memref_slice %arg5[%add3A_141, %dma_start3A_302] : memref<10240x128xf32, #tpu.memory_space<vmem_shared>> -> memref<64x128xf32, #tpu.memory_space<vmem_shared>>
      %dma_start3A_304 = arith.constant 0 : i32
      %dma_start3A_305 = arith.constant 0 : i32
      %dma_start3A_306 = tpu.memref_slice %arg9[%dma_start3A_304, %dma_start3A_305] : memref<80x128xf32, #tpu.memory_space<vmem>> -> memref<64x128xf32, #tpu.memory_space<vmem>>
      tpu.enqueue_dma source(%dma_start3A_306 : memref<64x128xf32, #tpu.memory_space<vmem>>) target(%dma_start3A_303 : memref<64x128xf32, #tpu.memory_space<vmem_shared>>) target_semaphore(%run_scoped3A : memref<!tpu.dma_semaphore, #tpu.memory_space<semaphore_mem>>)
      %dma_wait3A_307 = arith.constant 0 : i32
      %dma_wait3A_308 = arith.constant 0 : i32
      %dma_wait3A_309 = tpu.memref_slice %arg9[%dma_wait3A_307, %dma_wait3A_308] : memref<80x128xf32, #tpu.memory_space<vmem>> -> memref<64x128xf32, #tpu.memory_space<vmem>>
      %dma_wait3A_310 = arith.constant 0 : i32
      %dma_wait3A_311 = tpu.memref_slice %arg5[%add3A_141, %dma_wait3A_310] : memref<10240x128xf32, #tpu.memory_space<vmem_shared>> -> memref<64x128xf32, #tpu.memory_space<vmem_shared>>
      %dma_wait3A_312 = arith.constant 0 : i32
      %dma_wait3A_313 = tpu.memref_slice %arg5[%add3A_141, %dma_wait3A_312] : memref<10240x128xf32, #tpu.memory_space<vmem_shared>> -> memref<64x128xf32, #tpu.memory_space<vmem_shared>>
      %dma_wait3A_314 = arith.constant 0 : i32
      %dma_wait3A_315 = arith.constant 0 : i32
      %dma_wait3A_316 = tpu.memref_slice %arg9[%dma_wait3A_314, %dma_wait3A_315] : memref<80x128xf32, #tpu.memory_space<vmem>> -> memref<64x128xf32, #tpu.memory_space<vmem>>
      tpu.wait_dma2 semaphore(%run_scoped3A : memref<!tpu.dma_semaphore, #tpu.memory_space<semaphore_mem>>) src(%dma_wait3A_316 : memref<64x128xf32, #tpu.memory_space<vmem>>) dst(%dma_wait3A_313 : memref<64x128xf32, #tpu.memory_space<vmem_shared>>)
      tpu.yield
    }) : () -> ()
    %mul3A_142 = arith.constant 640 : i32
    %mul3A_143 = arith.muli %arg1, %mul3A_142 : i32
    %add3A_144 = arith.constant 64 : i32
    %add3A_145 = arith.addi %mul3A_143, %add3A_144 : i32
    "tpu.region"() ({
      %run_scoped3A = tpu.sem_alloc : memref<!tpu.dma_semaphore, #tpu.memory_space<semaphore_mem>>
      %dma_start3A_297 = arith.constant 0 : i32
      %dma_start3A_298 = arith.constant 0 : i32
      %dma_start3A_299 = tpu.memref_slice %arg9[%dma_start3A_297, %dma_start3A_298] : memref<80x128xf32, #tpu.memory_space<vmem>> -> memref<64x128xf32, #tpu.memory_space<vmem>>
      %dma_start3A_300 = arith.constant 0 : i32
      %dma_start3A_301 = tpu.memref_slice %arg5[%add3A_145, %dma_start3A_300] : memref<10240x128xf32, #tpu.memory_space<vmem_shared>> -> memref<64x128xf32, #tpu.memory_space<vmem_shared>>
      %dma_start3A_302 = arith.constant 0 : i32
      %dma_start3A_303 = tpu.memref_slice %arg5[%add3A_145, %dma_start3A_302] : memref<10240x128xf32, #tpu.memory_space<vmem_shared>> -> memref<64x128xf32, #tpu.memory_space<vmem_shared>>
      %dma_start3A_304 = arith.constant 0 : i32
      %dma_start3A_305 = arith.constant 0 : i32
      %dma_start3A_306 = tpu.memref_slice %arg9[%dma_start3A_304, %dma_start3A_305] : memref<80x128xf32, #tpu.memory_space<vmem>> -> memref<64x128xf32, #tpu.memory_space<vmem>>
      tpu.enqueue_dma source(%dma_start3A_306 : memref<64x128xf32, #tpu.memory_space<vmem>>) target(%dma_start3A_303 : memref<64x128xf32, #tpu.memory_space<vmem_shared>>) target_semaphore(%run_scoped3A : memref<!tpu.dma_semaphore, #tpu.memory_space<semaphore_mem>>)
      %dma_wait3A_307 = arith.constant 0 : i32
      %dma_wait3A_308 = arith.constant 0 : i32
      %dma_wait3A_309 = tpu.memref_slice %arg9[%dma_wait3A_307, %dma_wait3A_308] : memref<80x128xf32, #tpu.memory_space<vmem>> -> memref<64x128xf32, #tpu.memory_space<vmem>>
      %dma_wait3A_310 = arith.constant 0 : i32
      %dma_wait3A_311 = tpu.memref_slice %arg5[%add3A_145, %dma_wait3A_310] : memref<10240x128xf32, #tpu.memory_space<vmem_shared>> -> memref<64x128xf32, #tpu.memory_space<vmem_shared>>
      %dma_wait3A_312 = arith.constant 0 : i32
      %dma_wait3A_313 = tpu.memref_slice %arg5[%add3A_145, %dma_wait3A_312] : memref<10240x128xf32, #tpu.memory_space<vmem_shared>> -> memref<64x128xf32, #tpu.memory_space<vmem_shared>>
      %dma_wait3A_314 = arith.constant 0 : i32
      %dma_wait3A_315 = arith.constant 0 : i32
      %dma_wait3A_316 = tpu.memref_slice %arg9[%dma_wait3A_314, %dma_wait3A_315] : memref<80x128xf32, #tpu.memory_space<vmem>> -> memref<64x128xf32, #tpu.memory_space<vmem>>
      tpu.wait_dma2 semaphore(%run_scoped3A : memref<!tpu.dma_semaphore, #tpu.memory_space<semaphore_mem>>) src(%dma_wait3A_316 : memref<64x128xf32, #tpu.memory_space<vmem>>) dst(%dma_wait3A_313 : memref<64x128xf32, #tpu.memory_space<vmem_shared>>)
      tpu.yield
    }) : () -> ()
    %mul3A_146 = arith.constant 640 : i32
    %mul3A_147 = arith.muli %arg1, %mul3A_146 : i32
    %add3A_148 = arith.constant 128 : i32
    %add3A_149 = arith.addi %mul3A_147, %add3A_148 : i32
    "tpu.region"() ({
      %run_scoped3A = tpu.sem_alloc : memref<!tpu.dma_semaphore, #tpu.memory_space<semaphore_mem>>
      %dma_start3A_297 = arith.constant 0 : i32
      %dma_start3A_298 = arith.constant 0 : i32
      %dma_start3A_299 = tpu.memref_slice %arg9[%dma_start3A_297, %dma_start3A_298] : memref<80x128xf32, #tpu.memory_space<vmem>> -> memref<64x128xf32, #tpu.memory_space<vmem>>
      %dma_start3A_300 = arith.constant 0 : i32
      %dma_start3A_301 = tpu.memref_slice %arg5[%add3A_149, %dma_start3A_300] : memref<10240x128xf32, #tpu.memory_space<vmem_shared>> -> memref<64x128xf32, #tpu.memory_space<vmem_shared>>
      %dma_start3A_302 = arith.constant 0 : i32
      %dma_start3A_303 = tpu.memref_slice %arg5[%add3A_149, %dma_start3A_302] : memref<10240x128xf32, #tpu.memory_space<vmem_shared>> -> memref<64x128xf32, #tpu.memory_space<vmem_shared>>
      %dma_start3A_304 = arith.constant 0 : i32
      %dma_start3A_305 = arith.constant 0 : i32
      %dma_start3A_306 = tpu.memref_slice %arg9[%dma_start3A_304, %dma_start3A_305] : memref<80x128xf32, #tpu.memory_space<vmem>> -> memref<64x128xf32, #tpu.memory_space<vmem>>
      tpu.enqueue_dma source(%dma_start3A_306 : memref<64x128xf32, #tpu.memory_space<vmem>>) target(%dma_start3A_303 : memref<64x128xf32, #tpu.memory_space<vmem_shared>>) target_semaphore(%run_scoped3A : memref<!tpu.dma_semaphore, #tpu.memory_space<semaphore_mem>>)
      %dma_wait3A_307 = arith.constant 0 : i32
      %dma_wait3A_308 = arith.constant 0 : i32
      %dma_wait3A_309 = tpu.memref_slice %arg9[%dma_wait3A_307, %dma_wait3A_308] : memref<80x128xf32, #tpu.memory_space<vmem>> -> memref<64x128xf32, #tpu.memory_space<vmem>>
      %dma_wait3A_310 = arith.constant 0 : i32
      %dma_wait3A_311 = tpu.memref_slice %arg5[%add3A_149, %dma_wait3A_310] : memref<10240x128xf32, #tpu.memory_space<vmem_shared>> -> memref<64x128xf32, #tpu.memory_space<vmem_shared>>
      %dma_wait3A_312 = arith.constant 0 : i32
      %dma_wait3A_313 = tpu.memref_slice %arg5[%add3A_149, %dma_wait3A_312] : memref<10240x128xf32, #tpu.memory_space<vmem_shared>> -> memref<64x128xf32, #tpu.memory_space<vmem_shared>>
      %dma_wait3A_314 = arith.constant 0 : i32
      %dma_wait3A_315 = arith.constant 0 : i32
      %dma_wait3A_316 = tpu.memref_slice %arg9[%dma_wait3A_314, %dma_wait3A_315] : memref<80x128xf32, #tpu.memory_space<vmem>> -> memref<64x128xf32, #tpu.memory_space<vmem>>
      tpu.wait_dma2 semaphore(%run_scoped3A : memref<!tpu.dma_semaphore, #tpu.memory_space<semaphore_mem>>) src(%dma_wait3A_316 : memref<64x128xf32, #tpu.memory_space<vmem>>) dst(%dma_wait3A_313 : memref<64x128xf32, #tpu.memory_space<vmem_shared>>)
      tpu.yield
    }) : () -> ()
    %mul3A_150 = arith.constant 640 : i32
    %mul3A_151 = arith.muli %arg1, %mul3A_150 : i32
    %add3A_152 = arith.constant 192 : i32
    %add3A_153 = arith.addi %mul3A_151, %add3A_152 : i32
    "tpu.region"() ({
      %run_scoped3A = tpu.sem_alloc : memref<!tpu.dma_semaphore, #tpu.memory_space<semaphore_mem>>
      %dma_start3A_297 = arith.constant 0 : i32
      %dma_start3A_298 = arith.constant 0 : i32
      %dma_start3A_299 = tpu.memref_slice %arg9[%dma_start3A_297, %dma_start3A_298] : memref<80x128xf32, #tpu.memory_space<vmem>> -> memref<64x128xf32, #tpu.memory_space<vmem>>
      %dma_start3A_300 = arith.constant 0 : i32
      %dma_start3A_301 = tpu.memref_slice %arg5[%add3A_153, %dma_start3A_300] : memref<10240x128xf32, #tpu.memory_space<vmem_shared>> -> memref<64x128xf32, #tpu.memory_space<vmem_shared>>
      %dma_start3A_302 = arith.constant 0 : i32
      %dma_start3A_303 = tpu.memref_slice %arg5[%add3A_153, %dma_start3A_302] : memref<10240x128xf32, #tpu.memory_space<vmem_shared>> -> memref<64x128xf32, #tpu.memory_space<vmem_shared>>
      %dma_start3A_304 = arith.constant 0 : i32
      %dma_start3A_305 = arith.constant 0 : i32
      %dma_start3A_306 = tpu.memref_slice %arg9[%dma_start3A_304, %dma_start3A_305] : memref<80x128xf32, #tpu.memory_space<vmem>> -> memref<64x128xf32, #tpu.memory_space<vmem>>
      tpu.enqueue_dma source(%dma_start3A_306 : memref<64x128xf32, #tpu.memory_space<vmem>>) target(%dma_start3A_303 : memref<64x128xf32, #tpu.memory_space<vmem_shared>>) target_semaphore(%run_scoped3A : memref<!tpu.dma_semaphore, #tpu.memory_space<semaphore_mem>>)
      %dma_wait3A_307 = arith.constant 0 : i32
      %dma_wait3A_308 = arith.constant 0 : i32
      %dma_wait3A_309 = tpu.memref_slice %arg9[%dma_wait3A_307, %dma_wait3A_308] : memref<80x128xf32, #tpu.memory_space<vmem>> -> memref<64x128xf32, #tpu.memory_space<vmem>>
      %dma_wait3A_310 = arith.constant 0 : i32
      %dma_wait3A_311 = tpu.memref_slice %arg5[%add3A_153, %dma_wait3A_310] : memref<10240x128xf32, #tpu.memory_space<vmem_shared>> -> memref<64x128xf32, #tpu.memory_space<vmem_shared>>
      %dma_wait3A_312 = arith.constant 0 : i32
      %dma_wait3A_313 = tpu.memref_slice %arg5[%add3A_153, %dma_wait3A_312] : memref<10240x128xf32, #tpu.memory_space<vmem_shared>> -> memref<64x128xf32, #tpu.memory_space<vmem_shared>>
      %dma_wait3A_314 = arith.constant 0 : i32
      %dma_wait3A_315 = arith.constant 0 : i32
      %dma_wait3A_316 = tpu.memref_slice %arg9[%dma_wait3A_314, %dma_wait3A_315] : memref<80x128xf32, #tpu.memory_space<vmem>> -> memref<64x128xf32, #tpu.memory_space<vmem>>
      tpu.wait_dma2 semaphore(%run_scoped3A : memref<!tpu.dma_semaphore, #tpu.memory_space<semaphore_mem>>) src(%dma_wait3A_316 : memref<64x128xf32, #tpu.memory_space<vmem>>) dst(%dma_wait3A_313 : memref<64x128xf32, #tpu.memory_space<vmem_shared>>)
      tpu.yield
    }) : () -> ()
    %mul3A_154 = arith.constant 640 : i32
    %mul3A_155 = arith.muli %arg1, %mul3A_154 : i32
    %add3A_156 = arith.constant 256 : i32
    %add3A_157 = arith.addi %mul3A_155, %add3A_156 : i32
    "tpu.region"() ({
      %run_scoped3A = tpu.sem_alloc : memref<!tpu.dma_semaphore, #tpu.memory_space<semaphore_mem>>
      %dma_start3A_297 = arith.constant 0 : i32
      %dma_start3A_298 = arith.constant 0 : i32
      %dma_start3A_299 = tpu.memref_slice %arg9[%dma_start3A_297, %dma_start3A_298] : memref<80x128xf32, #tpu.memory_space<vmem>> -> memref<64x128xf32, #tpu.memory_space<vmem>>
      %dma_start3A_300 = arith.constant 0 : i32
      %dma_start3A_301 = tpu.memref_slice %arg5[%add3A_157, %dma_start3A_300] : memref<10240x128xf32, #tpu.memory_space<vmem_shared>> -> memref<64x128xf32, #tpu.memory_space<vmem_shared>>
      %dma_start3A_302 = arith.constant 0 : i32
      %dma_start3A_303 = tpu.memref_slice %arg5[%add3A_157, %dma_start3A_302] : memref<10240x128xf32, #tpu.memory_space<vmem_shared>> -> memref<64x128xf32, #tpu.memory_space<vmem_shared>>
      %dma_start3A_304 = arith.constant 0 : i32
      %dma_start3A_305 = arith.constant 0 : i32
      %dma_start3A_306 = tpu.memref_slice %arg9[%dma_start3A_304, %dma_start3A_305] : memref<80x128xf32, #tpu.memory_space<vmem>> -> memref<64x128xf32, #tpu.memory_space<vmem>>
      tpu.enqueue_dma source(%dma_start3A_306 : memref<64x128xf32, #tpu.memory_space<vmem>>) target(%dma_start3A_303 : memref<64x128xf32, #tpu.memory_space<vmem_shared>>) target_semaphore(%run_scoped3A : memref<!tpu.dma_semaphore, #tpu.memory_space<semaphore_mem>>)
      %dma_wait3A_307 = arith.constant 0 : i32
      %dma_wait3A_308 = arith.constant 0 : i32
      %dma_wait3A_309 = tpu.memref_slice %arg9[%dma_wait3A_307, %dma_wait3A_308] : memref<80x128xf32, #tpu.memory_space<vmem>> -> memref<64x128xf32, #tpu.memory_space<vmem>>
      %dma_wait3A_310 = arith.constant 0 : i32
      %dma_wait3A_311 = tpu.memref_slice %arg5[%add3A_157, %dma_wait3A_310] : memref<10240x128xf32, #tpu.memory_space<vmem_shared>> -> memref<64x128xf32, #tpu.memory_space<vmem_shared>>
      %dma_wait3A_312 = arith.constant 0 : i32
      %dma_wait3A_313 = tpu.memref_slice %arg5[%add3A_157, %dma_wait3A_312] : memref<10240x128xf32, #tpu.memory_space<vmem_shared>> -> memref<64x128xf32, #tpu.memory_space<vmem_shared>>
      %dma_wait3A_314 = arith.constant 0 : i32
      %dma_wait3A_315 = arith.constant 0 : i32
      %dma_wait3A_316 = tpu.memref_slice %arg9[%dma_wait3A_314, %dma_wait3A_315] : memref<80x128xf32, #tpu.memory_space<vmem>> -> memref<64x128xf32, #tpu.memory_space<vmem>>
      tpu.wait_dma2 semaphore(%run_scoped3A : memref<!tpu.dma_semaphore, #tpu.memory_space<semaphore_mem>>) src(%dma_wait3A_316 : memref<64x128xf32, #tpu.memory_space<vmem>>) dst(%dma_wait3A_313 : memref<64x128xf32, #tpu.memory_space<vmem_shared>>)
      tpu.yield
    }) : () -> ()
    %mul3A_158 = arith.constant 640 : i32
    %mul3A_159 = arith.muli %arg1, %mul3A_158 : i32
    %add3A_160 = arith.constant 320 : i32
    %add3A_161 = arith.addi %mul3A_159, %add3A_160 : i32
    "tpu.region"() ({
      %run_scoped3A = tpu.sem_alloc : memref<!tpu.dma_semaphore, #tpu.memory_space<semaphore_mem>>
      %dma_start3A_297 = arith.constant 0 : i32
      %dma_start3A_298 = arith.constant 0 : i32
      %dma_start3A_299 = tpu.memref_slice %arg9[%dma_start3A_297, %dma_start3A_298] : memref<80x128xf32, #tpu.memory_space<vmem>> -> memref<64x128xf32, #tpu.memory_space<vmem>>
      %dma_start3A_300 = arith.constant 0 : i32
      %dma_start3A_301 = tpu.memref_slice %arg5[%add3A_161, %dma_start3A_300] : memref<10240x128xf32, #tpu.memory_space<vmem_shared>> -> memref<64x128xf32, #tpu.memory_space<vmem_shared>>
      %dma_start3A_302 = arith.constant 0 : i32
      %dma_start3A_303 = tpu.memref_slice %arg5[%add3A_161, %dma_start3A_302] : memref<10240x128xf32, #tpu.memory_space<vmem_shared>> -> memref<64x128xf32, #tpu.memory_space<vmem_shared>>
      %dma_start3A_304 = arith.constant 0 : i32
      %dma_start3A_305 = arith.constant 0 : i32
      %dma_start3A_306 = tpu.memref_slice %arg9[%dma_start3A_304, %dma_start3A_305] : memref<80x128xf32, #tpu.memory_space<vmem>> -> memref<64x128xf32, #tpu.memory_space<vmem>>
      tpu.enqueue_dma source(%dma_start3A_306 : memref<64x128xf32, #tpu.memory_space<vmem>>) target(%dma_start3A_303 : memref<64x128xf32, #tpu.memory_space<vmem_shared>>) target_semaphore(%run_scoped3A : memref<!tpu.dma_semaphore, #tpu.memory_space<semaphore_mem>>)
      %dma_wait3A_307 = arith.constant 0 : i32
      %dma_wait3A_308 = arith.constant 0 : i32
      %dma_wait3A_309 = tpu.memref_slice %arg9[%dma_wait3A_307, %dma_wait3A_308] : memref<80x128xf32, #tpu.memory_space<vmem>> -> memref<64x128xf32, #tpu.memory_space<vmem>>
      %dma_wait3A_310 = arith.constant 0 : i32
      %dma_wait3A_311 = tpu.memref_slice %arg5[%add3A_161, %dma_wait3A_310] : memref<10240x128xf32, #tpu.memory_space<vmem_shared>> -> memref<64x128xf32, #tpu.memory_space<vmem_shared>>
      %dma_wait3A_312 = arith.constant 0 : i32
      %dma_wait3A_313 = tpu.memref_slice %arg5[%add3A_161, %dma_wait3A_312] : memref<10240x128xf32, #tpu.memory_space<vmem_shared>> -> memref<64x128xf32, #tpu.memory_space<vmem_shared>>
      %dma_wait3A_314 = arith.constant 0 : i32
      %dma_wait3A_315 = arith.constant 0 : i32
      %dma_wait3A_316 = tpu.memref_slice %arg9[%dma_wait3A_314, %dma_wait3A_315] : memref<80x128xf32, #tpu.memory_space<vmem>> -> memref<64x128xf32, #tpu.memory_space<vmem>>
      tpu.wait_dma2 semaphore(%run_scoped3A : memref<!tpu.dma_semaphore, #tpu.memory_space<semaphore_mem>>) src(%dma_wait3A_316 : memref<64x128xf32, #tpu.memory_space<vmem>>) dst(%dma_wait3A_313 : memref<64x128xf32, #tpu.memory_space<vmem_shared>>)
      tpu.yield
    }) : () -> ()
    %mul3A_162 = arith.constant 640 : i32
    %mul3A_163 = arith.muli %arg1, %mul3A_162 : i32
    %add3A_164 = arith.constant 384 : i32
    %add3A_165 = arith.addi %mul3A_163, %add3A_164 : i32
    "tpu.region"() ({
      %run_scoped3A = tpu.sem_alloc : memref<!tpu.dma_semaphore, #tpu.memory_space<semaphore_mem>>
      %dma_start3A_297 = arith.constant 0 : i32
      %dma_start3A_298 = arith.constant 0 : i32
      %dma_start3A_299 = tpu.memref_slice %arg9[%dma_start3A_297, %dma_start3A_298] : memref<80x128xf32, #tpu.memory_space<vmem>> -> memref<64x128xf32, #tpu.memory_space<vmem>>
      %dma_start3A_300 = arith.constant 0 : i32
      %dma_start3A_301 = tpu.memref_slice %arg5[%add3A_165, %dma_start3A_300] : memref<10240x128xf32, #tpu.memory_space<vmem_shared>> -> memref<64x128xf32, #tpu.memory_space<vmem_shared>>
      %dma_start3A_302 = arith.constant 0 : i32
      %dma_start3A_303 = tpu.memref_slice %arg5[%add3A_165, %dma_start3A_302] : memref<10240x128xf32, #tpu.memory_space<vmem_shared>> -> memref<64x128xf32, #tpu.memory_space<vmem_shared>>
      %dma_start3A_304 = arith.constant 0 : i32
      %dma_start3A_305 = arith.constant 0 : i32
      %dma_start3A_306 = tpu.memref_slice %arg9[%dma_start3A_304, %dma_start3A_305] : memref<80x128xf32, #tpu.memory_space<vmem>> -> memref<64x128xf32, #tpu.memory_space<vmem>>
      tpu.enqueue_dma source(%dma_start3A_306 : memref<64x128xf32, #tpu.memory_space<vmem>>) target(%dma_start3A_303 : memref<64x128xf32, #tpu.memory_space<vmem_shared>>) target_semaphore(%run_scoped3A : memref<!tpu.dma_semaphore, #tpu.memory_space<semaphore_mem>>)
      %dma_wait3A_307 = arith.constant 0 : i32
      %dma_wait3A_308 = arith.constant 0 : i32
      %dma_wait3A_309 = tpu.memref_slice %arg9[%dma_wait3A_307, %dma_wait3A_308] : memref<80x128xf32, #tpu.memory_space<vmem>> -> memref<64x128xf32, #tpu.memory_space<vmem>>
      %dma_wait3A_310 = arith.constant 0 : i32
      %dma_wait3A_311 = tpu.memref_slice %arg5[%add3A_165, %dma_wait3A_310] : memref<10240x128xf32, #tpu.memory_space<vmem_shared>> -> memref<64x128xf32, #tpu.memory_space<vmem_shared>>
      %dma_wait3A_312 = arith.constant 0 : i32
      %dma_wait3A_313 = tpu.memref_slice %arg5[%add3A_165, %dma_wait3A_312] : memref<10240x128xf32, #tpu.memory_space<vmem_shared>> -> memref<64x128xf32, #tpu.memory_space<vmem_shared>>
      %dma_wait3A_314 = arith.constant 0 : i32
      %dma_wait3A_315 = arith.constant 0 : i32
      %dma_wait3A_316 = tpu.memref_slice %arg9[%dma_wait3A_314, %dma_wait3A_315] : memref<80x128xf32, #tpu.memory_space<vmem>> -> memref<64x128xf32, #tpu.memory_space<vmem>>
      tpu.wait_dma2 semaphore(%run_scoped3A : memref<!tpu.dma_semaphore, #tpu.memory_space<semaphore_mem>>) src(%dma_wait3A_316 : memref<64x128xf32, #tpu.memory_space<vmem>>) dst(%dma_wait3A_313 : memref<64x128xf32, #tpu.memory_space<vmem_shared>>)
      tpu.yield
    }) : () -> ()
    %mul3A_166 = arith.constant 640 : i32
    %mul3A_167 = arith.muli %arg1, %mul3A_166 : i32
    %add3A_168 = arith.constant 448 : i32
    %add3A_169 = arith.addi %mul3A_167, %add3A_168 : i32
    "tpu.region"() ({
      %run_scoped3A = tpu.sem_alloc : memref<!tpu.dma_semaphore, #tpu.memory_space<semaphore_mem>>
      %dma_start3A_297 = arith.constant 0 : i32
      %dma_start3A_298 = arith.constant 0 : i32
      %dma_start3A_299 = tpu.memref_slice %arg9[%dma_start3A_297, %dma_start3A_298] : memref<80x128xf32, #tpu.memory_space<vmem>> -> memref<64x128xf32, #tpu.memory_space<vmem>>
      %dma_start3A_300 = arith.constant 0 : i32
      %dma_start3A_301 = tpu.memref_slice %arg5[%add3A_169, %dma_start3A_300] : memref<10240x128xf32, #tpu.memory_space<vmem_shared>> -> memref<64x128xf32, #tpu.memory_space<vmem_shared>>
      %dma_start3A_302 = arith.constant 0 : i32
      %dma_start3A_303 = tpu.memref_slice %arg5[%add3A_169, %dma_start3A_302] : memref<10240x128xf32, #tpu.memory_space<vmem_shared>> -> memref<64x128xf32, #tpu.memory_space<vmem_shared>>
      %dma_start3A_304 = arith.constant 0 : i32
      %dma_start3A_305 = arith.constant 0 : i32
      %dma_start3A_306 = tpu.memref_slice %arg9[%dma_start3A_304, %dma_start3A_305] : memref<80x128xf32, #tpu.memory_space<vmem>> -> memref<64x128xf32, #tpu.memory_space<vmem>>
      tpu.enqueue_dma source(%dma_start3A_306 : memref<64x128xf32, #tpu.memory_space<vmem>>) target(%dma_start3A_303 : memref<64x128xf32, #tpu.memory_space<vmem_shared>>) target_semaphore(%run_scoped3A : memref<!tpu.dma_semaphore, #tpu.memory_space<semaphore_mem>>)
      %dma_wait3A_307 = arith.constant 0 : i32
      %dma_wait3A_308 = arith.constant 0 : i32
      %dma_wait3A_309 = tpu.memref_slice %arg9[%dma_wait3A_307, %dma_wait3A_308] : memref<80x128xf32, #tpu.memory_space<vmem>> -> memref<64x128xf32, #tpu.memory_space<vmem>>
      %dma_wait3A_310 = arith.constant 0 : i32
      %dma_wait3A_311 = tpu.memref_slice %arg5[%add3A_169, %dma_wait3A_310] : memref<10240x128xf32, #tpu.memory_space<vmem_shared>> -> memref<64x128xf32, #tpu.memory_space<vmem_shared>>
      %dma_wait3A_312 = arith.constant 0 : i32
      %dma_wait3A_313 = tpu.memref_slice %arg5[%add3A_169, %dma_wait3A_312] : memref<10240x128xf32, #tpu.memory_space<vmem_shared>> -> memref<64x128xf32, #tpu.memory_space<vmem_shared>>
      %dma_wait3A_314 = arith.constant 0 : i32
      %dma_wait3A_315 = arith.constant 0 : i32
      %dma_wait3A_316 = tpu.memref_slice %arg9[%dma_wait3A_314, %dma_wait3A_315] : memref<80x128xf32, #tpu.memory_space<vmem>> -> memref<64x128xf32, #tpu.memory_space<vmem>>
      tpu.wait_dma2 semaphore(%run_scoped3A : memref<!tpu.dma_semaphore, #tpu.memory_space<semaphore_mem>>) src(%dma_wait3A_316 : memref<64x128xf32, #tpu.memory_space<vmem>>) dst(%dma_wait3A_313 : memref<64x128xf32, #tpu.memory_space<vmem_shared>>)
      tpu.yield
    }) : () -> ()
    %mul3A_170 = arith.constant 640 : i32
    %mul3A_171 = arith.muli %arg1, %mul3A_170 : i32
    %add3A_172 = arith.constant 512 : i32
    %add3A_173 = arith.addi %mul3A_171, %add3A_172 : i32
    "tpu.region"() ({
      %run_scoped3A = tpu.sem_alloc : memref<!tpu.dma_semaphore, #tpu.memory_space<semaphore_mem>>
      %dma_start3A_297 = arith.constant 0 : i32
      %dma_start3A_298 = arith.constant 0 : i32
      %dma_start3A_299 = tpu.memref_slice %arg9[%dma_start3A_297, %dma_start3A_298] : memref<80x128xf32, #tpu.memory_space<vmem>> -> memref<64x128xf32, #tpu.memory_space<vmem>>
      %dma_start3A_300 = arith.constant 0 : i32
      %dma_start3A_301 = tpu.memref_slice %arg5[%add3A_173, %dma_start3A_300] : memref<10240x128xf32, #tpu.memory_space<vmem_shared>> -> memref<64x128xf32, #tpu.memory_space<vmem_shared>>
      %dma_start3A_302 = arith.constant 0 : i32
      %dma_start3A_303 = tpu.memref_slice %arg5[%add3A_173, %dma_start3A_302] : memref<10240x128xf32, #tpu.memory_space<vmem_shared>> -> memref<64x128xf32, #tpu.memory_space<vmem_shared>>
      %dma_start3A_304 = arith.constant 0 : i32
      %dma_start3A_305 = arith.constant 0 : i32
      %dma_start3A_306 = tpu.memref_slice %arg9[%dma_start3A_304, %dma_start3A_305] : memref<80x128xf32, #tpu.memory_space<vmem>> -> memref<64x128xf32, #tpu.memory_space<vmem>>
      tpu.enqueue_dma source(%dma_start3A_306 : memref<64x128xf32, #tpu.memory_space<vmem>>) target(%dma_start3A_303 : memref<64x128xf32, #tpu.memory_space<vmem_shared>>) target_semaphore(%run_scoped3A : memref<!tpu.dma_semaphore, #tpu.memory_space<semaphore_mem>>)
      %dma_wait3A_307 = arith.constant 0 : i32
      %dma_wait3A_308 = arith.constant 0 : i32
      %dma_wait3A_309 = tpu.memref_slice %arg9[%dma_wait3A_307, %dma_wait3A_308] : memref<80x128xf32, #tpu.memory_space<vmem>> -> memref<64x128xf32, #tpu.memory_space<vmem>>
      %dma_wait3A_310 = arith.constant 0 : i32
      %dma_wait3A_311 = tpu.memref_slice %arg5[%add3A_173, %dma_wait3A_310] : memref<10240x128xf32, #tpu.memory_space<vmem_shared>> -> memref<64x128xf32, #tpu.memory_space<vmem_shared>>
      %dma_wait3A_312 = arith.constant 0 : i32
      %dma_wait3A_313 = tpu.memref_slice %arg5[%add3A_173, %dma_wait3A_312] : memref<10240x128xf32, #tpu.memory_space<vmem_shared>> -> memref<64x128xf32, #tpu.memory_space<vmem_shared>>
      %dma_wait3A_314 = arith.constant 0 : i32
      %dma_wait3A_315 = arith.constant 0 : i32
      %dma_wait3A_316 = tpu.memref_slice %arg9[%dma_wait3A_314, %dma_wait3A_315] : memref<80x128xf32, #tpu.memory_space<vmem>> -> memref<64x128xf32, #tpu.memory_space<vmem>>
      tpu.wait_dma2 semaphore(%run_scoped3A : memref<!tpu.dma_semaphore, #tpu.memory_space<semaphore_mem>>) src(%dma_wait3A_316 : memref<64x128xf32, #tpu.memory_space<vmem>>) dst(%dma_wait3A_313 : memref<64x128xf32, #tpu.memory_space<vmem_shared>>)
      tpu.yield
    }) : () -> ()
    %mul3A_174 = arith.constant 640 : i32
    %mul3A_175 = arith.muli %arg1, %mul3A_174 : i32
    %add3A_176 = arith.constant 576 : i32
    %add3A_177 = arith.addi %mul3A_175, %add3A_176 : i32
    "tpu.region"() ({
      %run_scoped3A = tpu.sem_alloc : memref<!tpu.dma_semaphore, #tpu.memory_space<semaphore_mem>>
      %dma_start3A_297 = arith.constant 0 : i32
      %dma_start3A_298 = arith.constant 0 : i32
      %dma_start3A_299 = tpu.memref_slice %arg9[%dma_start3A_297, %dma_start3A_298] : memref<80x128xf32, #tpu.memory_space<vmem>> -> memref<64x128xf32, #tpu.memory_space<vmem>>
      %dma_start3A_300 = arith.constant 0 : i32
      %dma_start3A_301 = tpu.memref_slice %arg5[%add3A_177, %dma_start3A_300] : memref<10240x128xf32, #tpu.memory_space<vmem_shared>> -> memref<64x128xf32, #tpu.memory_space<vmem_shared>>
      %dma_start3A_302 = arith.constant 0 : i32
      %dma_start3A_303 = tpu.memref_slice %arg5[%add3A_177, %dma_start3A_302] : memref<10240x128xf32, #tpu.memory_space<vmem_shared>> -> memref<64x128xf32, #tpu.memory_space<vmem_shared>>
      %dma_start3A_304 = arith.constant 0 : i32
      %dma_start3A_305 = arith.constant 0 : i32
      %dma_start3A_306 = tpu.memref_slice %arg9[%dma_start3A_304, %dma_start3A_305] : memref<80x128xf32, #tpu.memory_space<vmem>> -> memref<64x128xf32, #tpu.memory_space<vmem>>
      tpu.enqueue_dma source(%dma_start3A_306 : memref<64x128xf32, #tpu.memory_space<vmem>>) target(%dma_start3A_303 : memref<64x128xf32, #tpu.memory_space<vmem_shared>>) target_semaphore(%run_scoped3A : memref<!tpu.dma_semaphore, #tpu.memory_space<semaphore_mem>>)
      %dma_wait3A_307 = arith.constant 0 : i32
      %dma_wait3A_308 = arith.constant 0 : i32
      %dma_wait3A_309 = tpu.memref_slice %arg9[%dma_wait3A_307, %dma_wait3A_308] : memref<80x128xf32, #tpu.memory_space<vmem>> -> memref<64x128xf32, #tpu.memory_space<vmem>>
      %dma_wait3A_310 = arith.constant 0 : i32
      %dma_wait3A_311 = tpu.memref_slice %arg5[%add3A_177, %dma_wait3A_310] : memref<10240x128xf32, #tpu.memory_space<vmem_shared>> -> memref<64x128xf32, #tpu.memory_space<vmem_shared>>
      %dma_wait3A_312 = arith.constant 0 : i32
      %dma_wait3A_313 = tpu.memref_slice %arg5[%add3A_177, %dma_wait3A_312] : memref<10240x128xf32, #tpu.memory_space<vmem_shared>> -> memref<64x128xf32, #tpu.memory_space<vmem_shared>>
      %dma_wait3A_314 = arith.constant 0 : i32
      %dma_wait3A_315 = arith.constant 0 : i32
      %dma_wait3A_316 = tpu.memref_slice %arg9[%dma_wait3A_314, %dma_wait3A_315] : memref<80x128xf32, #tpu.memory_space<vmem>> -> memref<64x128xf32, #tpu.memory_space<vmem>>
      tpu.wait_dma2 semaphore(%run_scoped3A : memref<!tpu.dma_semaphore, #tpu.memory_space<semaphore_mem>>) src(%dma_wait3A_316 : memref<64x128xf32, #tpu.memory_space<vmem>>) dst(%dma_wait3A_313 : memref<64x128xf32, #tpu.memory_space<vmem_shared>>)
      tpu.yield
    }) : () -> ()
    %barrier3A = arith.constant 0 : index
    tpu.barrier barrier_id(%barrier3A)
    %dma_wait3A = arith.constant 0 : i32
    %dma_wait3A_178 = arith.constant 0 : i32
    %dma_wait3A_179 = tpu.memref_slice %arg10[%dma_wait3A, %dma_wait3A_178] : memref<1x80xi32, #tpu.memory_space<vmem>> -> memref<1x80xi32, #tpu.memory_space<vmem>>
    %dma_wait3A_180 = tpu.memref_squeeze %dma_wait3A_179 : memref<1x80xi32, #tpu.memory_space<vmem>> -> memref<80xi32, #tpu.memory_space<vmem>>
    %dma_wait3A_181 = arith.constant 0 : i32
    %dma_wait3A_182 = arith.constant 0 : i32
    %dma_wait3A_183 = tpu.memref_slice %arg2[%dma_wait3A_181, %dma_wait3A_182] : memref<10000x128xf32, #tpu.memory_space<hbm>> -> memref<10000x128xf32, #tpu.memory_space<hbm>>
    tpu.wait_indirect_dma semaphore(%arg16 : memref<!tpu.dma_semaphore, #tpu.memory_space<semaphore_mem>>) src(%dma_wait3A_183 : memref<10000x128xf32, #tpu.memory_space<hbm>>) dst(%arg7 : memref<80x128xf32, #tpu.memory_space<vmem>>)
    %dma_start3A_184 = arith.constant 0 : i32
    %dma_start3A_185 = arith.constant 0 : i32
    %dma_start3A_186 = tpu.memref_slice %arg13[%dma_start3A_184, %dma_start3A_185] : memref<1x80xi32, #tpu.memory_space<vmem>> -> memref<1x80xi32, #tpu.memory_space<vmem>>
    %dma_start3A_187 = tpu.memref_squeeze %dma_start3A_186 : memref<1x80xi32, #tpu.memory_space<vmem>> -> memref<80xi32, #tpu.memory_space<vmem>>
    %dma_start3A_188 = arith.constant 0 : i32
    %dma_start3A_189 = arith.constant 0 : i32
    %dma_start3A_190 = tpu.memref_slice %arg5[%dma_start3A_188, %dma_start3A_189] : memref<10240x128xf32, #tpu.memory_space<vmem_shared>> -> memref<10240x128xf32, #tpu.memory_space<vmem_shared>>
    tpu.enqueue_indirect_dma source(%arg7 : memref<80x128xf32, #tpu.memory_space<vmem>>) target(%dma_start3A_190 : memref<10240x128xf32, #tpu.memory_space<vmem_shared>>) offsets(%dma_start3A_187 : memref<80xi32, #tpu.memory_space<vmem>>) semaphore(%arg19 : memref<!tpu.dma_semaphore, #tpu.memory_space<semaphore_mem>>) {add = true}
    %get3A_191 = arith.constant 160 : index
    %get3A_192 = tpu.vector_load %arg6[%get3A_191] {strides = array<i32>} : memref<10000xi32, #tpu.memory_space<vmem>>, vector<16xi32>,
    %and3A_193 = arith.andi %get3A_192, %broadcast_in_dim3A_1 : vector<16xi32>
    %swap3A_194 = arith.constant 0 : i32
    %swap3A_195 = arith.index_cast %swap3A_194 : i32 to index
    %swap3A_196 = arith.constant 0 : index
    %swap3A_197 = tpu.vector_load %arg12[%swap3A_195, %swap3A_196] {strides = array<i32>} : memref<1x80xi32, #tpu.memory_space<vmem>>, vector<16xi32>,
    tpu.vector_store %arg12[%swap3A_195, %swap3A_196], %and3A_193 {strides = array<i32>} : memref<1x80xi32, #tpu.memory_space<vmem>>, vector<16xi32>,
    %shift_right_logical3A_198 = arith.shrui %get3A_192, %broadcast_in_dim3A_3 : vector<16xi32>
    %swap3A_199 = arith.constant 0 : i32
    %swap3A_200 = arith.index_cast %swap3A_199 : i32 to index
    %swap3A_201 = arith.constant 0 : index
    %swap3A_202 = tpu.vector_load %arg15[%swap3A_200, %swap3A_201] {strides = array<i32>} : memref<1x80xi32, #tpu.memory_space<vmem>>, vector<16xi32>,
    tpu.vector_store %arg15[%swap3A_200, %swap3A_201], %shift_right_logical3A_198 {strides = array<i32>} : memref<1x80xi32, #tpu.memory_space<vmem>>, vector<16xi32>,
    %get3A_203 = arith.constant 176 : index
    %get3A_204 = tpu.vector_load %arg6[%get3A_203] {strides = array<i32>} : memref<10000xi32, #tpu.memory_space<vmem>>, vector<16xi32>,
    %and3A_205 = arith.andi %get3A_204, %broadcast_in_dim3A_1 : vector<16xi32>
    %swap3A_206 = arith.constant 0 : i32
    %swap3A_207 = arith.index_cast %swap3A_206 : i32 to index
    %swap3A_208 = arith.constant 16 : index
    %swap3A_209 = tpu.vector_load %arg12[%swap3A_207, %swap3A_208] {strides = array<i32>} : memref<1x80xi32, #tpu.memory_space<vmem>>, vector<16xi32>,
    tpu.vector_store %arg12[%swap3A_207, %swap3A_208], %and3A_205 {strides = array<i32>} : memref<1x80xi32, #tpu.memory_space<vmem>>, vector<16xi32>,
    %shift_right_logical3A_210 = arith.shrui %get3A_204, %broadcast_in_dim3A_3 : vector<16xi32>
    %swap3A_211 = arith.constant 0 : i32
    %swap3A_212 = arith.index_cast %swap3A_211 : i32 to index
    %swap3A_213 = arith.constant 16 : index
    %swap3A_214 = tpu.vector_load %arg15[%swap3A_212, %swap3A_213] {strides = array<i32>} : memref<1x80xi32, #tpu.memory_space<vmem>>, vector<16xi32>,
    tpu.vector_store %arg15[%swap3A_212, %swap3A_213], %shift_right_logical3A_210 {strides = array<i32>} : memref<1x80xi32, #tpu.memory_space<vmem>>, vector<16xi32>,
    %get3A_215 = arith.constant 192 : index
    %get3A_216 = tpu.vector_load %arg6[%get3A_215] {strides = array<i32>} : memref<10000xi32, #tpu.memory_space<vmem>>, vector<16xi32>,
    %and3A_217 = arith.andi %get3A_216, %broadcast_in_dim3A_1 : vector<16xi32>
    %swap3A_218 = arith.constant 0 : i32
    %swap3A_219 = arith.index_cast %swap3A_218 : i32 to index
    %swap3A_220 = arith.constant 32 : index
    %swap3A_221 = tpu.vector_load %arg12[%swap3A_219, %swap3A_220] {strides = array<i32>} : memref<1x80xi32, #tpu.memory_space<vmem>>, vector<16xi32>,
    tpu.vector_store %arg12[%swap3A_219, %swap3A_220], %and3A_217 {strides = array<i32>} : memref<1x80xi32, #tpu.memory_space<vmem>>, vector<16xi32>,
    %shift_right_logical3A_222 = arith.shrui %get3A_216, %broadcast_in_dim3A_3 : vector<16xi32>
    %swap3A_223 = arith.constant 0 : i32
    %swap3A_224 = arith.index_cast %swap3A_223 : i32 to index
    %swap3A_225 = arith.constant 32 : index
    %swap3A_226 = tpu.vector_load %arg15[%swap3A_224, %swap3A_225] {strides = array<i32>} : memref<1x80xi32, #tpu.memory_space<vmem>>, vector<16xi32>,
    tpu.vector_store %arg15[%swap3A_224, %swap3A_225], %shift_right_logical3A_222 {strides = array<i32>} : memref<1x80xi32, #tpu.memory_space<vmem>>, vector<16xi32>,
    %get3A_227 = arith.constant 208 : index
    %get3A_228 = tpu.vector_load %arg6[%get3A_227] {strides = array<i32>} : memref<10000xi32, #tpu.memory_space<vmem>>, vector<16xi32>,
    %and3A_229 = arith.andi %get3A_228, %broadcast_in_dim3A_1 : vector<16xi32>
    %swap3A_230 = arith.constant 0 : i32
    %swap3A_231 = arith.index_cast %swap3A_230 : i32 to index
    %swap3A_232 = arith.constant 48 : index
    %swap3A_233 = tpu.vector_load %arg12[%swap3A_231, %swap3A_232] {strides = array<i32>} : memref<1x80xi32, #tpu.memory_space<vmem>>, vector<16xi32>,
    tpu.vector_store %arg12[%swap3A_231, %swap3A_232], %and3A_229 {strides = array<i32>} : memref<1x80xi32, #tpu.memory_space<vmem>>, vector<16xi32>,
    %shift_right_logical3A_234 = arith.shrui %get3A_228, %broadcast_in_dim3A_3 : vector<16xi32>
    %swap3A_235 = arith.constant 0 : i32
    %swap3A_236 = arith.index_cast %swap3A_235 : i32 to index
    %swap3A_237 = arith.constant 48 : index
    %swap3A_238 = tpu.vector_load %arg15[%swap3A_236, %swap3A_237] {strides = array<i32>} : memref<1x80xi32, #tpu.memory_space<vmem>>, vector<16xi32>,
    tpu.vector_store %arg15[%swap3A_236, %swap3A_237], %shift_right_logical3A_234 {strides = array<i32>} : memref<1x80xi32, #tpu.memory_space<vmem>>, vector<16xi32>,
    %get3A_239 = arith.constant 224 : index
    %get3A_240 = tpu.vector_load %arg6[%get3A_239] {strides = array<i32>} : memref<10000xi32, #tpu.memory_space<vmem>>, vector<16xi32>,
    %and3A_241 = arith.andi %get3A_240, %broadcast_in_dim3A_1 : vector<16xi32>
    %swap3A_242 = arith.constant 0 : i32
    %swap3A_243 = arith.index_cast %swap3A_242 : i32 to index
    %swap3A_244 = arith.constant 64 : index
    %swap3A_245 = tpu.vector_load %arg12[%swap3A_243, %swap3A_244] {strides = array<i32>} : memref<1x80xi32, #tpu.memory_space<vmem>>, vector<16xi32>,
    tpu.vector_store %arg12[%swap3A_243, %swap3A_244], %and3A_241 {strides = array<i32>} : memref<1x80xi32, #tpu.memory_space<vmem>>, vector<16xi32>,
    %shift_right_logical3A_246 = arith.shrui %get3A_240, %broadcast_in_dim3A_3 : vector<16xi32>
    %swap3A_247 = arith.constant 0 : i32
    %swap3A_248 = arith.index_cast %swap3A_247 : i32 to index
    %swap3A_249 = arith.constant 64 : index
    %swap3A_250 = tpu.vector_load %arg15[%swap3A_248, %swap3A_249] {strides = array<i32>} : memref<1x80xi32, #tpu.memory_space<vmem>>, vector<16xi32>,
    tpu.vector_store %arg15[%swap3A_248, %swap3A_249], %shift_right_logical3A_246 {strides = array<i32>} : memref<1x80xi32, #tpu.memory_space<vmem>>, vector<16xi32>,
    %dma_start3A_251 = arith.constant 0 : i32
    %dma_start3A_252 = arith.constant 0 : i32
    %dma_start3A_253 = tpu.memref_slice %arg12[%dma_start3A_251, %dma_start3A_252] : memref<1x80xi32, #tpu.memory_space<vmem>> -> memref<1x80xi32, #tpu.memory_space<vmem>>
    %dma_start3A_254 = tpu.memref_squeeze %dma_start3A_253 : memref<1x80xi32, #tpu.memory_space<vmem>> -> memref<80xi32, #tpu.memory_space<vmem>>
    %dma_start3A_255 = arith.constant 0 : i32
    %dma_start3A_256 = arith.constant 0 : i32
    %dma_start3A_257 = tpu.memref_slice %arg2[%dma_start3A_255, %dma_start3A_256] : memref<10000x128xf32, #tpu.memory_space<hbm>> -> memref<10000x128xf32, #tpu.memory_space<hbm>>
    tpu.enqueue_indirect_dma source(%dma_start3A_257 : memref<10000x128xf32, #tpu.memory_space<hbm>>) target(%arg9 : memref<80x128xf32, #tpu.memory_space<vmem>>) offsets(%dma_start3A_254 : memref<80xi32, #tpu.memory_space<vmem>>) semaphore(%arg18 : memref<!tpu.dma_semaphore, #tpu.memory_space<semaphore_mem>>)
    %scan3A_258 = arith.constant 0 : i32
    %scan3A_259 = arith.constant 0 : i32
    %scan3A_260 = arith.constant 41 : i32
    %scan3A_261 = arith.addi %scan3A_259, %scan3A_260 : i32
    %scan3A_262 = arith.constant 1 : i32
    scf.for %scan3A_297 = %scan3A_259 to %scan3A_261 step %scan3A_262  : i32 {
      %mul3A_298 = arith.constant 3 : i32
      %mul3A_299 = arith.muli %mul3A_298, %scan3A_297 : i32
      %add3A_300 = arith.constant 1 : i32
      %add3A_301 = arith.addi %mul3A_299, %add3A_300 : i32
      %add3A_302 = arith.constant 0 : i32
      %add3A_303 = arith.addi %add3A_301, %add3A_302 : i32
      %dma_wait3A_304 = arith.constant 0 : i32
      %dma_wait3A_305 = arith.constant 0 : i32
      %dma_wait3A_306 = tpu.memref_slice %arg11[%dma_wait3A_304, %dma_wait3A_305] : memref<1x80xi32, #tpu.memory_space<vmem>> -> memref<1x80xi32, #tpu.memory_space<vmem>>
      %dma_wait3A_307 = tpu.memref_squeeze %dma_wait3A_306 : memref<1x80xi32, #tpu.memory_space<vmem>> -> memref<80xi32, #tpu.memory_space<vmem>>
      %dma_wait3A_308 = arith.constant 0 : i32
      %dma_wait3A_309 = arith.constant 0 : i32
      %dma_wait3A_310 = tpu.memref_slice %arg2[%dma_wait3A_308, %dma_wait3A_309] : memref<10000x128xf32, #tpu.memory_space<hbm>> -> memref<10000x128xf32, #tpu.memory_space<hbm>>
      tpu.wait_indirect_dma semaphore(%arg17 : memref<!tpu.dma_semaphore, #tpu.memory_space<semaphore_mem>>) src(%dma_wait3A_310 : memref<10000x128xf32, #tpu.memory_space<hbm>>) dst(%arg8 : memref<80x128xf32, #tpu.memory_space<vmem>>)
      %dma_start3A_311 = arith.constant 0 : i32
      %dma_start3A_312 = arith.constant 0 : i32
      %dma_start3A_313 = tpu.memref_slice %arg14[%dma_start3A_311, %dma_start3A_312] : memref<1x80xi32, #tpu.memory_space<vmem>> -> memref<1x80xi32, #tpu.memory_space<vmem>>
      %dma_start3A_314 = tpu.memref_squeeze %dma_start3A_313 : memref<1x80xi32, #tpu.memory_space<vmem>> -> memref<80xi32, #tpu.memory_space<vmem>>
      %dma_start3A_315 = arith.constant 0 : i32
      %dma_start3A_316 = arith.constant 0 : i32
      %dma_start3A_317 = tpu.memref_slice %arg5[%dma_start3A_315, %dma_start3A_316] : memref<10240x128xf32, #tpu.memory_space<vmem_shared>> -> memref<10240x128xf32, #tpu.memory_space<vmem_shared>>
      tpu.enqueue_indirect_dma source(%arg8 : memref<80x128xf32, #tpu.memory_space<vmem>>) target(%dma_start3A_317 : memref<10240x128xf32, #tpu.memory_space<vmem_shared>>) offsets(%dma_start3A_314 : memref<80xi32, #tpu.memory_space<vmem>>) semaphore(%arg20 : memref<!tpu.dma_semaphore, #tpu.memory_space<semaphore_mem>>) {add = true}
      %dma_wait3A_318 = arith.constant 0 : i32
      %dma_wait3A_319 = arith.constant 0 : i32
      %dma_wait3A_320 = tpu.memref_slice %arg13[%dma_wait3A_318, %dma_wait3A_319] : memref<1x80xi32, #tpu.memory_space<vmem>> -> memref<1x80xi32, #tpu.memory_space<vmem>>
      %dma_wait3A_321 = tpu.memref_squeeze %dma_wait3A_320 : memref<1x80xi32, #tpu.memory_space<vmem>> -> memref<80xi32, #tpu.memory_space<vmem>>
      %dma_wait3A_322 = arith.constant 0 : i32
      %dma_wait3A_323 = arith.constant 0 : i32
      %dma_wait3A_324 = tpu.memref_slice %arg5[%dma_wait3A_322, %dma_wait3A_323] : memref<10240x128xf32, #tpu.memory_space<vmem_shared>> -> memref<10240x128xf32, #tpu.memory_space<vmem_shared>>
      tpu.wait_indirect_dma semaphore(%arg19 : memref<!tpu.dma_semaphore, #tpu.memory_space<semaphore_mem>>) src(%arg7 : memref<80x128xf32, #tpu.memory_space<vmem>>) dst(%dma_wait3A_324 : memref<10240x128xf32, #tpu.memory_space<vmem_shared>>)
      %add3A_325 = arith.constant 2 : i32
      %add3A_326 = arith.addi %add3A_303, %add3A_325 : i32
      %lt3A = arith.constant 125 : i32
      %lt3A_327 = arith.cmpi slt, %add3A_326, %lt3A : i32
      %convert_element_type3A = arith.extui %lt3A_327 : i1 to i32
      %cond3A = arith.constant 0 : i32
      %cond3A_328 = arith.cmpi ne, %convert_element_type3A, %cond3A : i32
      scf.if %cond3A_328 {
        %add3A_397 = arith.constant 2 : i32
        %add3A_398 = arith.addi %add3A_303, %add3A_397 : i32
        %mul3A_399 = arith.constant 80 : i32
        %mul3A_400 = arith.muli %add3A_398, %mul3A_399 : i32
        %add3A_401 = arith.constant 0 : i32
        %add3A_402 = arith.addi %mul3A_400, %add3A_401 : i32
        %get3A_403 = arith.index_cast %add3A_402 : i32 to index
        %get3A_404 = tpu.vector_load %arg6[%get3A_403] {strides = array<i32>} : memref<10000xi32, #tpu.memory_space<vmem>>, vector<16xi32>,
        %and3A_405 = arith.andi %get3A_404, %broadcast_in_dim3A_1 : vector<16xi32>
        %swap3A_406 = arith.constant 0 : i32
        %swap3A_407 = arith.index_cast %swap3A_406 : i32 to index
        %swap3A_408 = arith.constant 0 : index
        %swap3A_409 = tpu.vector_load %arg10[%swap3A_407, %swap3A_408] {strides = array<i32>} : memref<1x80xi32, #tpu.memory_space<vmem>>, vector<16xi32>,
        tpu.vector_store %arg10[%swap3A_407, %swap3A_408], %and3A_405 {strides = array<i32>} : memref<1x80xi32, #tpu.memory_space<vmem>>, vector<16xi32>,
        %shift_right_logical3A_410 = arith.shrui %get3A_404, %broadcast_in_dim3A_3 : vector<16xi32>
        %swap3A_411 = arith.constant 0 : i32
        %swap3A_412 = arith.index_cast %swap3A_411 : i32 to index
        %swap3A_413 = arith.constant 0 : index
        %swap3A_414 = tpu.vector_load %arg13[%swap3A_412, %swap3A_413] {strides = array<i32>} : memref<1x80xi32, #tpu.memory_space<vmem>>, vector<16xi32>,
        tpu.vector_store %arg13[%swap3A_412, %swap3A_413], %shift_right_logical3A_410 {strides = array<i32>} : memref<1x80xi32, #tpu.memory_space<vmem>>, vector<16xi32>,
        %mul3A_415 = arith.constant 80 : i32
        %mul3A_416 = arith.muli %add3A_398, %mul3A_415 : i32
        %add3A_417 = arith.constant 16 : i32
        %add3A_418 = arith.addi %mul3A_416, %add3A_417 : i32
        %get3A_419 = arith.index_cast %add3A_418 : i32 to index
        %get3A_420 = tpu.vector_load %arg6[%get3A_419] {strides = array<i32>} : memref<10000xi32, #tpu.memory_space<vmem>>, vector<16xi32>,
        %and3A_421 = arith.andi %get3A_420, %broadcast_in_dim3A_1 : vector<16xi32>
        %swap3A_422 = arith.constant 0 : i32
        %swap3A_423 = arith.index_cast %swap3A_422 : i32 to index
        %swap3A_424 = arith.constant 16 : index
        %swap3A_425 = tpu.vector_load %arg10[%swap3A_423, %swap3A_424] {strides = array<i32>} : memref<1x80xi32, #tpu.memory_space<vmem>>, vector<16xi32>,
        tpu.vector_store %arg10[%swap3A_423, %swap3A_424], %and3A_421 {strides = array<i32>} : memref<1x80xi32, #tpu.memory_space<vmem>>, vector<16xi32>,
        %shift_right_logical3A_426 = arith.shrui %get3A_420, %broadcast_in_dim3A_3 : vector<16xi32>
        %swap3A_427 = arith.constant 0 : i32
        %swap3A_428 = arith.index_cast %swap3A_427 : i32 to index
        %swap3A_429 = arith.constant 16 : index
        %swap3A_430 = tpu.vector_load %arg13[%swap3A_428, %swap3A_429] {strides = array<i32>} : memref<1x80xi32, #tpu.memory_space<vmem>>, vector<16xi32>,
        tpu.vector_store %arg13[%swap3A_428, %swap3A_429], %shift_right_logical3A_426 {strides = array<i32>} : memref<1x80xi32, #tpu.memory_space<vmem>>, vector<16xi32>,
        %mul3A_431 = arith.constant 80 : i32
        %mul3A_432 = arith.muli %add3A_398, %mul3A_431 : i32
        %add3A_433 = arith.constant 32 : i32
        %add3A_434 = arith.addi %mul3A_432, %add3A_433 : i32
        %get3A_435 = arith.index_cast %add3A_434 : i32 to index
        %get3A_436 = tpu.vector_load %arg6[%get3A_435] {strides = array<i32>} : memref<10000xi32, #tpu.memory_space<vmem>>, vector<16xi32>,
        %and3A_437 = arith.andi %get3A_436, %broadcast_in_dim3A_1 : vector<16xi32>
        %swap3A_438 = arith.constant 0 : i32
        %swap3A_439 = arith.index_cast %swap3A_438 : i32 to index
        %swap3A_440 = arith.constant 32 : index
        %swap3A_441 = tpu.vector_load %arg10[%swap3A_439, %swap3A_440] {strides = array<i32>} : memref<1x80xi32, #tpu.memory_space<vmem>>, vector<16xi32>,
        tpu.vector_store %arg10[%swap3A_439, %swap3A_440], %and3A_437 {strides = array<i32>} : memref<1x80xi32, #tpu.memory_space<vmem>>, vector<16xi32>,
        %shift_right_logical3A_442 = arith.shrui %get3A_436, %broadcast_in_dim3A_3 : vector<16xi32>
        %swap3A_443 = arith.constant 0 : i32
        %swap3A_444 = arith.index_cast %swap3A_443 : i32 to index
        %swap3A_445 = arith.constant 32 : index
        %swap3A_446 = tpu.vector_load %arg13[%swap3A_444, %swap3A_445] {strides = array<i32>} : memref<1x80xi32, #tpu.memory_space<vmem>>, vector<16xi32>,
        tpu.vector_store %arg13[%swap3A_444, %swap3A_445], %shift_right_logical3A_442 {strides = array<i32>} : memref<1x80xi32, #tpu.memory_space<vmem>>, vector<16xi32>,
        %mul3A_447 = arith.constant 80 : i32
        %mul3A_448 = arith.muli %add3A_398, %mul3A_447 : i32
        %add3A_449 = arith.constant 48 : i32
        %add3A_450 = arith.addi %mul3A_448, %add3A_449 : i32
        %get3A_451 = arith.index_cast %add3A_450 : i32 to index
        %get3A_452 = tpu.vector_load %arg6[%get3A_451] {strides = array<i32>} : memref<10000xi32, #tpu.memory_space<vmem>>, vector<16xi32>,
        %and3A_453 = arith.andi %get3A_452, %broadcast_in_dim3A_1 : vector<16xi32>
        %swap3A_454 = arith.constant 0 : i32
        %swap3A_455 = arith.index_cast %swap3A_454 : i32 to index
        %swap3A_456 = arith.constant 48 : index
        %swap3A_457 = tpu.vector_load %arg10[%swap3A_455, %swap3A_456] {strides = array<i32>} : memref<1x80xi32, #tpu.memory_space<vmem>>, vector<16xi32>,
        tpu.vector_store %arg10[%swap3A_455, %swap3A_456], %and3A_453 {strides = array<i32>} : memref<1x80xi32, #tpu.memory_space<vmem>>, vector<16xi32>,
        %shift_right_logical3A_458 = arith.shrui %get3A_452, %broadcast_in_dim3A_3 : vector<16xi32>
        %swap3A_459 = arith.constant 0 : i32
        %swap3A_460 = arith.index_cast %swap3A_459 : i32 to index
        %swap3A_461 = arith.constant 48 : index
        %swap3A_462 = tpu.vector_load %arg13[%swap3A_460, %swap3A_461] {strides = array<i32>} : memref<1x80xi32, #tpu.memory_space<vmem>>, vector<16xi32>,
        tpu.vector_store %arg13[%swap3A_460, %swap3A_461], %shift_right_logical3A_458 {strides = array<i32>} : memref<1x80xi32, #tpu.memory_space<vmem>>, vector<16xi32>,
        %mul3A_463 = arith.constant 80 : i32
        %mul3A_464 = arith.muli %add3A_398, %mul3A_463 : i32
        %add3A_465 = arith.constant 64 : i32
        %add3A_466 = arith.addi %mul3A_464, %add3A_465 : i32
        %get3A_467 = arith.index_cast %add3A_466 : i32 to index
        %get3A_468 = tpu.vector_load %arg6[%get3A_467] {strides = array<i32>} : memref<10000xi32, #tpu.memory_space<vmem>>, vector<16xi32>,
        %and3A_469 = arith.andi %get3A_468, %broadcast_in_dim3A_1 : vector<16xi32>
        %swap3A_470 = arith.constant 0 : i32
        %swap3A_471 = arith.index_cast %swap3A_470 : i32 to index
        %swap3A_472 = arith.constant 64 : index
        %swap3A_473 = tpu.vector_load %arg10[%swap3A_471, %swap3A_472] {strides = array<i32>} : memref<1x80xi32, #tpu.memory_space<vmem>>, vector<16xi32>,
        tpu.vector_store %arg10[%swap3A_471, %swap3A_472], %and3A_469 {strides = array<i32>} : memref<1x80xi32, #tpu.memory_space<vmem>>, vector<16xi32>,
        %shift_right_logical3A_474 = arith.shrui %get3A_468, %broadcast_in_dim3A_3 : vector<16xi32>
        %swap3A_475 = arith.constant 0 : i32
        %swap3A_476 = arith.index_cast %swap3A_475 : i32 to index
        %swap3A_477 = arith.constant 64 : index
        %swap3A_478 = tpu.vector_load %arg13[%swap3A_476, %swap3A_477] {strides = array<i32>} : memref<1x80xi32, #tpu.memory_space<vmem>>, vector<16xi32>,
        tpu.vector_store %arg13[%swap3A_476, %swap3A_477], %shift_right_logical3A_474 {strides = array<i32>} : memref<1x80xi32, #tpu.memory_space<vmem>>, vector<16xi32>,
        %add3A_479 = arith.constant 2 : i32
        %add3A_480 = arith.addi %add3A_303, %add3A_479 : i32
        %dma_start3A_481 = arith.constant 0 : i32
        %dma_start3A_482 = arith.constant 0 : i32
        %dma_start3A_483 = tpu.memref_slice %arg10[%dma_start3A_481, %dma_start3A_482] : memref<1x80xi32, #tpu.memory_space<vmem>> -> memref<1x80xi32, #tpu.memory_space<vmem>>
        %dma_start3A_484 = tpu.memref_squeeze %dma_start3A_483 : memref<1x80xi32, #tpu.memory_space<vmem>> -> memref<80xi32, #tpu.memory_space<vmem>>
        %dma_start3A_485 = arith.constant 0 : i32
        %dma_start3A_486 = arith.constant 0 : i32
        %dma_start3A_487 = tpu.memref_slice %arg2[%dma_start3A_485, %dma_start3A_486] : memref<10000x128xf32, #tpu.memory_space<hbm>> -> memref<10000x128xf32, #tpu.memory_space<hbm>>
        tpu.enqueue_indirect_dma source(%dma_start3A_487 : memref<10000x128xf32, #tpu.memory_space<hbm>>) target(%arg7 : memref<80x128xf32, #tpu.memory_space<vmem>>) offsets(%dma_start3A_484 : memref<80xi32, #tpu.memory_space<vmem>>) semaphore(%arg16 : memref<!tpu.dma_semaphore, #tpu.memory_space<semaphore_mem>>)
      } else {
      }
      %mul3A_329 = arith.constant 3 : i32
      %mul3A_330 = arith.muli %mul3A_329, %scan3A_297 : i32
      %add3A_331 = arith.constant 1 : i32
      %add3A_332 = arith.addi %mul3A_330, %add3A_331 : i32
      %add3A_333 = arith.constant 1 : i32
      %add3A_334 = arith.addi %add3A_332, %add3A_333 : i32
      %dma_wait3A_335 = arith.constant 0 : i32
      %dma_wait3A_336 = arith.constant 0 : i32
      %dma_wait3A_337 = tpu.memref_slice %arg12[%dma_wait3A_335, %dma_wait3A_336] : memref<1x80xi32, #tpu.memory_space<vmem>> -> memref<1x80xi32, #tpu.memory_space<vmem>>
      %dma_wait3A_338 = tpu.memref_squeeze %dma_wait3A_337 : memref<1x80xi32, #tpu.memory_space<vmem>> -> memref<80xi32, #tpu.memory_space<vmem>>
      %dma_wait3A_339 = arith.constant 0 : i32
      %dma_wait3A_340 = arith.constant 0 : i32
      %dma_wait3A_341 = tpu.memref_slice %arg2[%dma_wait3A_339, %dma_wait3A_340] : memref<10000x128xf32, #tpu.memory_space<hbm>> -> memref<10000x128xf32, #tpu.memory_space<hbm>>
      tpu.wait_indirect_dma semaphore(%arg18 : memref<!tpu.dma_semaphore, #tpu.memory_space<semaphore_mem>>) src(%dma_wait3A_341 : memref<10000x128xf32, #tpu.memory_space<hbm>>) dst(%arg9 : memref<80x128xf32, #tpu.memory_space<vmem>>)
      %dma_start3A_342 = arith.constant 0 : i32
      %dma_start3A_343 = arith.constant 0 : i32
      %dma_start3A_344 = tpu.memref_slice %arg15[%dma_start3A_342, %dma_start3A_343] : memref<1x80xi32, #tpu.memory_space<vmem>> -> memref<1x80xi32, #tpu.memory_space<vmem>>
      %dma_start3A_345 = tpu.memref_squeeze %dma_start3A_344 : memref<1x80xi32, #tpu.memory_space<vmem>> -> memref<80xi32, #tpu.memory_space<vmem>>
      %dma_start3A_346 = arith.constant 0 : i32
      %dma_start3A_347 = arith.constant 0 : i32
      %dma_start3A_348 = tpu.memref_slice %arg5[%dma_start3A_346, %dma_start3A_347] : memref<10240x128xf32, #tpu.memory_space<vmem_shared>> -> memref<10240x128xf32, #tpu.memory_space<vmem_shared>>
      tpu.enqueue_indirect_dma source(%arg9 : memref<80x128xf32, #tpu.memory_space<vmem>>) target(%dma_start3A_348 : memref<10240x128xf32, #tpu.memory_space<vmem_shared>>) offsets(%dma_start3A_345 : memref<80xi32, #tpu.memory_space<vmem>>) semaphore(%arg21 : memref<!tpu.dma_semaphore, #tpu.memory_space<semaphore_mem>>) {add = true}
      %dma_wait3A_349 = arith.constant 0 : i32
      %dma_wait3A_350 = arith.constant 0 : i32
      %dma_wait3A_351 = tpu.memref_slice %arg14[%dma_wait3A_349, %dma_wait3A_350] : memref<1x80xi32, #tpu.memory_space<vmem>> -> memref<1x80xi32, #tpu.memory_space<vmem>>
      %dma_wait3A_352 = tpu.memref_squeeze %dma_wait3A_351 : memref<1x80xi32, #tpu.memory_space<vmem>> -> memref<80xi32, #tpu.memory_space<vmem>>
      %dma_wait3A_353 = arith.constant 0 : i32
      %dma_wait3A_354 = arith.constant 0 : i32
      %dma_wait3A_355 = tpu.memref_slice %arg5[%dma_wait3A_353, %dma_wait3A_354] : memref<10240x128xf32, #tpu.memory_space<vmem_shared>> -> memref<10240x128xf32, #tpu.memory_space<vmem_shared>>
      tpu.wait_indirect_dma semaphore(%arg20 : memref<!tpu.dma_semaphore, #tpu.memory_space<semaphore_mem>>) src(%arg8 : memref<80x128xf32, #tpu.memory_space<vmem>>) dst(%dma_wait3A_355 : memref<10240x128xf32, #tpu.memory_space<vmem_shared>>)
      %add3A_356 = arith.constant 2 : i32
      %add3A_357 = arith.addi %add3A_334, %add3A_356 : i32
      %lt3A_358 = arith.constant 125 : i32
      %lt3A_359 = arith.cmpi slt, %add3A_357, %lt3A_358 : i32
      %convert_element_type3A_360 = arith.extui %lt3A_359 : i1 to i32
      %cond3A_361 = arith.constant 0 : i32
      %cond3A_362 = arith.cmpi ne, %convert_element_type3A_360, %cond3A_361 : i32
      scf.if %cond3A_362 {
        %add3A_397 = arith.constant 2 : i32
        %add3A_398 = arith.addi %add3A_334, %add3A_397 : i32
        %mul3A_399 = arith.constant 80 : i32
        %mul3A_400 = arith.muli %add3A_398, %mul3A_399 : i32
        %add3A_401 = arith.constant 0 : i32
        %add3A_402 = arith.addi %mul3A_400, %add3A_401 : i32
        %get3A_403 = arith.index_cast %add3A_402 : i32 to index
        %get3A_404 = tpu.vector_load %arg6[%get3A_403] {strides = array<i32>} : memref<10000xi32, #tpu.memory_space<vmem>>, vector<16xi32>,
        %and3A_405 = arith.andi %get3A_404, %broadcast_in_dim3A_1 : vector<16xi32>
        %swap3A_406 = arith.constant 0 : i32
        %swap3A_407 = arith.index_cast %swap3A_406 : i32 to index
        %swap3A_408 = arith.constant 0 : index
        %swap3A_409 = tpu.vector_load %arg11[%swap3A_407, %swap3A_408] {strides = array<i32>} : memref<1x80xi32, #tpu.memory_space<vmem>>, vector<16xi32>,
        tpu.vector_store %arg11[%swap3A_407, %swap3A_408], %and3A_405 {strides = array<i32>} : memref<1x80xi32, #tpu.memory_space<vmem>>, vector<16xi32>,
        %shift_right_logical3A_410 = arith.shrui %get3A_404, %broadcast_in_dim3A_3 : vector<16xi32>
        %swap3A_411 = arith.constant 0 : i32
        %swap3A_412 = arith.index_cast %swap3A_411 : i32 to index
        %swap3A_413 = arith.constant 0 : index
        %swap3A_414 = tpu.vector_load %arg14[%swap3A_412, %swap3A_413] {strides = array<i32>} : memref<1x80xi32, #tpu.memory_space<vmem>>, vector<16xi32>,
        tpu.vector_store %arg14[%swap3A_412, %swap3A_413], %shift_right_logical3A_410 {strides = array<i32>} : memref<1x80xi32, #tpu.memory_space<vmem>>, vector<16xi32>,
        %mul3A_415 = arith.constant 80 : i32
        %mul3A_416 = arith.muli %add3A_398, %mul3A_415 : i32
        %add3A_417 = arith.constant 16 : i32
        %add3A_418 = arith.addi %mul3A_416, %add3A_417 : i32
        %get3A_419 = arith.index_cast %add3A_418 : i32 to index
        %get3A_420 = tpu.vector_load %arg6[%get3A_419] {strides = array<i32>} : memref<10000xi32, #tpu.memory_space<vmem>>, vector<16xi32>,
        %and3A_421 = arith.andi %get3A_420, %broadcast_in_dim3A_1 : vector<16xi32>
        %swap3A_422 = arith.constant 0 : i32
        %swap3A_423 = arith.index_cast %swap3A_422 : i32 to index
        %swap3A_424 = arith.constant 16 : index
        %swap3A_425 = tpu.vector_load %arg11[%swap3A_423, %swap3A_424] {strides = array<i32>} : memref<1x80xi32, #tpu.memory_space<vmem>>, vector<16xi32>,
        tpu.vector_store %arg11[%swap3A_423, %swap3A_424], %and3A_421 {strides = array<i32>} : memref<1x80xi32, #tpu.memory_space<vmem>>, vector<16xi32>,
        %shift_right_logical3A_426 = arith.shrui %get3A_420, %broadcast_in_dim3A_3 : vector<16xi32>
        %swap3A_427 = arith.constant 0 : i32
        %swap3A_428 = arith.index_cast %swap3A_427 : i32 to index
        %swap3A_429 = arith.constant 16 : index
        %swap3A_430 = tpu.vector_load %arg14[%swap3A_428, %swap3A_429] {strides = array<i32>} : memref<1x80xi32, #tpu.memory_space<vmem>>, vector<16xi32>,
        tpu.vector_store %arg14[%swap3A_428, %swap3A_429], %shift_right_logical3A_426 {strides = array<i32>} : memref<1x80xi32, #tpu.memory_space<vmem>>, vector<16xi32>,
        %mul3A_431 = arith.constant 80 : i32
        %mul3A_432 = arith.muli %add3A_398, %mul3A_431 : i32
        %add3A_433 = arith.constant 32 : i32
        %add3A_434 = arith.addi %mul3A_432, %add3A_433 : i32
        %get3A_435 = arith.index_cast %add3A_434 : i32 to index
        %get3A_436 = tpu.vector_load %arg6[%get3A_435] {strides = array<i32>} : memref<10000xi32, #tpu.memory_space<vmem>>, vector<16xi32>,
        %and3A_437 = arith.andi %get3A_436, %broadcast_in_dim3A_1 : vector<16xi32>
        %swap3A_438 = arith.constant 0 : i32
        %swap3A_439 = arith.index_cast %swap3A_438 : i32 to index
        %swap3A_440 = arith.constant 32 : index
        %swap3A_441 = tpu.vector_load %arg11[%swap3A_439, %swap3A_440] {strides = array<i32>} : memref<1x80xi32, #tpu.memory_space<vmem>>, vector<16xi32>,
        tpu.vector_store %arg11[%swap3A_439, %swap3A_440], %and3A_437 {strides = array<i32>} : memref<1x80xi32, #tpu.memory_space<vmem>>, vector<16xi32>,
        %shift_right_logical3A_442 = arith.shrui %get3A_436, %broadcast_in_dim3A_3 : vector<16xi32>
        %swap3A_443 = arith.constant 0 : i32
        %swap3A_444 = arith.index_cast %swap3A_443 : i32 to index
        %swap3A_445 = arith.constant 32 : index
        %swap3A_446 = tpu.vector_load %arg14[%swap3A_444, %swap3A_445] {strides = array<i32>} : memref<1x80xi32, #tpu.memory_space<vmem>>, vector<16xi32>,
        tpu.vector_store %arg14[%swap3A_444, %swap3A_445], %shift_right_logical3A_442 {strides = array<i32>} : memref<1x80xi32, #tpu.memory_space<vmem>>, vector<16xi32>,
        %mul3A_447 = arith.constant 80 : i32
        %mul3A_448 = arith.muli %add3A_398, %mul3A_447 : i32
        %add3A_449 = arith.constant 48 : i32
        %add3A_450 = arith.addi %mul3A_448, %add3A_449 : i32
        %get3A_451 = arith.index_cast %add3A_450 : i32 to index
        %get3A_452 = tpu.vector_load %arg6[%get3A_451] {strides = array<i32>} : memref<10000xi32, #tpu.memory_space<vmem>>, vector<16xi32>,
        %and3A_453 = arith.andi %get3A_452, %broadcast_in_dim3A_1 : vector<16xi32>
        %swap3A_454 = arith.constant 0 : i32
        %swap3A_455 = arith.index_cast %swap3A_454 : i32 to index
        %swap3A_456 = arith.constant 48 : index
        %swap3A_457 = tpu.vector_load %arg11[%swap3A_455, %swap3A_456] {strides = array<i32>} : memref<1x80xi32, #tpu.memory_space<vmem>>, vector<16xi32>,
        tpu.vector_store %arg11[%swap3A_455, %swap3A_456], %and3A_453 {strides = array<i32>} : memref<1x80xi32, #tpu.memory_space<vmem>>, vector<16xi32>,
        %shift_right_logical3A_458 = arith.shrui %get3A_452, %broadcast_in_dim3A_3 : vector<16xi32>
        %swap3A_459 = arith.constant 0 : i32
        %swap3A_460 = arith.index_cast %swap3A_459 : i32 to index
        %swap3A_461 = arith.constant 48 : index
        %swap3A_462 = tpu.vector_load %arg14[%swap3A_460, %swap3A_461] {strides = array<i32>} : memref<1x80xi32, #tpu.memory_space<vmem>>, vector<16xi32>,
        tpu.vector_store %arg14[%swap3A_460, %swap3A_461], %shift_right_logical3A_458 {strides = array<i32>} : memref<1x80xi32, #tpu.memory_space<vmem>>, vector<16xi32>,
        %mul3A_463 = arith.constant 80 : i32
        %mul3A_464 = arith.muli %add3A_398, %mul3A_463 : i32
        %add3A_465 = arith.constant 64 : i32
        %add3A_466 = arith.addi %mul3A_464, %add3A_465 : i32
        %get3A_467 = arith.index_cast %add3A_466 : i32 to index
        %get3A_468 = tpu.vector_load %arg6[%get3A_467] {strides = array<i32>} : memref<10000xi32, #tpu.memory_space<vmem>>, vector<16xi32>,
        %and3A_469 = arith.andi %get3A_468, %broadcast_in_dim3A_1 : vector<16xi32>
        %swap3A_470 = arith.constant 0 : i32
        %swap3A_471 = arith.index_cast %swap3A_470 : i32 to index
        %swap3A_472 = arith.constant 64 : index
        %swap3A_473 = tpu.vector_load %arg11[%swap3A_471, %swap3A_472] {strides = array<i32>} : memref<1x80xi32, #tpu.memory_space<vmem>>, vector<16xi32>,
        tpu.vector_store %arg11[%swap3A_471, %swap3A_472], %and3A_469 {strides = array<i32>} : memref<1x80xi32, #tpu.memory_space<vmem>>, vector<16xi32>,
        %shift_right_logical3A_474 = arith.shrui %get3A_468, %broadcast_in_dim3A_3 : vector<16xi32>
        %swap3A_475 = arith.constant 0 : i32
        %swap3A_476 = arith.index_cast %swap3A_475 : i32 to index
        %swap3A_477 = arith.constant 64 : index
        %swap3A_478 = tpu.vector_load %arg14[%swap3A_476, %swap3A_477] {strides = array<i32>} : memref<1x80xi32, #tpu.memory_space<vmem>>, vector<16xi32>,
        tpu.vector_store %arg14[%swap3A_476, %swap3A_477], %shift_right_logical3A_474 {strides = array<i32>} : memref<1x80xi32, #tpu.memory_space<vmem>>, vector<16xi32>,
        %add3A_479 = arith.constant 2 : i32
        %add3A_480 = arith.addi %add3A_334, %add3A_479 : i32
        %dma_start3A_481 = arith.constant 0 : i32
        %dma_start3A_482 = arith.constant 0 : i32
        %dma_start3A_483 = tpu.memref_slice %arg11[%dma_start3A_481, %dma_start3A_482] : memref<1x80xi32, #tpu.memory_space<vmem>> -> memref<1x80xi32, #tpu.memory_space<vmem>>
        %dma_start3A_484 = tpu.memref_squeeze %dma_start3A_483 : memref<1x80xi32, #tpu.memory_space<vmem>> -> memref<80xi32, #tpu.memory_space<vmem>>
        %dma_start3A_485 = arith.constant 0 : i32
        %dma_start3A_486 = arith.constant 0 : i32
        %dma_start3A_487 = tpu.memref_slice %arg2[%dma_start3A_485, %dma_start3A_486] : memref<10000x128xf32, #tpu.memory_space<hbm>> -> memref<10000x128xf32, #tpu.memory_space<hbm>>
        tpu.enqueue_indirect_dma source(%dma_start3A_487 : memref<10000x128xf32, #tpu.memory_space<hbm>>) target(%arg8 : memref<80x128xf32, #tpu.memory_space<vmem>>) offsets(%dma_start3A_484 : memref<80xi32, #tpu.memory_space<vmem>>) semaphore(%arg17 : memref<!tpu.dma_semaphore, #tpu.memory_space<semaphore_mem>>)
      } else {
      }
      %mul3A_363 = arith.constant 3 : i32
      %mul3A_364 = arith.muli %mul3A_363, %scan3A_297 : i32
      %add3A_365 = arith.constant 1 : i32
      %add3A_366 = arith.addi %mul3A_364, %add3A_365 : i32
      %add3A_367 = arith.constant 2 : i32
      %add3A_368 = arith.addi %add3A_366, %add3A_367 : i32
      %dma_wait3A_369 = arith.constant 0 : i32
      %dma_wait3A_370 = arith.constant 0 : i32
      %dma_wait3A_371 = tpu.memref_slice %arg10[%dma_wait3A_369, %dma_wait3A_370] : memref<1x80xi32, #tpu.memory_space<vmem>> -> memref<1x80xi32, #tpu.memory_space<vmem>>
      %dma_wait3A_372 = tpu.memref_squeeze %dma_wait3A_371 : memref<1x80xi32, #tpu.memory_space<vmem>> -> memref<80xi32, #tpu.memory_space<vmem>>
      %dma_wait3A_373 = arith.constant 0 : i32
      %dma_wait3A_374 = arith.constant 0 : i32
      %dma_wait3A_375 = tpu.memref_slice %arg2[%dma_wait3A_373, %dma_wait3A_374] : memref<10000x128xf32, #tpu.memory_space<hbm>> -> memref<10000x128xf32, #tpu.memory_space<hbm>>
      tpu.wait_indirect_dma semaphore(%arg16 : memref<!tpu.dma_semaphore, #tpu.memory_space<semaphore_mem>>) src(%dma_wait3A_375 : memref<10000x128xf32, #tpu.memory_space<hbm>>) dst(%arg7 : memref<80x128xf32, #tpu.memory_space<vmem>>)
      %dma_start3A_376 = arith.constant 0 : i32
      %dma_start3A_377 = arith.constant 0 : i32
      %dma_start3A_378 = tpu.memref_slice %arg13[%dma_start3A_376, %dma_start3A_377] : memref<1x80xi32, #tpu.memory_space<vmem>> -> memref<1x80xi32, #tpu.memory_space<vmem>>
      %dma_start3A_379 = tpu.memref_squeeze %dma_start3A_378 : memref<1x80xi32, #tpu.memory_space<vmem>> -> memref<80xi32, #tpu.memory_space<vmem>>
      %dma_start3A_380 = arith.constant 0 : i32
      %dma_start3A_381 = arith.constant 0 : i32
      %dma_start3A_382 = tpu.memref_slice %arg5[%dma_start3A_380, %dma_start3A_381] : memref<10240x128xf32, #tpu.memory_space<vmem_shared>> -> memref<10240x128xf32, #tpu.memory_space<vmem_shared>>
      tpu.enqueue_indirect_dma source(%arg7 : memref<80x128xf32, #tpu.memory_space<vmem>>) target(%dma_start3A_382 : memref<10240x128xf32, #tpu.memory_space<vmem_shared>>) offsets(%dma_start3A_379 : memref<80xi32, #tpu.memory_space<vmem>>) semaphore(%arg19 : memref<!tpu.dma_semaphore, #tpu.memory_space<semaphore_mem>>) {add = true}
      %dma_wait3A_383 = arith.constant 0 : i32
      %dma_wait3A_384 = arith.constant 0 : i32
      %dma_wait3A_385 = tpu.memref_slice %arg15[%dma_wait3A_383, %dma_wait3A_384] : memref<1x80xi32, #tpu.memory_space<vmem>> -> memref<1x80xi32, #tpu.memory_space<vmem>>
      %dma_wait3A_386 = tpu.memref_squeeze %dma_wait3A_385 : memref<1x80xi32, #tpu.memory_space<vmem>> -> memref<80xi32, #tpu.memory_space<vmem>>
      %dma_wait3A_387 = arith.constant 0 : i32
      %dma_wait3A_388 = arith.constant 0 : i32
      %dma_wait3A_389 = tpu.memref_slice %arg5[%dma_wait3A_387, %dma_wait3A_388] : memref<10240x128xf32, #tpu.memory_space<vmem_shared>> -> memref<10240x128xf32, #tpu.memory_space<vmem_shared>>
      tpu.wait_indirect_dma semaphore(%arg21 : memref<!tpu.dma_semaphore, #tpu.memory_space<semaphore_mem>>) src(%arg9 : memref<80x128xf32, #tpu.memory_space<vmem>>) dst(%dma_wait3A_389 : memref<10240x128xf32, #tpu.memory_space<vmem_shared>>)
      %add3A_390 = arith.constant 2 : i32
      %add3A_391 = arith.addi %add3A_368, %add3A_390 : i32
      %lt3A_392 = arith.constant 125 : i32
      %lt3A_393 = arith.cmpi slt, %add3A_391, %lt3A_392 : i32
      %convert_element_type3A_394 = arith.extui %lt3A_393 : i1 to i32
      %cond3A_395 = arith.constant 0 : i32
      %cond3A_396 = arith.cmpi ne, %convert_element_type3A_394, %cond3A_395 : i32
      scf.if %cond3A_396 {
        %add3A_397 = arith.constant 2 : i32
        %add3A_398 = arith.addi %add3A_368, %add3A_397 : i32
        %mul3A_399 = arith.constant 80 : i32
        %mul3A_400 = arith.muli %add3A_398, %mul3A_399 : i32
        %add3A_401 = arith.constant 0 : i32
        %add3A_402 = arith.addi %mul3A_400, %add3A_401 : i32
        %get3A_403 = arith.index_cast %add3A_402 : i32 to index
        %get3A_404 = tpu.vector_load %arg6[%get3A_403] {strides = array<i32>} : memref<10000xi32, #tpu.memory_space<vmem>>, vector<16xi32>,
        %and3A_405 = arith.andi %get3A_404, %broadcast_in_dim3A_1 : vector<16xi32>
        %swap3A_406 = arith.constant 0 : i32
        %swap3A_407 = arith.index_cast %swap3A_406 : i32 to index
        %swap3A_408 = arith.constant 0 : index
        %swap3A_409 = tpu.vector_load %arg12[%swap3A_407, %swap3A_408] {strides = array<i32>} : memref<1x80xi32, #tpu.memory_space<vmem>>, vector<16xi32>,
        tpu.vector_store %arg12[%swap3A_407, %swap3A_408], %and3A_405 {strides = array<i32>} : memref<1x80xi32, #tpu.memory_space<vmem>>, vector<16xi32>,
        %shift_right_logical3A_410 = arith.shrui %get3A_404, %broadcast_in_dim3A_3 : vector<16xi32>
        %swap3A_411 = arith.constant 0 : i32
        %swap3A_412 = arith.index_cast %swap3A_411 : i32 to index
        %swap3A_413 = arith.constant 0 : index
        %swap3A_414 = tpu.vector_load %arg15[%swap3A_412, %swap3A_413] {strides = array<i32>} : memref<1x80xi32, #tpu.memory_space<vmem>>, vector<16xi32>,
        tpu.vector_store %arg15[%swap3A_412, %swap3A_413], %shift_right_logical3A_410 {strides = array<i32>} : memref<1x80xi32, #tpu.memory_space<vmem>>, vector<16xi32>,
        %mul3A_415 = arith.constant 80 : i32
        %mul3A_416 = arith.muli %add3A_398, %mul3A_415 : i32
        %add3A_417 = arith.constant 16 : i32
        %add3A_418 = arith.addi %mul3A_416, %add3A_417 : i32
        %get3A_419 = arith.index_cast %add3A_418 : i32 to index
        %get3A_420 = tpu.vector_load %arg6[%get3A_419] {strides = array<i32>} : memref<10000xi32, #tpu.memory_space<vmem>>, vector<16xi32>,
        %and3A_421 = arith.andi %get3A_420, %broadcast_in_dim3A_1 : vector<16xi32>
        %swap3A_422 = arith.constant 0 : i32
        %swap3A_423 = arith.index_cast %swap3A_422 : i32 to index
        %swap3A_424 = arith.constant 16 : index
        %swap3A_425 = tpu.vector_load %arg12[%swap3A_423, %swap3A_424] {strides = array<i32>} : memref<1x80xi32, #tpu.memory_space<vmem>>, vector<16xi32>,
        tpu.vector_store %arg12[%swap3A_423, %swap3A_424], %and3A_421 {strides = array<i32>} : memref<1x80xi32, #tpu.memory_space<vmem>>, vector<16xi32>,
        %shift_right_logical3A_426 = arith.shrui %get3A_420, %broadcast_in_dim3A_3 : vector<16xi32>
        %swap3A_427 = arith.constant 0 : i32
        %swap3A_428 = arith.index_cast %swap3A_427 : i32 to index
        %swap3A_429 = arith.constant 16 : index
        %swap3A_430 = tpu.vector_load %arg15[%swap3A_428, %swap3A_429] {strides = array<i32>} : memref<1x80xi32, #tpu.memory_space<vmem>>, vector<16xi32>,
        tpu.vector_store %arg15[%swap3A_428, %swap3A_429], %shift_right_logical3A_426 {strides = array<i32>} : memref<1x80xi32, #tpu.memory_space<vmem>>, vector<16xi32>,
        %mul3A_431 = arith.constant 80 : i32
        %mul3A_432 = arith.muli %add3A_398, %mul3A_431 : i32
        %add3A_433 = arith.constant 32 : i32
        %add3A_434 = arith.addi %mul3A_432, %add3A_433 : i32
        %get3A_435 = arith.index_cast %add3A_434 : i32 to index
        %get3A_436 = tpu.vector_load %arg6[%get3A_435] {strides = array<i32>} : memref<10000xi32, #tpu.memory_space<vmem>>, vector<16xi32>,
        %and3A_437 = arith.andi %get3A_436, %broadcast_in_dim3A_1 : vector<16xi32>
        %swap3A_438 = arith.constant 0 : i32
        %swap3A_439 = arith.index_cast %swap3A_438 : i32 to index
        %swap3A_440 = arith.constant 32 : index
        %swap3A_441 = tpu.vector_load %arg12[%swap3A_439, %swap3A_440] {strides = array<i32>} : memref<1x80xi32, #tpu.memory_space<vmem>>, vector<16xi32>,
        tpu.vector_store %arg12[%swap3A_439, %swap3A_440], %and3A_437 {strides = array<i32>} : memref<1x80xi32, #tpu.memory_space<vmem>>, vector<16xi32>,
        %shift_right_logical3A_442 = arith.shrui %get3A_436, %broadcast_in_dim3A_3 : vector<16xi32>
        %swap3A_443 = arith.constant 0 : i32
        %swap3A_444 = arith.index_cast %swap3A_443 : i32 to index
        %swap3A_445 = arith.constant 32 : index
        %swap3A_446 = tpu.vector_load %arg15[%swap3A_444, %swap3A_445] {strides = array<i32>} : memref<1x80xi32, #tpu.memory_space<vmem>>, vector<16xi32>,
        tpu.vector_store %arg15[%swap3A_444, %swap3A_445], %shift_right_logical3A_442 {strides = array<i32>} : memref<1x80xi32, #tpu.memory_space<vmem>>, vector<16xi32>,
        %mul3A_447 = arith.constant 80 : i32
        %mul3A_448 = arith.muli %add3A_398, %mul3A_447 : i32
        %add3A_449 = arith.constant 48 : i32
        %add3A_450 = arith.addi %mul3A_448, %add3A_449 : i32
        %get3A_451 = arith.index_cast %add3A_450 : i32 to index
        %get3A_452 = tpu.vector_load %arg6[%get3A_451] {strides = array<i32>} : memref<10000xi32, #tpu.memory_space<vmem>>, vector<16xi32>,
        %and3A_453 = arith.andi %get3A_452, %broadcast_in_dim3A_1 : vector<16xi32>
        %swap3A_454 = arith.constant 0 : i32
        %swap3A_455 = arith.index_cast %swap3A_454 : i32 to index
        %swap3A_456 = arith.constant 48 : index
        %swap3A_457 = tpu.vector_load %arg12[%swap3A_455, %swap3A_456] {strides = array<i32>} : memref<1x80xi32, #tpu.memory_space<vmem>>, vector<16xi32>,
        tpu.vector_store %arg12[%swap3A_455, %swap3A_456], %and3A_453 {strides = array<i32>} : memref<1x80xi32, #tpu.memory_space<vmem>>, vector<16xi32>,
        %shift_right_logical3A_458 = arith.shrui %get3A_452, %broadcast_in_dim3A_3 : vector<16xi32>
        %swap3A_459 = arith.constant 0 : i32
        %swap3A_460 = arith.index_cast %swap3A_459 : i32 to index
        %swap3A_461 = arith.constant 48 : index
        %swap3A_462 = tpu.vector_load %arg15[%swap3A_460, %swap3A_461] {strides = array<i32>} : memref<1x80xi32, #tpu.memory_space<vmem>>, vector<16xi32>,
        tpu.vector_store %arg15[%swap3A_460, %swap3A_461], %shift_right_logical3A_458 {strides = array<i32>} : memref<1x80xi32, #tpu.memory_space<vmem>>, vector<16xi32>,
        %mul3A_463 = arith.constant 80 : i32
        %mul3A_464 = arith.muli %add3A_398, %mul3A_463 : i32
        %add3A_465 = arith.constant 64 : i32
        %add3A_466 = arith.addi %mul3A_464, %add3A_465 : i32
        %get3A_467 = arith.index_cast %add3A_466 : i32 to index
        %get3A_468 = tpu.vector_load %arg6[%get3A_467] {strides = array<i32>} : memref<10000xi32, #tpu.memory_space<vmem>>, vector<16xi32>,
        %and3A_469 = arith.andi %get3A_468, %broadcast_in_dim3A_1 : vector<16xi32>
        %swap3A_470 = arith.constant 0 : i32
        %swap3A_471 = arith.index_cast %swap3A_470 : i32 to index
        %swap3A_472 = arith.constant 64 : index
        %swap3A_473 = tpu.vector_load %arg12[%swap3A_471, %swap3A_472] {strides = array<i32>} : memref<1x80xi32, #tpu.memory_space<vmem>>, vector<16xi32>,
        tpu.vector_store %arg12[%swap3A_471, %swap3A_472], %and3A_469 {strides = array<i32>} : memref<1x80xi32, #tpu.memory_space<vmem>>, vector<16xi32>,
        %shift_right_logical3A_474 = arith.shrui %get3A_468, %broadcast_in_dim3A_3 : vector<16xi32>
        %swap3A_475 = arith.constant 0 : i32
        %swap3A_476 = arith.index_cast %swap3A_475 : i32 to index
        %swap3A_477 = arith.constant 64 : index
        %swap3A_478 = tpu.vector_load %arg15[%swap3A_476, %swap3A_477] {strides = array<i32>} : memref<1x80xi32, #tpu.memory_space<vmem>>, vector<16xi32>,
        tpu.vector_store %arg15[%swap3A_476, %swap3A_477], %shift_right_logical3A_474 {strides = array<i32>} : memref<1x80xi32, #tpu.memory_space<vmem>>, vector<16xi32>,
        %add3A_479 = arith.constant 2 : i32
        %add3A_480 = arith.addi %add3A_368, %add3A_479 : i32
        %dma_start3A_481 = arith.constant 0 : i32
        %dma_start3A_482 = arith.constant 0 : i32
        %dma_start3A_483 = tpu.memref_slice %arg12[%dma_start3A_481, %dma_start3A_482] : memref<1x80xi32, #tpu.memory_space<vmem>> -> memref<1x80xi32, #tpu.memory_space<vmem>>
        %dma_start3A_484 = tpu.memref_squeeze %dma_start3A_483 : memref<1x80xi32, #tpu.memory_space<vmem>> -> memref<80xi32, #tpu.memory_space<vmem>>
        %dma_start3A_485 = arith.constant 0 : i32
        %dma_start3A_486 = arith.constant 0 : i32
        %dma_start3A_487 = tpu.memref_slice %arg2[%dma_start3A_485, %dma_start3A_486] : memref<10000x128xf32, #tpu.memory_space<hbm>> -> memref<10000x128xf32, #tpu.memory_space<hbm>>
        tpu.enqueue_indirect_dma source(%dma_start3A_487 : memref<10000x128xf32, #tpu.memory_space<hbm>>) target(%arg9 : memref<80x128xf32, #tpu.memory_space<vmem>>) offsets(%dma_start3A_484 : memref<80xi32, #tpu.memory_space<vmem>>) semaphore(%arg18 : memref<!tpu.dma_semaphore, #tpu.memory_space<semaphore_mem>>)
      } else {
      }
    }
    %scan3A_263 = arith.constant 41 : i32
    %dma_wait3A_264 = arith.constant 0 : i32
    %dma_wait3A_265 = arith.constant 0 : i32
    %dma_wait3A_266 = tpu.memref_slice %arg11[%dma_wait3A_264, %dma_wait3A_265] : memref<1x80xi32, #tpu.memory_space<vmem>> -> memref<1x80xi32, #tpu.memory_space<vmem>>
    %dma_wait3A_267 = tpu.memref_squeeze %dma_wait3A_266 : memref<1x80xi32, #tpu.memory_space<vmem>> -> memref<80xi32, #tpu.memory_space<vmem>>
    %dma_wait3A_268 = arith.constant 0 : i32
    %dma_wait3A_269 = arith.constant 0 : i32
    %dma_wait3A_270 = tpu.memref_slice %arg2[%dma_wait3A_268, %dma_wait3A_269] : memref<10000x128xf32, #tpu.memory_space<hbm>> -> memref<10000x128xf32, #tpu.memory_space<hbm>>
    tpu.wait_indirect_dma semaphore(%arg17 : memref<!tpu.dma_semaphore, #tpu.memory_space<semaphore_mem>>) src(%dma_wait3A_270 : memref<10000x128xf32, #tpu.memory_space<hbm>>) dst(%arg8 : memref<80x128xf32, #tpu.memory_space<vmem>>)
    %dma_start3A_271 = arith.constant 0 : i32
    %dma_start3A_272 = arith.constant 0 : i32
    %dma_start3A_273 = tpu.memref_slice %arg14[%dma_start3A_271, %dma_start3A_272] : memref<1x80xi32, #tpu.memory_space<vmem>> -> memref<1x80xi32, #tpu.memory_space<vmem>>
    %dma_start3A_274 = tpu.memref_squeeze %dma_start3A_273 : memref<1x80xi32, #tpu.memory_space<vmem>> -> memref<80xi32, #tpu.memory_space<vmem>>
    %dma_start3A_275 = arith.constant 0 : i32
    %dma_start3A_276 = arith.constant 0 : i32
    %dma_start3A_277 = tpu.memref_slice %arg5[%dma_start3A_275, %dma_start3A_276] : memref<10240x128xf32, #tpu.memory_space<vmem_shared>> -> memref<10240x128xf32, #tpu.memory_space<vmem_shared>>
    tpu.enqueue_indirect_dma source(%arg8 : memref<80x128xf32, #tpu.memory_space<vmem>>) target(%dma_start3A_277 : memref<10240x128xf32, #tpu.memory_space<vmem_shared>>) offsets(%dma_start3A_274 : memref<80xi32, #tpu.memory_space<vmem>>) semaphore(%arg20 : memref<!tpu.dma_semaphore, #tpu.memory_space<semaphore_mem>>) {add = true}
    %dma_wait3A_278 = arith.constant 0 : i32
    %dma_wait3A_279 = arith.constant 0 : i32
    %dma_wait3A_280 = tpu.memref_slice %arg13[%dma_wait3A_278, %dma_wait3A_279] : memref<1x80xi32, #tpu.memory_space<vmem>> -> memref<1x80xi32, #tpu.memory_space<vmem>>
    %dma_wait3A_281 = tpu.memref_squeeze %dma_wait3A_280 : memref<1x80xi32, #tpu.memory_space<vmem>> -> memref<80xi32, #tpu.memory_space<vmem>>
    %dma_wait3A_282 = arith.constant 0 : i32
    %dma_wait3A_283 = arith.constant 0 : i32
    %dma_wait3A_284 = tpu.memref_slice %arg5[%dma_wait3A_282, %dma_wait3A_283] : memref<10240x128xf32, #tpu.memory_space<vmem_shared>> -> memref<10240x128xf32, #tpu.memory_space<vmem_shared>>
    tpu.wait_indirect_dma semaphore(%arg19 : memref<!tpu.dma_semaphore, #tpu.memory_space<semaphore_mem>>) src(%arg7 : memref<80x128xf32, #tpu.memory_space<vmem>>) dst(%dma_wait3A_284 : memref<10240x128xf32, #tpu.memory_space<vmem_shared>>)
    %dma_wait3A_285 = arith.constant 0 : i32
    %dma_wait3A_286 = arith.constant 0 : i32
    %dma_wait3A_287 = tpu.memref_slice %arg14[%dma_wait3A_285, %dma_wait3A_286] : memref<1x80xi32, #tpu.memory_space<vmem>> -> memref<1x80xi32, #tpu.memory_space<vmem>>
    %dma_wait3A_288 = tpu.memref_squeeze %dma_wait3A_287 : memref<1x80xi32, #tpu.memory_space<vmem>> -> memref<80xi32, #tpu.memory_space<vmem>>
    %dma_wait3A_289 = arith.constant 0 : i32
    %dma_wait3A_290 = arith.constant 0 : i32
    %dma_wait3A_291 = tpu.memref_slice %arg5[%dma_wait3A_289, %dma_wait3A_290] : memref<10240x128xf32, #tpu.memory_space<vmem_shared>> -> memref<10240x128xf32, #tpu.memory_space<vmem_shared>>
    tpu.wait_indirect_dma semaphore(%arg20 : memref<!tpu.dma_semaphore, #tpu.memory_space<semaphore_mem>>) src(%arg8 : memref<80x128xf32, #tpu.memory_space<vmem>>) dst(%dma_wait3A_291 : memref<10240x128xf32, #tpu.memory_space<vmem_shared>>)
    %barrier3A_292 = arith.constant 0 : index
    tpu.barrier barrier_id(%barrier3A_292)
    %mul3A_293 = arith.constant 640 : i32
    %mul3A_294 = arith.muli %arg1, %mul3A_293 : i32
    %mul3A_295 = arith.constant 640 : i32
    %mul3A_296 = arith.muli %arg1, %mul3A_295 : i32
    "tpu.region"() ({
      %run_scoped3A = tpu.sem_alloc : memref<!tpu.dma_semaphore, #tpu.memory_space<semaphore_mem>>
      %dma_start3A_297 = arith.constant 0 : i32
      %dma_start3A_298 = tpu.memref_slice %arg4[%arg0, %mul3A_296, %dma_start3A_297] : memref<2x10240x128xf32, #tpu.memory_space<hbm>> -> memref<1x640x128xf32, #tpu.memory_space<hbm>>
      %dma_start3A_299 = tpu.memref_squeeze %dma_start3A_298 : memref<1x640x128xf32, #tpu.memory_space<hbm>> -> memref<640x128xf32, #tpu.memory_space<hbm>>
      %dma_start3A_300 = arith.constant 0 : i32
      %dma_start3A_301 = tpu.memref_slice %arg5[%mul3A_294, %dma_start3A_300] : memref<10240x128xf32, #tpu.memory_space<vmem_shared>> -> memref<640x128xf32, #tpu.memory_space<vmem_shared>>
      tpu.enqueue_dma source(%dma_start3A_301 : memref<640x128xf32, #tpu.memory_space<vmem_shared>>) target(%dma_start3A_299 : memref<640x128xf32, #tpu.memory_space<hbm>>) target_semaphore(%run_scoped3A : memref<!tpu.dma_semaphore, #tpu.memory_space<semaphore_mem>>)
      %dma_wait3A_302 = arith.constant 0 : i32
      %dma_wait3A_303 = tpu.memref_slice %arg4[%arg0, %mul3A_296, %dma_wait3A_302] : memref<2x10240x128xf32, #tpu.memory_space<hbm>> -> memref<1x640x128xf32, #tpu.memory_space<hbm>>
      %dma_wait3A_304 = tpu.memref_squeeze %dma_wait3A_303 : memref<1x640x128xf32, #tpu.memory_space<hbm>> -> memref<640x128xf32, #tpu.memory_space<hbm>>
      %dma_wait3A_305 = arith.constant 0 : i32
      %dma_wait3A_306 = tpu.memref_slice %arg5[%mul3A_294, %dma_wait3A_305] : memref<10240x128xf32, #tpu.memory_space<vmem_shared>> -> memref<640x128xf32, #tpu.memory_space<vmem_shared>>
      tpu.wait_dma2 semaphore(%run_scoped3A : memref<!tpu.dma_semaphore, #tpu.memory_space<semaphore_mem>>) src(%dma_wait3A_306 : memref<640x128xf32, #tpu.memory_space<vmem_shared>>) dst(%dma_wait3A_304 : memref<640x128xf32, #tpu.memory_space<hbm>>)
      tpu.yield
    }) : () -> ()
    return
  }
}

#map = affine_map<(d0, d1) -> (0, 0)>
#map1 = affine_map<(d0, d1) -> (0, 0, 0)>
module attributes {stable_mosaic.version = 14 : i64} {
  func.func @scatter_kernel(%arg0: i32, %arg1: i32, %arg2: memref<10000x128xf32, #tpu.memory_space<hbm>>, %arg3: memref<32x10000xi32, #tpu.memory_space<hbm>>, %arg4: memref<2x10240x128xf32, #tpu.memory_space<hbm>>, %arg5: memref<10240x128xf32, #tpu.memory_space<vmem_shared>>, %arg6: memref<10000xi32, #tpu.memory_space<vmem>>, %arg7: memref<80x128xf32, #tpu.memory_space<vmem>>, %arg8: memref<80x128xf32, #tpu.memory_space<vmem>>, %arg9: memref<80x128xf32, #tpu.memory_space<vmem>>, %arg10: memref<1x80xi32, #tpu.memory_space<vmem>>, %arg11: memref<1x80xi32, #tpu.memory_space<vmem>>, %arg12: memref<1x80xi32, #tpu.memory_space<vmem>>, %arg13: memref<1x80xi32, #tpu.memory_space<vmem>>, %arg14: memref<1x80xi32, #tpu.memory_space<vmem>>, %arg15: memref<1x80xi32, #tpu.memory_space<vmem>>, %arg16: memref<!tpu.dma_semaphore, #tpu.memory_space<semaphore_mem>>, %arg17: memref<!tpu.dma_semaphore, #tpu.memory_space<semaphore_mem>>, %arg18: memref<!tpu.dma_semaphore, #tpu.memory_space<semaphore_mem>>, %arg19: memref<!tpu.dma_semaphore, #tpu.memory_space<semaphore_mem>>, %arg20: memref<!tpu.dma_semaphore, #tpu.memory_space<semaphore_mem>>, %arg21: memref<!tpu.dma_semaphore, #tpu.memory_space<semaphore_mem>>) attributes {dimension_semantics = [#tpu.dimension_semantics<core_parallel>, #tpu.dimension_semantics<subcore_parallel>], iteration_bounds = array<i64: 2, 16>, scalar_prefetch = 0 : i64, scratch_operands = 17 : i64, tpu.core_type = #tpu.core_type<sc_vector_subcore>, window_params = [{transform_indices = #map}, {transform_indices = #map}, {transform_indices = #map1}]} {
    %mul3A = arith.constant 16 : i32
    %mul3A_0 = arith.muli %arg0, %mul3A : i32
    %add3A = arith.addi %mul3A_0, %arg1 : i32
    %broadcast_in_dim3A = arith.constant 16383 : i32
    %broadcast_in_dim3A_1 = vector.broadcast %broadcast_in_dim3A : i32 to vector<16xi32>
    %broadcast_in_dim3A_2 = arith.constant 14 : i32
    %broadcast_in_dim3A_3 = vector.broadcast %broadcast_in_dim3A_2 : i32 to vector<16xi32>
    "tpu.region"() ({
      %run_scoped3A = tpu.sem_alloc : memref<!tpu.dma_semaphore, #tpu.memory_space<semaphore_mem>>
      %dma_start3A_297 = arith.constant 0 : i32
      %dma_start3A_298 = tpu.memref_slice %arg3[%add3A, %dma_start3A_297] : memref<32x10000xi32, #tpu.memory_space<hbm>> -> memref<1x10000xi32, #tpu.memory_space<hbm>>
      %dma_start3A_299 = tpu.memref_squeeze %dma_start3A_298 : memref<1x10000xi32, #tpu.memory_space<hbm>> -> memref<10000xi32, #tpu.memory_space<hbm>>
      %dma_start3A_300 = arith.constant 0 : i32
      %dma_start3A_301 = tpu.memref_slice %arg3[%add3A, %dma_start3A_300] : memref<32x10000xi32, #tpu.memory_space<hbm>> -> memref<1x10000xi32, #tpu.memory_space<hbm>>
      %dma_start3A_302 = tpu.memref_squeeze %dma_start3A_301 : memref<1x10000xi32, #tpu.memory_space<hbm>> -> memref<10000xi32, #tpu.memory_space<hbm>>
      tpu.enqueue_dma source(%dma_start3A_302 : memref<10000xi32, #tpu.memory_space<hbm>>) target(%arg6 : memref<10000xi32, #tpu.memory_space<vmem>>) target_semaphore(%run_scoped3A : memref<!tpu.dma_semaphore, #tpu.memory_space<semaphore_mem>>)
      %dma_wait3A_303 = arith.constant 0 : i32
      %dma_wait3A_304 = tpu.memref_slice %arg3[%add3A, %dma_wait3A_303] : memref<32x10000xi32, #tpu.memory_space<hbm>> -> memref<1x10000xi32, #tpu.memory_space<hbm>>
      %dma_wait3A_305 = tpu.memref_squeeze %dma_wait3A_304 : memref<1x10000xi32, #tpu.memory_space<hbm>> -> memref<10000xi32, #tpu.memory_space<hbm>>
      %dma_wait3A_306 = arith.constant 0 : i32
      %dma_wait3A_307 = tpu.memref_slice %arg3[%add3A, %dma_wait3A_306] : memref<32x10000xi32, #tpu.memory_space<hbm>> -> memref<1x10000xi32, #tpu.memory_space<hbm>>
      %dma_wait3A_308 = tpu.memref_squeeze %dma_wait3A_307 : memref<1x10000xi32, #tpu.memory_space<hbm>> -> memref<10000xi32, #tpu.memory_space<hbm>>
      tpu.wait_dma2 semaphore(%run_scoped3A : memref<!tpu.dma_semaphore, #tpu.memory_space<semaphore_mem>>) src(%dma_wait3A_308 : memref<10000xi32, #tpu.memory_space<hbm>>) dst(%arg6 : memref<10000xi32, #tpu.memory_space<vmem>>)
      tpu.yield
    }) : () -> ()
    %get3A = arith.constant 0 : index
    %get3A_4 = tpu.vector_load %arg6[%get3A] {strides = array<i32>} : memref<10000xi32, #tpu.memory_space<vmem>>, vector<16xi32>,
    %and3A = arith.andi %get3A_4, %broadcast_in_dim3A_1 : vector<16xi32>
    %swap3A = arith.constant 0 : i32
    %swap3A_5 = arith.index_cast %swap3A : i32 to index
    %swap3A_6 = arith.constant 0 : index
    %swap3A_7 = tpu.vector_load %arg10[%swap3A_5, %swap3A_6] {strides = array<i32>} : memref<1x80xi32, #tpu.memory_space<vmem>>, vector<16xi32>,
    tpu.vector_store %arg10[%swap3A_5, %swap3A_6], %and3A {strides = array<i32>} : memref<1x80xi32, #tpu.memory_space<vmem>>, vector<16xi32>,
    %shift_right_logical3A = arith.shrui %get3A_4, %broadcast_in_dim3A_3 : vector<16xi32>
    %swap3A_8 = arith.constant 0 : i32
    %swap3A_9 = arith.index_cast %swap3A_8 : i32 to index
    %swap3A_10 = arith.constant 0 : index
    %swap3A_11 = tpu.vector_load %arg13[%swap3A_9, %swap3A_10] {strides = array<i32>} : memref<1x80xi32, #tpu.memory_space<vmem>>, vector<16xi32>,
    tpu.vector_store %arg13[%swap3A_9, %swap3A_10], %shift_right_logical3A {strides = array<i32>} : memref<1x80xi32, #tpu.memory_space<vmem>>, vector<16xi32>,
    %get3A_12 = arith.constant 16 : index
    %get3A_13 = tpu.vector_load %arg6[%get3A_12] {strides = array<i32>} : memref<10000xi32, #tpu.memory_space<vmem>>, vector<16xi32>,
    %and3A_14 = arith.andi %get3A_13, %broadcast_in_dim3A_1 : vector<16xi32>
    %swap3A_15 = arith.constant 0 : i32
    %swap3A_16 = arith.index_cast %swap3A_15 : i32 to index
    %swap3A_17 = arith.constant 16 : index
    %swap3A_18 = tpu.vector_load %arg10[%swap3A_16, %swap3A_17] {strides = array<i32>} : memref<1x80xi32, #tpu.memory_space<vmem>>, vector<16xi32>,
    tpu.vector_store %arg10[%swap3A_16, %swap3A_17], %and3A_14 {strides = array<i32>} : memref<1x80xi32, #tpu.memory_space<vmem>>, vector<16xi32>,
    %shift_right_logical3A_19 = arith.shrui %get3A_13, %broadcast_in_dim3A_3 : vector<16xi32>
    %swap3A_20 = arith.constant 0 : i32
    %swap3A_21 = arith.index_cast %swap3A_20 : i32 to index
    %swap3A_22 = arith.constant 16 : index
    %swap3A_23 = tpu.vector_load %arg13[%swap3A_21, %swap3A_22] {strides = array<i32>} : memref<1x80xi32, #tpu.memory_space<vmem>>, vector<16xi32>,
    tpu.vector_store %arg13[%swap3A_21, %swap3A_22], %shift_right_logical3A_19 {strides = array<i32>} : memref<1x80xi32, #tpu.memory_space<vmem>>, vector<16xi32>,
    %get3A_24 = arith.constant 32 : index
    %get3A_25 = tpu.vector_load %arg6[%get3A_24] {strides = array<i32>} : memref<10000xi32, #tpu.memory_space<vmem>>, vector<16xi32>,
    %and3A_26 = arith.andi %get3A_25, %broadcast_in_dim3A_1 : vector<16xi32>
    %swap3A_27 = arith.constant 0 : i32
    %swap3A_28 = arith.index_cast %swap3A_27 : i32 to index
    %swap3A_29 = arith.constant 32 : index
    %swap3A_30 = tpu.vector_load %arg10[%swap3A_28, %swap3A_29] {strides = array<i32>} : memref<1x80xi32, #tpu.memory_space<vmem>>, vector<16xi32>,
    tpu.vector_store %arg10[%swap3A_28, %swap3A_29], %and3A_26 {strides = array<i32>} : memref<1x80xi32, #tpu.memory_space<vmem>>, vector<16xi32>,
    %shift_right_logical3A_31 = arith.shrui %get3A_25, %broadcast_in_dim3A_3 : vector<16xi32>
    %swap3A_32 = arith.constant 0 : i32
    %swap3A_33 = arith.index_cast %swap3A_32 : i32 to index
    %swap3A_34 = arith.constant 32 : index
    %swap3A_35 = tpu.vector_load %arg13[%swap3A_33, %swap3A_34] {strides = array<i32>} : memref<1x80xi32, #tpu.memory_space<vmem>>, vector<16xi32>,
    tpu.vector_store %arg13[%swap3A_33, %swap3A_34], %shift_right_logical3A_31 {strides = array<i32>} : memref<1x80xi32, #tpu.memory_space<vmem>>, vector<16xi32>,
    %get3A_36 = arith.constant 48 : index
    %get3A_37 = tpu.vector_load %arg6[%get3A_36] {strides = array<i32>} : memref<10000xi32, #tpu.memory_space<vmem>>, vector<16xi32>,
    %and3A_38 = arith.andi %get3A_37, %broadcast_in_dim3A_1 : vector<16xi32>
    %swap3A_39 = arith.constant 0 : i32
    %swap3A_40 = arith.index_cast %swap3A_39 : i32 to index
    %swap3A_41 = arith.constant 48 : index
    %swap3A_42 = tpu.vector_load %arg10[%swap3A_40, %swap3A_41] {strides = array<i32>} : memref<1x80xi32, #tpu.memory_space<vmem>>, vector<16xi32>,
    tpu.vector_store %arg10[%swap3A_40, %swap3A_41], %and3A_38 {strides = array<i32>} : memref<1x80xi32, #tpu.memory_space<vmem>>, vector<16xi32>,
    %shift_right_logical3A_43 = arith.shrui %get3A_37, %broadcast_in_dim3A_3 : vector<16xi32>
    %swap3A_44 = arith.constant 0 : i32
    %swap3A_45 = arith.index_cast %swap3A_44 : i32 to index
    %swap3A_46 = arith.constant 48 : index
    %swap3A_47 = tpu.vector_load %arg13[%swap3A_45, %swap3A_46] {strides = array<i32>} : memref<1x80xi32, #tpu.memory_space<vmem>>, vector<16xi32>,
    tpu.vector_store %arg13[%swap3A_45, %swap3A_46], %shift_right_logical3A_43 {strides = array<i32>} : memref<1x80xi32, #tpu.memory_space<vmem>>, vector<16xi32>,
    %get3A_48 = arith.constant 64 : index
    %get3A_49 = tpu.vector_load %arg6[%get3A_48] {strides = array<i32>} : memref<10000xi32, #tpu.memory_space<vmem>>, vector<16xi32>,
    %and3A_50 = arith.andi %get3A_49, %broadcast_in_dim3A_1 : vector<16xi32>
    %swap3A_51 = arith.constant 0 : i32
    %swap3A_52 = arith.index_cast %swap3A_51 : i32 to index
    %swap3A_53 = arith.constant 64 : index
    %swap3A_54 = tpu.vector_load %arg10[%swap3A_52, %swap3A_53] {strides = array<i32>} : memref<1x80xi32, #tpu.memory_space<vmem>>, vector<16xi32>,
    tpu.vector_store %arg10[%swap3A_52, %swap3A_53], %and3A_50 {strides = array<i32>} : memref<1x80xi32, #tpu.memory_space<vmem>>, vector<16xi32>,
    %shift_right_logical3A_55 = arith.shrui %get3A_49, %broadcast_in_dim3A_3 : vector<16xi32>
    %swap3A_56 = arith.constant 0 : i32
    %swap3A_57 = arith.index_cast %swap3A_56 : i32 to index
    %swap3A_58 = arith.constant 64 : index
    %swap3A_59 = tpu.vector_load %arg13[%swap3A_57, %swap3A_58] {strides = array<i32>} : memref<1x80xi32, #tpu.memory_space<vmem>>, vector<16xi32>,
    tpu.vector_store %arg13[%swap3A_57, %swap3A_58], %shift_right_logical3A_55 {strides = array<i32>} : memref<1x80xi32, #tpu.memory_space<vmem>>, vector<16xi32>,
    %dma_start3A = arith.constant 0 : i32
    %dma_start3A_60 = arith.constant 0 : i32
    %dma_start3A_61 = tpu.memref_slice %arg10[%dma_start3A, %dma_start3A_60] : memref<1x80xi32, #tpu.memory_space<vmem>> -> memref<1x80xi32, #tpu.memory_space<vmem>>
    %dma_start3A_62 = tpu.memref_squeeze %dma_start3A_61 : memref<1x80xi32, #tpu.memory_space<vmem>> -> memref<80xi32, #tpu.memory_space<vmem>>
    %dma_start3A_63 = arith.constant 0 : i32
    %dma_start3A_64 = arith.constant 0 : i32
    %dma_start3A_65 = tpu.memref_slice %arg2[%dma_start3A_63, %dma_start3A_64] : memref<10000x128xf32, #tpu.memory_space<hbm>> -> memref<10000x128xf32, #tpu.memory_space<hbm>>
    tpu.enqueue_indirect_dma source(%dma_start3A_65 : memref<10000x128xf32, #tpu.memory_space<hbm>>) target(%arg7 : memref<80x128xf32, #tpu.memory_space<vmem>>) offsets(%dma_start3A_62 : memref<80xi32, #tpu.memory_space<vmem>>) semaphore(%arg16 : memref<!tpu.dma_semaphore, #tpu.memory_space<semaphore_mem>>)
    %get3A_66 = arith.constant 80 : index
    %get3A_67 = tpu.vector_load %arg6[%get3A_66] {strides = array<i32>} : memref<10000xi32, #tpu.memory_space<vmem>>, vector<16xi32>,
    %and3A_68 = arith.andi %get3A_67, %broadcast_in_dim3A_1 : vector<16xi32>
    %swap3A_69 = arith.constant 0 : i32
    %swap3A_70 = arith.index_cast %swap3A_69 : i32 to index
    %swap3A_71 = arith.constant 0 : index
    %swap3A_72 = tpu.vector_load %arg11[%swap3A_70, %swap3A_71] {strides = array<i32>} : memref<1x80xi32, #tpu.memory_space<vmem>>, vector<16xi32>,
    tpu.vector_store %arg11[%swap3A_70, %swap3A_71], %and3A_68 {strides = array<i32>} : memref<1x80xi32, #tpu.memory_space<vmem>>, vector<16xi32>,
    %shift_right_logical3A_73 = arith.shrui %get3A_67, %broadcast_in_dim3A_3 : vector<16xi32>
    %swap3A_74 = arith.constant 0 : i32
    %swap3A_75 = arith.index_cast %swap3A_74 : i32 to index
    %swap3A_76 = arith.constant 0 : index
    %swap3A_77 = tpu.vector_load %arg14[%swap3A_75, %swap3A_76] {strides = array<i32>} : memref<1x80xi32, #tpu.memory_space<vmem>>, vector<16xi32>,
    tpu.vector_store %arg14[%swap3A_75, %swap3A_76], %shift_right_logical3A_73 {strides = array<i32>} : memref<1x80xi32, #tpu.memory_space<vmem>>, vector<16xi32>,
    %get3A_78 = arith.constant 96 : index
    %get3A_79 = tpu.vector_load %arg6[%get3A_78] {strides = array<i32>} : memref<10000xi32, #tpu.memory_space<vmem>>, vector<16xi32>,
    %and3A_80 = arith.andi %get3A_79, %broadcast_in_dim3A_1 : vector<16xi32>
    %swap3A_81 = arith.constant 0 : i32
    %swap3A_82 = arith.index_cast %swap3A_81 : i32 to index
    %swap3A_83 = arith.constant 16 : index
    %swap3A_84 = tpu.vector_load %arg11[%swap3A_82, %swap3A_83] {strides = array<i32>} : memref<1x80xi32, #tpu.memory_space<vmem>>, vector<16xi32>,
    tpu.vector_store %arg11[%swap3A_82, %swap3A_83], %and3A_80 {strides = array<i32>} : memref<1x80xi32, #tpu.memory_space<vmem>>, vector<16xi32>,
    %shift_right_logical3A_85 = arith.shrui %get3A_79, %broadcast_in_dim3A_3 : vector<16xi32>
    %swap3A_86 = arith.constant 0 : i32
    %swap3A_87 = arith.index_cast %swap3A_86 : i32 to index
    %swap3A_88 = arith.constant 16 : index
    %swap3A_89 = tpu.vector_load %arg14[%swap3A_87, %swap3A_88] {strides = array<i32>} : memref<1x80xi32, #tpu.memory_space<vmem>>, vector<16xi32>,
    tpu.vector_store %arg14[%swap3A_87, %swap3A_88], %shift_right_logical3A_85 {strides = array<i32>} : memref<1x80xi32, #tpu.memory_space<vmem>>, vector<16xi32>,
    %get3A_90 = arith.constant 112 : index
    %get3A_91 = tpu.vector_load %arg6[%get3A_90] {strides = array<i32>} : memref<10000xi32, #tpu.memory_space<vmem>>, vector<16xi32>,
    %and3A_92 = arith.andi %get3A_91, %broadcast_in_dim3A_1 : vector<16xi32>
    %swap3A_93 = arith.constant 0 : i32
    %swap3A_94 = arith.index_cast %swap3A_93 : i32 to index
    %swap3A_95 = arith.constant 32 : index
    %swap3A_96 = tpu.vector_load %arg11[%swap3A_94, %swap3A_95] {strides = array<i32>} : memref<1x80xi32, #tpu.memory_space<vmem>>, vector<16xi32>,
    tpu.vector_store %arg11[%swap3A_94, %swap3A_95], %and3A_92 {strides = array<i32>} : memref<1x80xi32, #tpu.memory_space<vmem>>, vector<16xi32>,
    %shift_right_logical3A_97 = arith.shrui %get3A_91, %broadcast_in_dim3A_3 : vector<16xi32>
    %swap3A_98 = arith.constant 0 : i32
    %swap3A_99 = arith.index_cast %swap3A_98 : i32 to index
    %swap3A_100 = arith.constant 32 : index
    %swap3A_101 = tpu.vector_load %arg14[%swap3A_99, %swap3A_100] {strides = array<i32>} : memref<1x80xi32, #tpu.memory_space<vmem>>, vector<16xi32>,
    tpu.vector_store %arg14[%swap3A_99, %swap3A_100], %shift_right_logical3A_97 {strides = array<i32>} : memref<1x80xi32, #tpu.memory_space<vmem>>, vector<16xi32>,
    %get3A_102 = arith.constant 128 : index
    %get3A_103 = tpu.vector_load %arg6[%get3A_102] {strides = array<i32>} : memref<10000xi32, #tpu.memory_space<vmem>>, vector<16xi32>,
    %and3A_104 = arith.andi %get3A_103, %broadcast_in_dim3A_1 : vector<16xi32>
    %swap3A_105 = arith.constant 0 : i32
    %swap3A_106 = arith.index_cast %swap3A_105 : i32 to index
    %swap3A_107 = arith.constant 48 : index
    %swap3A_108 = tpu.vector_load %arg11[%swap3A_106, %swap3A_107] {strides = array<i32>} : memref<1x80xi32, #tpu.memory_space<vmem>>, vector<16xi32>,
    tpu.vector_store %arg11[%swap3A_106, %swap3A_107], %and3A_104 {strides = array<i32>} : memref<1x80xi32, #tpu.memory_space<vmem>>, vector<16xi32>,
    %shift_right_logical3A_109 = arith.shrui %get3A_103, %broadcast_in_dim3A_3 : vector<16xi32>
    %swap3A_110 = arith.constant 0 : i32
    %swap3A_111 = arith.index_cast %swap3A_110 : i32 to index
    %swap3A_112 = arith.constant 48 : index
    %swap3A_113 = tpu.vector_load %arg14[%swap3A_111, %swap3A_112] {strides = array<i32>} : memref<1x80xi32, #tpu.memory_space<vmem>>, vector<16xi32>,
    tpu.vector_store %arg14[%swap3A_111, %swap3A_112], %shift_right_logical3A_109 {strides = array<i32>} : memref<1x80xi32, #tpu.memory_space<vmem>>, vector<16xi32>,
    %get3A_114 = arith.constant 144 : index
    %get3A_115 = tpu.vector_load %arg6[%get3A_114] {strides = array<i32>} : memref<10000xi32, #tpu.memory_space<vmem>>, vector<16xi32>,
    %and3A_116 = arith.andi %get3A_115, %broadcast_in_dim3A_1 : vector<16xi32>
    %swap3A_117 = arith.constant 0 : i32
    %swap3A_118 = arith.index_cast %swap3A_117 : i32 to index
    %swap3A_119 = arith.constant 64 : index
    %swap3A_120 = tpu.vector_load %arg11[%swap3A_118, %swap3A_119] {strides = array<i32>} : memref<1x80xi32, #tpu.memory_space<vmem>>, vector<16xi32>,
    tpu.vector_store %arg11[%swap3A_118, %swap3A_119], %and3A_116 {strides = array<i32>} : memref<1x80xi32, #tpu.memory_space<vmem>>, vector<16xi32>,
    %shift_right_logical3A_121 = arith.shrui %get3A_115, %broadcast_in_dim3A_3 : vector<16xi32>
    %swap3A_122 = arith.constant 0 : i32
    %swap3A_123 = arith.index_cast %swap3A_122 : i32 to index
    %swap3A_124 = arith.constant 64 : index
    %swap3A_125 = tpu.vector_load %arg14[%swap3A_123, %swap3A_124] {strides = array<i32>} : memref<1x80xi32, #tpu.memory_space<vmem>>, vector<16xi32>,
    tpu.vector_store %arg14[%swap3A_123, %swap3A_124], %shift_right_logical3A_121 {strides = array<i32>} : memref<1x80xi32, #tpu.memory_space<vmem>>, vector<16xi32>,
    %dma_start3A_126 = arith.constant 0 : i32
    %dma_start3A_127 = arith.constant 0 : i32
    %dma_start3A_128 = tpu.memref_slice %arg11[%dma_start3A_126, %dma_start3A_127] : memref<1x80xi32, #tpu.memory_space<vmem>> -> memref<1x80xi32, #tpu.memory_space<vmem>>
    %dma_start3A_129 = tpu.memref_squeeze %dma_start3A_128 : memref<1x80xi32, #tpu.memory_space<vmem>> -> memref<80xi32, #tpu.memory_space<vmem>>
    %dma_start3A_130 = arith.constant 0 : i32
    %dma_start3A_131 = arith.constant 0 : i32
    %dma_start3A_132 = tpu.memref_slice %arg2[%dma_start3A_130, %dma_start3A_131] : memref<10000x128xf32, #tpu.memory_space<hbm>> -> memref<10000x128xf32, #tpu.memory_space<hbm>>
    tpu.enqueue_indirect_dma source(%dma_start3A_132 : memref<10000x128xf32, #tpu.memory_space<hbm>>) target(%arg8 : memref<80x128xf32, #tpu.memory_space<vmem>>) offsets(%dma_start3A_129 : memref<80xi32, #tpu.memory_space<vmem>>) semaphore(%arg17 : memref<!tpu.dma_semaphore, #tpu.memory_space<semaphore_mem>>)
    %scan3A = arith.constant 0 : i32
    %scan3A_133 = arith.constant 0 : i32
    %scan3A_134 = arith.constant 512 : i32
    %scan3A_135 = arith.addi %scan3A_133, %scan3A_134 : i32
    %scan3A_136 = arith.constant 1 : i32
    scf.for %scan3A_297 = %scan3A_133 to %scan3A_135 step %scan3A_136  : i32 {
      %jit3A = arith.constant 8 : i32
      %div3A = arith.divsi %scan3A_297, %jit3A : i32
      %sign3A = arith.constant 0 : i32
      %sign3A_298 = arith.cmpi sgt, %scan3A_297, %sign3A : i32
      %sign3A_299 = arith.extui %sign3A_298 : i1 to i32
      %sign3A_300 = arith.constant 0 : i32
      %sign3A_301 = arith.cmpi slt, %scan3A_297, %sign3A_300 : i32
      %sign3A_302 = arith.extui %sign3A_301 : i1 to i32
      %sign3A_303 = arith.subi %sign3A_299, %sign3A_302 : i32
      %sign3A_304 = arith.constant 0 : i32
      %sign3A_305 = arith.cmpi sgt, %jit3A, %sign3A_304 : i32
      %sign3A_306 = arith.extui %sign3A_305 : i1 to i32
      %sign3A_307 = arith.constant 0 : i32
      %sign3A_308 = arith.cmpi slt, %jit3A, %sign3A_307 : i32
      %sign3A_309 = arith.extui %sign3A_308 : i1 to i32
      %sign3A_310 = arith.subi %sign3A_306, %sign3A_309 : i32
      %ne3A = arith.cmpi ne, %sign3A_303, %sign3A_310 : i32
      %rem3A = arith.remsi %scan3A_297, %jit3A : i32
      %ne3A_311 = arith.constant 0 : i32
      %ne3A_312 = arith.cmpi ne, %rem3A, %ne3A_311 : i32
      %and3A_313 = arith.andi %ne3A, %ne3A_312 : i1
      %sub3A = arith.constant 1 : i32
      %sub3A_314 = arith.subi %div3A, %sub3A : i32
      %select_n3A = arith.select %and3A_313, %sub3A_314, %div3A : i32
      %jit3A_315 = arith.constant 8 : i32
      %eq3A = arith.constant 0 : i32
      %eq3A_316 = arith.cmpi eq, %jit3A_315, %eq3A : i32
      %jit3A_317 = arith.constant 1 : i32
      %select_n3A_318 = arith.select %eq3A_316, %jit3A_317, %jit3A_315 : i32
      %rem3A_319 = arith.remsi %scan3A_297, %select_n3A_318 : i32
      %ne3A_320 = arith.constant 0 : i32
      %ne3A_321 = arith.cmpi ne, %rem3A_319, %ne3A_320 : i32
      %lt3A = arith.constant 0 : i32
      %lt3A_322 = arith.cmpi slt, %rem3A_319, %lt3A : i32
      %lt3A_323 = arith.constant 0 : i32
      %lt3A_324 = arith.cmpi slt, %select_n3A_318, %lt3A_323 : i32
      %ne3A_325 = arith.xori %lt3A_322, %lt3A_324 : i1
      %and3A_326 = arith.andi %ne3A_325, %ne3A_321 : i1
      %add3A_327 = arith.addi %rem3A_319, %select_n3A_318 : i32
      %select_n3A_328 = arith.select %and3A_326, %add3A_327, %rem3A_319 : i32
      %broadcast_in_dim3A_329 = arith.constant 0.000000e+00 : f32
      %broadcast_in_dim3A_330 = vector.broadcast %broadcast_in_dim3A_329 : f32 to vector<16xf32>
      %mul3A_331 = arith.constant 16 : i32
      %mul3A_332 = arith.muli %select_n3A_328, %mul3A_331 : i32
      %swap3A_333 = arith.index_cast %select_n3A : i32 to index
      %swap3A_334 = arith.index_cast %mul3A_332 : i32 to index
      %swap3A_335 = tpu.vector_load %arg9[%swap3A_333, %swap3A_334] {strides = array<i32>} : memref<80x128xf32, #tpu.memory_space<vmem>>, vector<16xf32>,
      tpu.vector_store %arg9[%swap3A_333, %swap3A_334], %broadcast_in_dim3A_330 {strides = array<i32>} : memref<80x128xf32, #tpu.memory_space<vmem>>, vector<16xf32>,
    }
    %scan3A_137 = arith.constant 512 : i32
    %mul3A_138 = arith.constant 640 : i32
    %mul3A_139 = arith.muli %arg1, %mul3A_138 : i32
    %add3A_140 = arith.constant 0 : i32
    %add3A_141 = arith.addi %mul3A_139, %add3A_140 : i32
    "tpu.region"() ({
      %run_scoped3A = tpu.sem_alloc : memref<!tpu.dma_semaphore, #tpu.memory_space<semaphore_mem>>
      %dma_start3A_297 = arith.constant 0 : i32
      %dma_start3A_298 = arith.constant 0 : i32
      %dma_start3A_299 = tpu.memref_slice %arg9[%dma_start3A_297, %dma_start3A_298] : memref<80x128xf32, #tpu.memory_space<vmem>> -> memref<64x128xf32, #tpu.memory_space<vmem>>
      %dma_start3A_300 = arith.constant 0 : i32
      %dma_start3A_301 = tpu.memref_slice %arg5[%add3A_141, %dma_start3A_300] : memref<10240x128xf32, #tpu.memory_space<vmem_shared>> -> memref<64x128xf32, #tpu.memory_space<vmem_shared>>
      %dma_start3A_302 = arith.constant 0 : i32
      %dma_start3A_303 = tpu.memref_slice %arg5[%add3A_141, %dma_start3A_302] : memref<10240x128xf32, #tpu.memory_space<vmem_shared>> -> memref<64x128xf32, #tpu.memory_space<vmem_shared>>
      %dma_start3A_304 = arith.constant 0 : i32
      %dma_start3A_305 = arith.constant 0 : i32
      %dma_start3A_306 = tpu.memref_slice %arg9[%dma_start3A_304, %dma_start3A_305] : memref<80x128xf32, #tpu.memory_space<vmem>> -> memref<64x128xf32, #tpu.memory_space<vmem>>
      tpu.enqueue_dma source(%dma_start3A_306 : memref<64x128xf32, #tpu.memory_space<vmem>>) target(%dma_start3A_303 : memref<64x128xf32, #tpu.memory_space<vmem_shared>>) target_semaphore(%run_scoped3A : memref<!tpu.dma_semaphore, #tpu.memory_space<semaphore_mem>>)
      %dma_wait3A_307 = arith.constant 0 : i32
      %dma_wait3A_308 = arith.constant 0 : i32
      %dma_wait3A_309 = tpu.memref_slice %arg9[%dma_wait3A_307, %dma_wait3A_308] : memref<80x128xf32, #tpu.memory_space<vmem>> -> memref<64x128xf32, #tpu.memory_space<vmem>>
      %dma_wait3A_310 = arith.constant 0 : i32
      %dma_wait3A_311 = tpu.memref_slice %arg5[%add3A_141, %dma_wait3A_310] : memref<10240x128xf32, #tpu.memory_space<vmem_shared>> -> memref<64x128xf32, #tpu.memory_space<vmem_shared>>
      %dma_wait3A_312 = arith.constant 0 : i32
      %dma_wait3A_313 = tpu.memref_slice %arg5[%add3A_141, %dma_wait3A_312] : memref<10240x128xf32, #tpu.memory_space<vmem_shared>> -> memref<64x128xf32, #tpu.memory_space<vmem_shared>>
      %dma_wait3A_314 = arith.constant 0 : i32
      %dma_wait3A_315 = arith.constant 0 : i32
      %dma_wait3A_316 = tpu.memref_slice %arg9[%dma_wait3A_314, %dma_wait3A_315] : memref<80x128xf32, #tpu.memory_space<vmem>> -> memref<64x128xf32, #tpu.memory_space<vmem>>
      tpu.wait_dma2 semaphore(%run_scoped3A : memref<!tpu.dma_semaphore, #tpu.memory_space<semaphore_mem>>) src(%dma_wait3A_316 : memref<64x128xf32, #tpu.memory_space<vmem>>) dst(%dma_wait3A_313 : memref<64x128xf32, #tpu.memory_space<vmem_shared>>)
      tpu.yield
    }) : () -> ()
    %mul3A_142 = arith.constant 640 : i32
    %mul3A_143 = arith.muli %arg1, %mul3A_142 : i32
    %add3A_144 = arith.constant 64 : i32
    %add3A_145 = arith.addi %mul3A_143, %add3A_144 : i32
    "tpu.region"() ({
      %run_scoped3A = tpu.sem_alloc : memref<!tpu.dma_semaphore, #tpu.memory_space<semaphore_mem>>
      %dma_start3A_297 = arith.constant 0 : i32
      %dma_start3A_298 = arith.constant 0 : i32
      %dma_start3A_299 = tpu.memref_slice %arg9[%dma_start3A_297, %dma_start3A_298] : memref<80x128xf32, #tpu.memory_space<vmem>> -> memref<64x128xf32, #tpu.memory_space<vmem>>
      %dma_start3A_300 = arith.constant 0 : i32
      %dma_start3A_301 = tpu.memref_slice %arg5[%add3A_145, %dma_start3A_300] : memref<10240x128xf32, #tpu.memory_space<vmem_shared>> -> memref<64x128xf32, #tpu.memory_space<vmem_shared>>
      %dma_start3A_302 = arith.constant 0 : i32
      %dma_start3A_303 = tpu.memref_slice %arg5[%add3A_145, %dma_start3A_302] : memref<10240x128xf32, #tpu.memory_space<vmem_shared>> -> memref<64x128xf32, #tpu.memory_space<vmem_shared>>
      %dma_start3A_304 = arith.constant 0 : i32
      %dma_start3A_305 = arith.constant 0 : i32
      %dma_start3A_306 = tpu.memref_slice %arg9[%dma_start3A_304, %dma_start3A_305] : memref<80x128xf32, #tpu.memory_space<vmem>> -> memref<64x128xf32, #tpu.memory_space<vmem>>
      tpu.enqueue_dma source(%dma_start3A_306 : memref<64x128xf32, #tpu.memory_space<vmem>>) target(%dma_start3A_303 : memref<64x128xf32, #tpu.memory_space<vmem_shared>>) target_semaphore(%run_scoped3A : memref<!tpu.dma_semaphore, #tpu.memory_space<semaphore_mem>>)
      %dma_wait3A_307 = arith.constant 0 : i32
      %dma_wait3A_308 = arith.constant 0 : i32
      %dma_wait3A_309 = tpu.memref_slice %arg9[%dma_wait3A_307, %dma_wait3A_308] : memref<80x128xf32, #tpu.memory_space<vmem>> -> memref<64x128xf32, #tpu.memory_space<vmem>>
      %dma_wait3A_310 = arith.constant 0 : i32
      %dma_wait3A_311 = tpu.memref_slice %arg5[%add3A_145, %dma_wait3A_310] : memref<10240x128xf32, #tpu.memory_space<vmem_shared>> -> memref<64x128xf32, #tpu.memory_space<vmem_shared>>
      %dma_wait3A_312 = arith.constant 0 : i32
      %dma_wait3A_313 = tpu.memref_slice %arg5[%add3A_145, %dma_wait3A_312] : memref<10240x128xf32, #tpu.memory_space<vmem_shared>> -> memref<64x128xf32, #tpu.memory_space<vmem_shared>>
      %dma_wait3A_314 = arith.constant 0 : i32
      %dma_wait3A_315 = arith.constant 0 : i32
      %dma_wait3A_316 = tpu.memref_slice %arg9[%dma_wait3A_314, %dma_wait3A_315] : memref<80x128xf32, #tpu.memory_space<vmem>> -> memref<64x128xf32, #tpu.memory_space<vmem>>
      tpu.wait_dma2 semaphore(%run_scoped3A : memref<!tpu.dma_semaphore, #tpu.memory_space<semaphore_mem>>) src(%dma_wait3A_316 : memref<64x128xf32, #tpu.memory_space<vmem>>) dst(%dma_wait3A_313 : memref<64x128xf32, #tpu.memory_space<vmem_shared>>)
      tpu.yield
    }) : () -> ()
    %mul3A_146 = arith.constant 640 : i32
    %mul3A_147 = arith.muli %arg1, %mul3A_146 : i32
    %add3A_148 = arith.constant 128 : i32
    %add3A_149 = arith.addi %mul3A_147, %add3A_148 : i32
    "tpu.region"() ({
      %run_scoped3A = tpu.sem_alloc : memref<!tpu.dma_semaphore, #tpu.memory_space<semaphore_mem>>
      %dma_start3A_297 = arith.constant 0 : i32
      %dma_start3A_298 = arith.constant 0 : i32
      %dma_start3A_299 = tpu.memref_slice %arg9[%dma_start3A_297, %dma_start3A_298] : memref<80x128xf32, #tpu.memory_space<vmem>> -> memref<64x128xf32, #tpu.memory_space<vmem>>
      %dma_start3A_300 = arith.constant 0 : i32
      %dma_start3A_301 = tpu.memref_slice %arg5[%add3A_149, %dma_start3A_300] : memref<10240x128xf32, #tpu.memory_space<vmem_shared>> -> memref<64x128xf32, #tpu.memory_space<vmem_shared>>
      %dma_start3A_302 = arith.constant 0 : i32
      %dma_start3A_303 = tpu.memref_slice %arg5[%add3A_149, %dma_start3A_302] : memref<10240x128xf32, #tpu.memory_space<vmem_shared>> -> memref<64x128xf32, #tpu.memory_space<vmem_shared>>
      %dma_start3A_304 = arith.constant 0 : i32
      %dma_start3A_305 = arith.constant 0 : i32
      %dma_start3A_306 = tpu.memref_slice %arg9[%dma_start3A_304, %dma_start3A_305] : memref<80x128xf32, #tpu.memory_space<vmem>> -> memref<64x128xf32, #tpu.memory_space<vmem>>
      tpu.enqueue_dma source(%dma_start3A_306 : memref<64x128xf32, #tpu.memory_space<vmem>>) target(%dma_start3A_303 : memref<64x128xf32, #tpu.memory_space<vmem_shared>>) target_semaphore(%run_scoped3A : memref<!tpu.dma_semaphore, #tpu.memory_space<semaphore_mem>>)
      %dma_wait3A_307 = arith.constant 0 : i32
      %dma_wait3A_308 = arith.constant 0 : i32
      %dma_wait3A_309 = tpu.memref_slice %arg9[%dma_wait3A_307, %dma_wait3A_308] : memref<80x128xf32, #tpu.memory_space<vmem>> -> memref<64x128xf32, #tpu.memory_space<vmem>>
      %dma_wait3A_310 = arith.constant 0 : i32
      %dma_wait3A_311 = tpu.memref_slice %arg5[%add3A_149, %dma_wait3A_310] : memref<10240x128xf32, #tpu.memory_space<vmem_shared>> -> memref<64x128xf32, #tpu.memory_space<vmem_shared>>
      %dma_wait3A_312 = arith.constant 0 : i32
      %dma_wait3A_313 = tpu.memref_slice %arg5[%add3A_149, %dma_wait3A_312] : memref<10240x128xf32, #tpu.memory_space<vmem_shared>> -> memref<64x128xf32, #tpu.memory_space<vmem_shared>>
      %dma_wait3A_314 = arith.constant 0 : i32
      %dma_wait3A_315 = arith.constant 0 : i32
      %dma_wait3A_316 = tpu.memref_slice %arg9[%dma_wait3A_314, %dma_wait3A_315] : memref<80x128xf32, #tpu.memory_space<vmem>> -> memref<64x128xf32, #tpu.memory_space<vmem>>
      tpu.wait_dma2 semaphore(%run_scoped3A : memref<!tpu.dma_semaphore, #tpu.memory_space<semaphore_mem>>) src(%dma_wait3A_316 : memref<64x128xf32, #tpu.memory_space<vmem>>) dst(%dma_wait3A_313 : memref<64x128xf32, #tpu.memory_space<vmem_shared>>)
      tpu.yield
    }) : () -> ()
    %mul3A_150 = arith.constant 640 : i32
    %mul3A_151 = arith.muli %arg1, %mul3A_150 : i32
    %add3A_152 = arith.constant 192 : i32
    %add3A_153 = arith.addi %mul3A_151, %add3A_152 : i32
    "tpu.region"() ({
      %run_scoped3A = tpu.sem_alloc : memref<!tpu.dma_semaphore, #tpu.memory_space<semaphore_mem>>
      %dma_start3A_297 = arith.constant 0 : i32
      %dma_start3A_298 = arith.constant 0 : i32
      %dma_start3A_299 = tpu.memref_slice %arg9[%dma_start3A_297, %dma_start3A_298] : memref<80x128xf32, #tpu.memory_space<vmem>> -> memref<64x128xf32, #tpu.memory_space<vmem>>
      %dma_start3A_300 = arith.constant 0 : i32
      %dma_start3A_301 = tpu.memref_slice %arg5[%add3A_153, %dma_start3A_300] : memref<10240x128xf32, #tpu.memory_space<vmem_shared>> -> memref<64x128xf32, #tpu.memory_space<vmem_shared>>
      %dma_start3A_302 = arith.constant 0 : i32
      %dma_start3A_303 = tpu.memref_slice %arg5[%add3A_153, %dma_start3A_302] : memref<10240x128xf32, #tpu.memory_space<vmem_shared>> -> memref<64x128xf32, #tpu.memory_space<vmem_shared>>
      %dma_start3A_304 = arith.constant 0 : i32
      %dma_start3A_305 = arith.constant 0 : i32
      %dma_start3A_306 = tpu.memref_slice %arg9[%dma_start3A_304, %dma_start3A_305] : memref<80x128xf32, #tpu.memory_space<vmem>> -> memref<64x128xf32, #tpu.memory_space<vmem>>
      tpu.enqueue_dma source(%dma_start3A_306 : memref<64x128xf32, #tpu.memory_space<vmem>>) target(%dma_start3A_303 : memref<64x128xf32, #tpu.memory_space<vmem_shared>>) target_semaphore(%run_scoped3A : memref<!tpu.dma_semaphore, #tpu.memory_space<semaphore_mem>>)
      %dma_wait3A_307 = arith.constant 0 : i32
      %dma_wait3A_308 = arith.constant 0 : i32
      %dma_wait3A_309 = tpu.memref_slice %arg9[%dma_wait3A_307, %dma_wait3A_308] : memref<80x128xf32, #tpu.memory_space<vmem>> -> memref<64x128xf32, #tpu.memory_space<vmem>>
      %dma_wait3A_310 = arith.constant 0 : i32
      %dma_wait3A_311 = tpu.memref_slice %arg5[%add3A_153, %dma_wait3A_310] : memref<10240x128xf32, #tpu.memory_space<vmem_shared>> -> memref<64x128xf32, #tpu.memory_space<vmem_shared>>
      %dma_wait3A_312 = arith.constant 0 : i32
      %dma_wait3A_313 = tpu.memref_slice %arg5[%add3A_153, %dma_wait3A_312] : memref<10240x128xf32, #tpu.memory_space<vmem_shared>> -> memref<64x128xf32, #tpu.memory_space<vmem_shared>>
      %dma_wait3A_314 = arith.constant 0 : i32
      %dma_wait3A_315 = arith.constant 0 : i32
      %dma_wait3A_316 = tpu.memref_slice %arg9[%dma_wait3A_314, %dma_wait3A_315] : memref<80x128xf32, #tpu.memory_space<vmem>> -> memref<64x128xf32, #tpu.memory_space<vmem>>
      tpu.wait_dma2 semaphore(%run_scoped3A : memref<!tpu.dma_semaphore, #tpu.memory_space<semaphore_mem>>) src(%dma_wait3A_316 : memref<64x128xf32, #tpu.memory_space<vmem>>) dst(%dma_wait3A_313 : memref<64x128xf32, #tpu.memory_space<vmem_shared>>)
      tpu.yield
    }) : () -> ()
    %mul3A_154 = arith.constant 640 : i32
    %mul3A_155 = arith.muli %arg1, %mul3A_154 : i32
    %add3A_156 = arith.constant 256 : i32
    %add3A_157 = arith.addi %mul3A_155, %add3A_156 : i32
    "tpu.region"() ({
      %run_scoped3A = tpu.sem_alloc : memref<!tpu.dma_semaphore, #tpu.memory_space<semaphore_mem>>
      %dma_start3A_297 = arith.constant 0 : i32
      %dma_start3A_298 = arith.constant 0 : i32
      %dma_start3A_299 = tpu.memref_slice %arg9[%dma_start3A_297, %dma_start3A_298] : memref<80x128xf32, #tpu.memory_space<vmem>> -> memref<64x128xf32, #tpu.memory_space<vmem>>
      %dma_start3A_300 = arith.constant 0 : i32
      %dma_start3A_301 = tpu.memref_slice %arg5[%add3A_157, %dma_start3A_300] : memref<10240x128xf32, #tpu.memory_space<vmem_shared>> -> memref<64x128xf32, #tpu.memory_space<vmem_shared>>
      %dma_start3A_302 = arith.constant 0 : i32
      %dma_start3A_303 = tpu.memref_slice %arg5[%add3A_157, %dma_start3A_302] : memref<10240x128xf32, #tpu.memory_space<vmem_shared>> -> memref<64x128xf32, #tpu.memory_space<vmem_shared>>
      %dma_start3A_304 = arith.constant 0 : i32
      %dma_start3A_305 = arith.constant 0 : i32
      %dma_start3A_306 = tpu.memref_slice %arg9[%dma_start3A_304, %dma_start3A_305] : memref<80x128xf32, #tpu.memory_space<vmem>> -> memref<64x128xf32, #tpu.memory_space<vmem>>
      tpu.enqueue_dma source(%dma_start3A_306 : memref<64x128xf32, #tpu.memory_space<vmem>>) target(%dma_start3A_303 : memref<64x128xf32, #tpu.memory_space<vmem_shared>>) target_semaphore(%run_scoped3A : memref<!tpu.dma_semaphore, #tpu.memory_space<semaphore_mem>>)
      %dma_wait3A_307 = arith.constant 0 : i32
      %dma_wait3A_308 = arith.constant 0 : i32
      %dma_wait3A_309 = tpu.memref_slice %arg9[%dma_wait3A_307, %dma_wait3A_308] : memref<80x128xf32, #tpu.memory_space<vmem>> -> memref<64x128xf32, #tpu.memory_space<vmem>>
      %dma_wait3A_310 = arith.constant 0 : i32
      %dma_wait3A_311 = tpu.memref_slice %arg5[%add3A_157, %dma_wait3A_310] : memref<10240x128xf32, #tpu.memory_space<vmem_shared>> -> memref<64x128xf32, #tpu.memory_space<vmem_shared>>
      %dma_wait3A_312 = arith.constant 0 : i32
      %dma_wait3A_313 = tpu.memref_slice %arg5[%add3A_157, %dma_wait3A_312] : memref<10240x128xf32, #tpu.memory_space<vmem_shared>> -> memref<64x128xf32, #tpu.memory_space<vmem_shared>>
      %dma_wait3A_314 = arith.constant 0 : i32
      %dma_wait3A_315 = arith.constant 0 : i32
      %dma_wait3A_316 = tpu.memref_slice %arg9[%dma_wait3A_314, %dma_wait3A_315] : memref<80x128xf32, #tpu.memory_space<vmem>> -> memref<64x128xf32, #tpu.memory_space<vmem>>
      tpu.wait_dma2 semaphore(%run_scoped3A : memref<!tpu.dma_semaphore, #tpu.memory_space<semaphore_mem>>) src(%dma_wait3A_316 : memref<64x128xf32, #tpu.memory_space<vmem>>) dst(%dma_wait3A_313 : memref<64x128xf32, #tpu.memory_space<vmem_shared>>)
      tpu.yield
    }) : () -> ()
    %mul3A_158 = arith.constant 640 : i32
    %mul3A_159 = arith.muli %arg1, %mul3A_158 : i32
    %add3A_160 = arith.constant 320 : i32
    %add3A_161 = arith.addi %mul3A_159, %add3A_160 : i32
    "tpu.region"() ({
      %run_scoped3A = tpu.sem_alloc : memref<!tpu.dma_semaphore, #tpu.memory_space<semaphore_mem>>
      %dma_start3A_297 = arith.constant 0 : i32
      %dma_start3A_298 = arith.constant 0 : i32
      %dma_start3A_299 = tpu.memref_slice %arg9[%dma_start3A_297, %dma_start3A_298] : memref<80x128xf32, #tpu.memory_space<vmem>> -> memref<64x128xf32, #tpu.memory_space<vmem>>
      %dma_start3A_300 = arith.constant 0 : i32
      %dma_start3A_301 = tpu.memref_slice %arg5[%add3A_161, %dma_start3A_300] : memref<10240x128xf32, #tpu.memory_space<vmem_shared>> -> memref<64x128xf32, #tpu.memory_space<vmem_shared>>
      %dma_start3A_302 = arith.constant 0 : i32
      %dma_start3A_303 = tpu.memref_slice %arg5[%add3A_161, %dma_start3A_302] : memref<10240x128xf32, #tpu.memory_space<vmem_shared>> -> memref<64x128xf32, #tpu.memory_space<vmem_shared>>
      %dma_start3A_304 = arith.constant 0 : i32
      %dma_start3A_305 = arith.constant 0 : i32
      %dma_start3A_306 = tpu.memref_slice %arg9[%dma_start3A_304, %dma_start3A_305] : memref<80x128xf32, #tpu.memory_space<vmem>> -> memref<64x128xf32, #tpu.memory_space<vmem>>
      tpu.enqueue_dma source(%dma_start3A_306 : memref<64x128xf32, #tpu.memory_space<vmem>>) target(%dma_start3A_303 : memref<64x128xf32, #tpu.memory_space<vmem_shared>>) target_semaphore(%run_scoped3A : memref<!tpu.dma_semaphore, #tpu.memory_space<semaphore_mem>>)
      %dma_wait3A_307 = arith.constant 0 : i32
      %dma_wait3A_308 = arith.constant 0 : i32
      %dma_wait3A_309 = tpu.memref_slice %arg9[%dma_wait3A_307, %dma_wait3A_308] : memref<80x128xf32, #tpu.memory_space<vmem>> -> memref<64x128xf32, #tpu.memory_space<vmem>>
      %dma_wait3A_310 = arith.constant 0 : i32
      %dma_wait3A_311 = tpu.memref_slice %arg5[%add3A_161, %dma_wait3A_310] : memref<10240x128xf32, #tpu.memory_space<vmem_shared>> -> memref<64x128xf32, #tpu.memory_space<vmem_shared>>
      %dma_wait3A_312 = arith.constant 0 : i32
      %dma_wait3A_313 = tpu.memref_slice %arg5[%add3A_161, %dma_wait3A_312] : memref<10240x128xf32, #tpu.memory_space<vmem_shared>> -> memref<64x128xf32, #tpu.memory_space<vmem_shared>>
      %dma_wait3A_314 = arith.constant 0 : i32
      %dma_wait3A_315 = arith.constant 0 : i32
      %dma_wait3A_316 = tpu.memref_slice %arg9[%dma_wait3A_314, %dma_wait3A_315] : memref<80x128xf32, #tpu.memory_space<vmem>> -> memref<64x128xf32, #tpu.memory_space<vmem>>
      tpu.wait_dma2 semaphore(%run_scoped3A : memref<!tpu.dma_semaphore, #tpu.memory_space<semaphore_mem>>) src(%dma_wait3A_316 : memref<64x128xf32, #tpu.memory_space<vmem>>) dst(%dma_wait3A_313 : memref<64x128xf32, #tpu.memory_space<vmem_shared>>)
      tpu.yield
    }) : () -> ()
    %mul3A_162 = arith.constant 640 : i32
    %mul3A_163 = arith.muli %arg1, %mul3A_162 : i32
    %add3A_164 = arith.constant 384 : i32
    %add3A_165 = arith.addi %mul3A_163, %add3A_164 : i32
    "tpu.region"() ({
      %run_scoped3A = tpu.sem_alloc : memref<!tpu.dma_semaphore, #tpu.memory_space<semaphore_mem>>
      %dma_start3A_297 = arith.constant 0 : i32
      %dma_start3A_298 = arith.constant 0 : i32
      %dma_start3A_299 = tpu.memref_slice %arg9[%dma_start3A_297, %dma_start3A_298] : memref<80x128xf32, #tpu.memory_space<vmem>> -> memref<64x128xf32, #tpu.memory_space<vmem>>
      %dma_start3A_300 = arith.constant 0 : i32
      %dma_start3A_301 = tpu.memref_slice %arg5[%add3A_165, %dma_start3A_300] : memref<10240x128xf32, #tpu.memory_space<vmem_shared>> -> memref<64x128xf32, #tpu.memory_space<vmem_shared>>
      %dma_start3A_302 = arith.constant 0 : i32
      %dma_start3A_303 = tpu.memref_slice %arg5[%add3A_165, %dma_start3A_302] : memref<10240x128xf32, #tpu.memory_space<vmem_shared>> -> memref<64x128xf32, #tpu.memory_space<vmem_shared>>
      %dma_start3A_304 = arith.constant 0 : i32
      %dma_start3A_305 = arith.constant 0 : i32
      %dma_start3A_306 = tpu.memref_slice %arg9[%dma_start3A_304, %dma_start3A_305] : memref<80x128xf32, #tpu.memory_space<vmem>> -> memref<64x128xf32, #tpu.memory_space<vmem>>
      tpu.enqueue_dma source(%dma_start3A_306 : memref<64x128xf32, #tpu.memory_space<vmem>>) target(%dma_start3A_303 : memref<64x128xf32, #tpu.memory_space<vmem_shared>>) target_semaphore(%run_scoped3A : memref<!tpu.dma_semaphore, #tpu.memory_space<semaphore_mem>>)
      %dma_wait3A_307 = arith.constant 0 : i32
      %dma_wait3A_308 = arith.constant 0 : i32
      %dma_wait3A_309 = tpu.memref_slice %arg9[%dma_wait3A_307, %dma_wait3A_308] : memref<80x128xf32, #tpu.memory_space<vmem>> -> memref<64x128xf32, #tpu.memory_space<vmem>>
      %dma_wait3A_310 = arith.constant 0 : i32
      %dma_wait3A_311 = tpu.memref_slice %arg5[%add3A_165, %dma_wait3A_310] : memref<10240x128xf32, #tpu.memory_space<vmem_shared>> -> memref<64x128xf32, #tpu.memory_space<vmem_shared>>
      %dma_wait3A_312 = arith.constant 0 : i32
      %dma_wait3A_313 = tpu.memref_slice %arg5[%add3A_165, %dma_wait3A_312] : memref<10240x128xf32, #tpu.memory_space<vmem_shared>> -> memref<64x128xf32, #tpu.memory_space<vmem_shared>>
      %dma_wait3A_314 = arith.constant 0 : i32
      %dma_wait3A_315 = arith.constant 0 : i32
      %dma_wait3A_316 = tpu.memref_slice %arg9[%dma_wait3A_314, %dma_wait3A_315] : memref<80x128xf32, #tpu.memory_space<vmem>> -> memref<64x128xf32, #tpu.memory_space<vmem>>
      tpu.wait_dma2 semaphore(%run_scoped3A : memref<!tpu.dma_semaphore, #tpu.memory_space<semaphore_mem>>) src(%dma_wait3A_316 : memref<64x128xf32, #tpu.memory_space<vmem>>) dst(%dma_wait3A_313 : memref<64x128xf32, #tpu.memory_space<vmem_shared>>)
      tpu.yield
    }) : () -> ()
    %mul3A_166 = arith.constant 640 : i32
    %mul3A_167 = arith.muli %arg1, %mul3A_166 : i32
    %add3A_168 = arith.constant 448 : i32
    %add3A_169 = arith.addi %mul3A_167, %add3A_168 : i32
    "tpu.region"() ({
      %run_scoped3A = tpu.sem_alloc : memref<!tpu.dma_semaphore, #tpu.memory_space<semaphore_mem>>
      %dma_start3A_297 = arith.constant 0 : i32
      %dma_start3A_298 = arith.constant 0 : i32
      %dma_start3A_299 = tpu.memref_slice %arg9[%dma_start3A_297, %dma_start3A_298] : memref<80x128xf32, #tpu.memory_space<vmem>> -> memref<64x128xf32, #tpu.memory_space<vmem>>
      %dma_start3A_300 = arith.constant 0 : i32
      %dma_start3A_301 = tpu.memref_slice %arg5[%add3A_169, %dma_start3A_300] : memref<10240x128xf32, #tpu.memory_space<vmem_shared>> -> memref<64x128xf32, #tpu.memory_space<vmem_shared>>
      %dma_start3A_302 = arith.constant 0 : i32
      %dma_start3A_303 = tpu.memref_slice %arg5[%add3A_169, %dma_start3A_302] : memref<10240x128xf32, #tpu.memory_space<vmem_shared>> -> memref<64x128xf32, #tpu.memory_space<vmem_shared>>
      %dma_start3A_304 = arith.constant 0 : i32
      %dma_start3A_305 = arith.constant 0 : i32
      %dma_start3A_306 = tpu.memref_slice %arg9[%dma_start3A_304, %dma_start3A_305] : memref<80x128xf32, #tpu.memory_space<vmem>> -> memref<64x128xf32, #tpu.memory_space<vmem>>
      tpu.enqueue_dma source(%dma_start3A_306 : memref<64x128xf32, #tpu.memory_space<vmem>>) target(%dma_start3A_303 : memref<64x128xf32, #tpu.memory_space<vmem_shared>>) target_semaphore(%run_scoped3A : memref<!tpu.dma_semaphore, #tpu.memory_space<semaphore_mem>>)
      %dma_wait3A_307 = arith.constant 0 : i32
      %dma_wait3A_308 = arith.constant 0 : i32
      %dma_wait3A_309 = tpu.memref_slice %arg9[%dma_wait3A_307, %dma_wait3A_308] : memref<80x128xf32, #tpu.memory_space<vmem>> -> memref<64x128xf32, #tpu.memory_space<vmem>>
      %dma_wait3A_310 = arith.constant 0 : i32
      %dma_wait3A_311 = tpu.memref_slice %arg5[%add3A_169, %dma_wait3A_310] : memref<10240x128xf32, #tpu.memory_space<vmem_shared>> -> memref<64x128xf32, #tpu.memory_space<vmem_shared>>
      %dma_wait3A_312 = arith.constant 0 : i32
      %dma_wait3A_313 = tpu.memref_slice %arg5[%add3A_169, %dma_wait3A_312] : memref<10240x128xf32, #tpu.memory_space<vmem_shared>> -> memref<64x128xf32, #tpu.memory_space<vmem_shared>>
      %dma_wait3A_314 = arith.constant 0 : i32
      %dma_wait3A_315 = arith.constant 0 : i32
      %dma_wait3A_316 = tpu.memref_slice %arg9[%dma_wait3A_314, %dma_wait3A_315] : memref<80x128xf32, #tpu.memory_space<vmem>> -> memref<64x128xf32, #tpu.memory_space<vmem>>
      tpu.wait_dma2 semaphore(%run_scoped3A : memref<!tpu.dma_semaphore, #tpu.memory_space<semaphore_mem>>) src(%dma_wait3A_316 : memref<64x128xf32, #tpu.memory_space<vmem>>) dst(%dma_wait3A_313 : memref<64x128xf32, #tpu.memory_space<vmem_shared>>)
      tpu.yield
    }) : () -> ()
    %mul3A_170 = arith.constant 640 : i32
    %mul3A_171 = arith.muli %arg1, %mul3A_170 : i32
    %add3A_172 = arith.constant 512 : i32
    %add3A_173 = arith.addi %mul3A_171, %add3A_172 : i32
    "tpu.region"() ({
      %run_scoped3A = tpu.sem_alloc : memref<!tpu.dma_semaphore, #tpu.memory_space<semaphore_mem>>
      %dma_start3A_297 = arith.constant 0 : i32
      %dma_start3A_298 = arith.constant 0 : i32
      %dma_start3A_299 = tpu.memref_slice %arg9[%dma_start3A_297, %dma_start3A_298] : memref<80x128xf32, #tpu.memory_space<vmem>> -> memref<64x128xf32, #tpu.memory_space<vmem>>
      %dma_start3A_300 = arith.constant 0 : i32
      %dma_start3A_301 = tpu.memref_slice %arg5[%add3A_173, %dma_start3A_300] : memref<10240x128xf32, #tpu.memory_space<vmem_shared>> -> memref<64x128xf32, #tpu.memory_space<vmem_shared>>
      %dma_start3A_302 = arith.constant 0 : i32
      %dma_start3A_303 = tpu.memref_slice %arg5[%add3A_173, %dma_start3A_302] : memref<10240x128xf32, #tpu.memory_space<vmem_shared>> -> memref<64x128xf32, #tpu.memory_space<vmem_shared>>
      %dma_start3A_304 = arith.constant 0 : i32
      %dma_start3A_305 = arith.constant 0 : i32
      %dma_start3A_306 = tpu.memref_slice %arg9[%dma_start3A_304, %dma_start3A_305] : memref<80x128xf32, #tpu.memory_space<vmem>> -> memref<64x128xf32, #tpu.memory_space<vmem>>
      tpu.enqueue_dma source(%dma_start3A_306 : memref<64x128xf32, #tpu.memory_space<vmem>>) target(%dma_start3A_303 : memref<64x128xf32, #tpu.memory_space<vmem_shared>>) target_semaphore(%run_scoped3A : memref<!tpu.dma_semaphore, #tpu.memory_space<semaphore_mem>>)
      %dma_wait3A_307 = arith.constant 0 : i32
      %dma_wait3A_308 = arith.constant 0 : i32
      %dma_wait3A_309 = tpu.memref_slice %arg9[%dma_wait3A_307, %dma_wait3A_308] : memref<80x128xf32, #tpu.memory_space<vmem>> -> memref<64x128xf32, #tpu.memory_space<vmem>>
      %dma_wait3A_310 = arith.constant 0 : i32
      %dma_wait3A_311 = tpu.memref_slice %arg5[%add3A_173, %dma_wait3A_310] : memref<10240x128xf32, #tpu.memory_space<vmem_shared>> -> memref<64x128xf32, #tpu.memory_space<vmem_shared>>
      %dma_wait3A_312 = arith.constant 0 : i32
      %dma_wait3A_313 = tpu.memref_slice %arg5[%add3A_173, %dma_wait3A_312] : memref<10240x128xf32, #tpu.memory_space<vmem_shared>> -> memref<64x128xf32, #tpu.memory_space<vmem_shared>>
      %dma_wait3A_314 = arith.constant 0 : i32
      %dma_wait3A_315 = arith.constant 0 : i32
      %dma_wait3A_316 = tpu.memref_slice %arg9[%dma_wait3A_314, %dma_wait3A_315] : memref<80x128xf32, #tpu.memory_space<vmem>> -> memref<64x128xf32, #tpu.memory_space<vmem>>
      tpu.wait_dma2 semaphore(%run_scoped3A : memref<!tpu.dma_semaphore, #tpu.memory_space<semaphore_mem>>) src(%dma_wait3A_316 : memref<64x128xf32, #tpu.memory_space<vmem>>) dst(%dma_wait3A_313 : memref<64x128xf32, #tpu.memory_space<vmem_shared>>)
      tpu.yield
    }) : () -> ()
    %mul3A_174 = arith.constant 640 : i32
    %mul3A_175 = arith.muli %arg1, %mul3A_174 : i32
    %add3A_176 = arith.constant 576 : i32
    %add3A_177 = arith.addi %mul3A_175, %add3A_176 : i32
    "tpu.region"() ({
      %run_scoped3A = tpu.sem_alloc : memref<!tpu.dma_semaphore, #tpu.memory_space<semaphore_mem>>
      %dma_start3A_297 = arith.constant 0 : i32
      %dma_start3A_298 = arith.constant 0 : i32
      %dma_start3A_299 = tpu.memref_slice %arg9[%dma_start3A_297, %dma_start3A_298] : memref<80x128xf32, #tpu.memory_space<vmem>> -> memref<64x128xf32, #tpu.memory_space<vmem>>
      %dma_start3A_300 = arith.constant 0 : i32
      %dma_start3A_301 = tpu.memref_slice %arg5[%add3A_177, %dma_start3A_300] : memref<10240x128xf32, #tpu.memory_space<vmem_shared>> -> memref<64x128xf32, #tpu.memory_space<vmem_shared>>
      %dma_start3A_302 = arith.constant 0 : i32
      %dma_start3A_303 = tpu.memref_slice %arg5[%add3A_177, %dma_start3A_302] : memref<10240x128xf32, #tpu.memory_space<vmem_shared>> -> memref<64x128xf32, #tpu.memory_space<vmem_shared>>
      %dma_start3A_304 = arith.constant 0 : i32
      %dma_start3A_305 = arith.constant 0 : i32
      %dma_start3A_306 = tpu.memref_slice %arg9[%dma_start3A_304, %dma_start3A_305] : memref<80x128xf32, #tpu.memory_space<vmem>> -> memref<64x128xf32, #tpu.memory_space<vmem>>
      tpu.enqueue_dma source(%dma_start3A_306 : memref<64x128xf32, #tpu.memory_space<vmem>>) target(%dma_start3A_303 : memref<64x128xf32, #tpu.memory_space<vmem_shared>>) target_semaphore(%run_scoped3A : memref<!tpu.dma_semaphore, #tpu.memory_space<semaphore_mem>>)
      %dma_wait3A_307 = arith.constant 0 : i32
      %dma_wait3A_308 = arith.constant 0 : i32
      %dma_wait3A_309 = tpu.memref_slice %arg9[%dma_wait3A_307, %dma_wait3A_308] : memref<80x128xf32, #tpu.memory_space<vmem>> -> memref<64x128xf32, #tpu.memory_space<vmem>>
      %dma_wait3A_310 = arith.constant 0 : i32
      %dma_wait3A_311 = tpu.memref_slice %arg5[%add3A_177, %dma_wait3A_310] : memref<10240x128xf32, #tpu.memory_space<vmem_shared>> -> memref<64x128xf32, #tpu.memory_space<vmem_shared>>
      %dma_wait3A_312 = arith.constant 0 : i32
      %dma_wait3A_313 = tpu.memref_slice %arg5[%add3A_177, %dma_wait3A_312] : memref<10240x128xf32, #tpu.memory_space<vmem_shared>> -> memref<64x128xf32, #tpu.memory_space<vmem_shared>>
      %dma_wait3A_314 = arith.constant 0 : i32
      %dma_wait3A_315 = arith.constant 0 : i32
      %dma_wait3A_316 = tpu.memref_slice %arg9[%dma_wait3A_314, %dma_wait3A_315] : memref<80x128xf32, #tpu.memory_space<vmem>> -> memref<64x128xf32, #tpu.memory_space<vmem>>
      tpu.wait_dma2 semaphore(%run_scoped3A : memref<!tpu.dma_semaphore, #tpu.memory_space<semaphore_mem>>) src(%dma_wait3A_316 : memref<64x128xf32, #tpu.memory_space<vmem>>) dst(%dma_wait3A_313 : memref<64x128xf32, #tpu.memory_space<vmem_shared>>)
      tpu.yield
    }) : () -> ()
    %barrier3A = arith.constant 0 : index
    tpu.barrier barrier_id(%barrier3A)
    %dma_wait3A = arith.constant 0 : i32
    %dma_wait3A_178 = arith.constant 0 : i32
    %dma_wait3A_179 = tpu.memref_slice %arg10[%dma_wait3A, %dma_wait3A_178] : memref<1x80xi32, #tpu.memory_space<vmem>> -> memref<1x80xi32, #tpu.memory_space<vmem>>
    %dma_wait3A_180 = tpu.memref_squeeze %dma_wait3A_179 : memref<1x80xi32, #tpu.memory_space<vmem>> -> memref<80xi32, #tpu.memory_space<vmem>>
    %dma_wait3A_181 = arith.constant 0 : i32
    %dma_wait3A_182 = arith.constant 0 : i32
    %dma_wait3A_183 = tpu.memref_slice %arg2[%dma_wait3A_181, %dma_wait3A_182] : memref<10000x128xf32, #tpu.memory_space<hbm>> -> memref<10000x128xf32, #tpu.memory_space<hbm>>
    tpu.wait_indirect_dma semaphore(%arg16 : memref<!tpu.dma_semaphore, #tpu.memory_space<semaphore_mem>>) src(%dma_wait3A_183 : memref<10000x128xf32, #tpu.memory_space<hbm>>) dst(%arg7 : memref<80x128xf32, #tpu.memory_space<vmem>>)
    %dma_start3A_184 = arith.constant 0 : i32
    %dma_start3A_185 = arith.constant 0 : i32
    %dma_start3A_186 = tpu.memref_slice %arg13[%dma_start3A_184, %dma_start3A_185] : memref<1x80xi32, #tpu.memory_space<vmem>> -> memref<1x80xi32, #tpu.memory_space<vmem>>
    %dma_start3A_187 = tpu.memref_squeeze %dma_start3A_186 : memref<1x80xi32, #tpu.memory_space<vmem>> -> memref<80xi32, #tpu.memory_space<vmem>>
    %dma_start3A_188 = arith.constant 0 : i32
    %dma_start3A_189 = arith.constant 0 : i32
    %dma_start3A_190 = tpu.memref_slice %arg5[%dma_start3A_188, %dma_start3A_189] : memref<10240x128xf32, #tpu.memory_space<vmem_shared>> -> memref<10240x128xf32, #tpu.memory_space<vmem_shared>>
    tpu.enqueue_indirect_dma source(%arg7 : memref<80x128xf32, #tpu.memory_space<vmem>>) target(%dma_start3A_190 : memref<10240x128xf32, #tpu.memory_space<vmem_shared>>) offsets(%dma_start3A_187 : memref<80xi32, #tpu.memory_space<vmem>>) semaphore(%arg19 : memref<!tpu.dma_semaphore, #tpu.memory_space<semaphore_mem>>) {add = true}
    %get3A_191 = arith.constant 160 : index
    %get3A_192 = tpu.vector_load %arg6[%get3A_191] {strides = array<i32>} : memref<10000xi32, #tpu.memory_space<vmem>>, vector<16xi32>,
    %and3A_193 = arith.andi %get3A_192, %broadcast_in_dim3A_1 : vector<16xi32>
    %swap3A_194 = arith.constant 0 : i32
    %swap3A_195 = arith.index_cast %swap3A_194 : i32 to index
    %swap3A_196 = arith.constant 0 : index
    %swap3A_197 = tpu.vector_load %arg12[%swap3A_195, %swap3A_196] {strides = array<i32>} : memref<1x80xi32, #tpu.memory_space<vmem>>, vector<16xi32>,
    tpu.vector_store %arg12[%swap3A_195, %swap3A_196], %and3A_193 {strides = array<i32>} : memref<1x80xi32, #tpu.memory_space<vmem>>, vector<16xi32>,
    %shift_right_logical3A_198 = arith.shrui %get3A_192, %broadcast_in_dim3A_3 : vector<16xi32>
    %swap3A_199 = arith.constant 0 : i32
    %swap3A_200 = arith.index_cast %swap3A_199 : i32 to index
    %swap3A_201 = arith.constant 0 : index
    %swap3A_202 = tpu.vector_load %arg15[%swap3A_200, %swap3A_201] {strides = array<i32>} : memref<1x80xi32, #tpu.memory_space<vmem>>, vector<16xi32>,
    tpu.vector_store %arg15[%swap3A_200, %swap3A_201], %shift_right_logical3A_198 {strides = array<i32>} : memref<1x80xi32, #tpu.memory_space<vmem>>, vector<16xi32>,
    %get3A_203 = arith.constant 176 : index
    %get3A_204 = tpu.vector_load %arg6[%get3A_203] {strides = array<i32>} : memref<10000xi32, #tpu.memory_space<vmem>>, vector<16xi32>,
    %and3A_205 = arith.andi %get3A_204, %broadcast_in_dim3A_1 : vector<16xi32>
    %swap3A_206 = arith.constant 0 : i32
    %swap3A_207 = arith.index_cast %swap3A_206 : i32 to index
    %swap3A_208 = arith.constant 16 : index
    %swap3A_209 = tpu.vector_load %arg12[%swap3A_207, %swap3A_208] {strides = array<i32>} : memref<1x80xi32, #tpu.memory_space<vmem>>, vector<16xi32>,
    tpu.vector_store %arg12[%swap3A_207, %swap3A_208], %and3A_205 {strides = array<i32>} : memref<1x80xi32, #tpu.memory_space<vmem>>, vector<16xi32>,
    %shift_right_logical3A_210 = arith.shrui %get3A_204, %broadcast_in_dim3A_3 : vector<16xi32>
    %swap3A_211 = arith.constant 0 : i32
    %swap3A_212 = arith.index_cast %swap3A_211 : i32 to index
    %swap3A_213 = arith.constant 16 : index
    %swap3A_214 = tpu.vector_load %arg15[%swap3A_212, %swap3A_213] {strides = array<i32>} : memref<1x80xi32, #tpu.memory_space<vmem>>, vector<16xi32>,
    tpu.vector_store %arg15[%swap3A_212, %swap3A_213], %shift_right_logical3A_210 {strides = array<i32>} : memref<1x80xi32, #tpu.memory_space<vmem>>, vector<16xi32>,
    %get3A_215 = arith.constant 192 : index
    %get3A_216 = tpu.vector_load %arg6[%get3A_215] {strides = array<i32>} : memref<10000xi32, #tpu.memory_space<vmem>>, vector<16xi32>,
    %and3A_217 = arith.andi %get3A_216, %broadcast_in_dim3A_1 : vector<16xi32>
    %swap3A_218 = arith.constant 0 : i32
    %swap3A_219 = arith.index_cast %swap3A_218 : i32 to index
    %swap3A_220 = arith.constant 32 : index
    %swap3A_221 = tpu.vector_load %arg12[%swap3A_219, %swap3A_220] {strides = array<i32>} : memref<1x80xi32, #tpu.memory_space<vmem>>, vector<16xi32>,
    tpu.vector_store %arg12[%swap3A_219, %swap3A_220], %and3A_217 {strides = array<i32>} : memref<1x80xi32, #tpu.memory_space<vmem>>, vector<16xi32>,
    %shift_right_logical3A_222 = arith.shrui %get3A_216, %broadcast_in_dim3A_3 : vector<16xi32>
    %swap3A_223 = arith.constant 0 : i32
    %swap3A_224 = arith.index_cast %swap3A_223 : i32 to index
    %swap3A_225 = arith.constant 32 : index
    %swap3A_226 = tpu.vector_load %arg15[%swap3A_224, %swap3A_225] {strides = array<i32>} : memref<1x80xi32, #tpu.memory_space<vmem>>, vector<16xi32>,
    tpu.vector_store %arg15[%swap3A_224, %swap3A_225], %shift_right_logical3A_222 {strides = array<i32>} : memref<1x80xi32, #tpu.memory_space<vmem>>, vector<16xi32>,
    %get3A_227 = arith.constant 208 : index
    %get3A_228 = tpu.vector_load %arg6[%get3A_227] {strides = array<i32>} : memref<10000xi32, #tpu.memory_space<vmem>>, vector<16xi32>,
    %and3A_229 = arith.andi %get3A_228, %broadcast_in_dim3A_1 : vector<16xi32>
    %swap3A_230 = arith.constant 0 : i32
    %swap3A_231 = arith.index_cast %swap3A_230 : i32 to index
    %swap3A_232 = arith.constant 48 : index
    %swap3A_233 = tpu.vector_load %arg12[%swap3A_231, %swap3A_232] {strides = array<i32>} : memref<1x80xi32, #tpu.memory_space<vmem>>, vector<16xi32>,
    tpu.vector_store %arg12[%swap3A_231, %swap3A_232], %and3A_229 {strides = array<i32>} : memref<1x80xi32, #tpu.memory_space<vmem>>, vector<16xi32>,
    %shift_right_logical3A_234 = arith.shrui %get3A_228, %broadcast_in_dim3A_3 : vector<16xi32>
    %swap3A_235 = arith.constant 0 : i32
    %swap3A_236 = arith.index_cast %swap3A_235 : i32 to index
    %swap3A_237 = arith.constant 48 : index
    %swap3A_238 = tpu.vector_load %arg15[%swap3A_236, %swap3A_237] {strides = array<i32>} : memref<1x80xi32, #tpu.memory_space<vmem>>, vector<16xi32>,
    tpu.vector_store %arg15[%swap3A_236, %swap3A_237], %shift_right_logical3A_234 {strides = array<i32>} : memref<1x80xi32, #tpu.memory_space<vmem>>, vector<16xi32>,
    %get3A_239 = arith.constant 224 : index
    %get3A_240 = tpu.vector_load %arg6[%get3A_239] {strides = array<i32>} : memref<10000xi32, #tpu.memory_space<vmem>>, vector<16xi32>,
    %and3A_241 = arith.andi %get3A_240, %broadcast_in_dim3A_1 : vector<16xi32>
    %swap3A_242 = arith.constant 0 : i32
    %swap3A_243 = arith.index_cast %swap3A_242 : i32 to index
    %swap3A_244 = arith.constant 64 : index
    %swap3A_245 = tpu.vector_load %arg12[%swap3A_243, %swap3A_244] {strides = array<i32>} : memref<1x80xi32, #tpu.memory_space<vmem>>, vector<16xi32>,
    tpu.vector_store %arg12[%swap3A_243, %swap3A_244], %and3A_241 {strides = array<i32>} : memref<1x80xi32, #tpu.memory_space<vmem>>, vector<16xi32>,
    %shift_right_logical3A_246 = arith.shrui %get3A_240, %broadcast_in_dim3A_3 : vector<16xi32>
    %swap3A_247 = arith.constant 0 : i32
    %swap3A_248 = arith.index_cast %swap3A_247 : i32 to index
    %swap3A_249 = arith.constant 64 : index
    %swap3A_250 = tpu.vector_load %arg15[%swap3A_248, %swap3A_249] {strides = array<i32>} : memref<1x80xi32, #tpu.memory_space<vmem>>, vector<16xi32>,
    tpu.vector_store %arg15[%swap3A_248, %swap3A_249], %shift_right_logical3A_246 {strides = array<i32>} : memref<1x80xi32, #tpu.memory_space<vmem>>, vector<16xi32>,
    %dma_start3A_251 = arith.constant 0 : i32
    %dma_start3A_252 = arith.constant 0 : i32
    %dma_start3A_253 = tpu.memref_slice %arg12[%dma_start3A_251, %dma_start3A_252] : memref<1x80xi32, #tpu.memory_space<vmem>> -> memref<1x80xi32, #tpu.memory_space<vmem>>
    %dma_start3A_254 = tpu.memref_squeeze %dma_start3A_253 : memref<1x80xi32, #tpu.memory_space<vmem>> -> memref<80xi32, #tpu.memory_space<vmem>>
    %dma_start3A_255 = arith.constant 0 : i32
    %dma_start3A_256 = arith.constant 0 : i32
    %dma_start3A_257 = tpu.memref_slice %arg2[%dma_start3A_255, %dma_start3A_256] : memref<10000x128xf32, #tpu.memory_space<hbm>> -> memref<10000x128xf32, #tpu.memory_space<hbm>>
    tpu.enqueue_indirect_dma source(%dma_start3A_257 : memref<10000x128xf32, #tpu.memory_space<hbm>>) target(%arg9 : memref<80x128xf32, #tpu.memory_space<vmem>>) offsets(%dma_start3A_254 : memref<80xi32, #tpu.memory_space<vmem>>) semaphore(%arg18 : memref<!tpu.dma_semaphore, #tpu.memory_space<semaphore_mem>>)
    %scan3A_258 = arith.constant 0 : i32
    %scan3A_259 = arith.constant 0 : i32
    %scan3A_260 = arith.constant 41 : i32
    %scan3A_261 = arith.addi %scan3A_259, %scan3A_260 : i32
    %scan3A_262 = arith.constant 1 : i32
    scf.for %scan3A_297 = %scan3A_259 to %scan3A_261 step %scan3A_262  : i32 {
      %mul3A_298 = arith.constant 3 : i32
      %mul3A_299 = arith.muli %mul3A_298, %scan3A_297 : i32
      %add3A_300 = arith.constant 1 : i32
      %add3A_301 = arith.addi %mul3A_299, %add3A_300 : i32
      %add3A_302 = arith.constant 0 : i32
      %add3A_303 = arith.addi %add3A_301, %add3A_302 : i32
      %dma_wait3A_304 = arith.constant 0 : i32
      %dma_wait3A_305 = arith.constant 0 : i32
      %dma_wait3A_306 = tpu.memref_slice %arg11[%dma_wait3A_304, %dma_wait3A_305] : memref<1x80xi32, #tpu.memory_space<vmem>> -> memref<1x80xi32, #tpu.memory_space<vmem>>
      %dma_wait3A_307 = tpu.memref_squeeze %dma_wait3A_306 : memref<1x80xi32, #tpu.memory_space<vmem>> -> memref<80xi32, #tpu.memory_space<vmem>>
      %dma_wait3A_308 = arith.constant 0 : i32
      %dma_wait3A_309 = arith.constant 0 : i32
      %dma_wait3A_310 = tpu.memref_slice %arg2[%dma_wait3A_308, %dma_wait3A_309] : memref<10000x128xf32, #tpu.memory_space<hbm>> -> memref<10000x128xf32, #tpu.memory_space<hbm>>
      tpu.wait_indirect_dma semaphore(%arg17 : memref<!tpu.dma_semaphore, #tpu.memory_space<semaphore_mem>>) src(%dma_wait3A_310 : memref<10000x128xf32, #tpu.memory_space<hbm>>) dst(%arg8 : memref<80x128xf32, #tpu.memory_space<vmem>>)
      %dma_start3A_311 = arith.constant 0 : i32
      %dma_start3A_312 = arith.constant 0 : i32
      %dma_start3A_313 = tpu.memref_slice %arg14[%dma_start3A_311, %dma_start3A_312] : memref<1x80xi32, #tpu.memory_space<vmem>> -> memref<1x80xi32, #tpu.memory_space<vmem>>
      %dma_start3A_314 = tpu.memref_squeeze %dma_start3A_313 : memref<1x80xi32, #tpu.memory_space<vmem>> -> memref<80xi32, #tpu.memory_space<vmem>>
      %dma_start3A_315 = arith.constant 0 : i32
      %dma_start3A_316 = arith.constant 0 : i32
      %dma_start3A_317 = tpu.memref_slice %arg5[%dma_start3A_315, %dma_start3A_316] : memref<10240x128xf32, #tpu.memory_space<vmem_shared>> -> memref<10240x128xf32, #tpu.memory_space<vmem_shared>>
      tpu.enqueue_indirect_dma source(%arg8 : memref<80x128xf32, #tpu.memory_space<vmem>>) target(%dma_start3A_317 : memref<10240x128xf32, #tpu.memory_space<vmem_shared>>) offsets(%dma_start3A_314 : memref<80xi32, #tpu.memory_space<vmem>>) semaphore(%arg20 : memref<!tpu.dma_semaphore, #tpu.memory_space<semaphore_mem>>) {add = true}
      %dma_wait3A_318 = arith.constant 0 : i32
      %dma_wait3A_319 = arith.constant 0 : i32
      %dma_wait3A_320 = tpu.memref_slice %arg13[%dma_wait3A_318, %dma_wait3A_319] : memref<1x80xi32, #tpu.memory_space<vmem>> -> memref<1x80xi32, #tpu.memory_space<vmem>>
      %dma_wait3A_321 = tpu.memref_squeeze %dma_wait3A_320 : memref<1x80xi32, #tpu.memory_space<vmem>> -> memref<80xi32, #tpu.memory_space<vmem>>
      %dma_wait3A_322 = arith.constant 0 : i32
      %dma_wait3A_323 = arith.constant 0 : i32
      %dma_wait3A_324 = tpu.memref_slice %arg5[%dma_wait3A_322, %dma_wait3A_323] : memref<10240x128xf32, #tpu.memory_space<vmem_shared>> -> memref<10240x128xf32, #tpu.memory_space<vmem_shared>>
      tpu.wait_indirect_dma semaphore(%arg19 : memref<!tpu.dma_semaphore, #tpu.memory_space<semaphore_mem>>) src(%arg7 : memref<80x128xf32, #tpu.memory_space<vmem>>) dst(%dma_wait3A_324 : memref<10240x128xf32, #tpu.memory_space<vmem_shared>>)
      %add3A_325 = arith.constant 2 : i32
      %add3A_326 = arith.addi %add3A_303, %add3A_325 : i32
      %lt3A = arith.constant 125 : i32
      %lt3A_327 = arith.cmpi slt, %add3A_326, %lt3A : i32
      %convert_element_type3A = arith.extui %lt3A_327 : i1 to i32
      %cond3A = arith.constant 0 : i32
      %cond3A_328 = arith.cmpi ne, %convert_element_type3A, %cond3A : i32
      scf.if %cond3A_328 {
        %add3A_397 = arith.constant 2 : i32
        %add3A_398 = arith.addi %add3A_303, %add3A_397 : i32
        %mul3A_399 = arith.constant 80 : i32
        %mul3A_400 = arith.muli %add3A_398, %mul3A_399 : i32
        %add3A_401 = arith.constant 0 : i32
        %add3A_402 = arith.addi %mul3A_400, %add3A_401 : i32
        %get3A_403 = arith.index_cast %add3A_402 : i32 to index
        %get3A_404 = tpu.vector_load %arg6[%get3A_403] {strides = array<i32>} : memref<10000xi32, #tpu.memory_space<vmem>>, vector<16xi32>,
        %and3A_405 = arith.andi %get3A_404, %broadcast_in_dim3A_1 : vector<16xi32>
        %swap3A_406 = arith.constant 0 : i32
        %swap3A_407 = arith.index_cast %swap3A_406 : i32 to index
        %swap3A_408 = arith.constant 0 : index
        %swap3A_409 = tpu.vector_load %arg10[%swap3A_407, %swap3A_408] {strides = array<i32>} : memref<1x80xi32, #tpu.memory_space<vmem>>, vector<16xi32>,
        tpu.vector_store %arg10[%swap3A_407, %swap3A_408], %and3A_405 {strides = array<i32>} : memref<1x80xi32, #tpu.memory_space<vmem>>, vector<16xi32>,
        %shift_right_logical3A_410 = arith.shrui %get3A_404, %broadcast_in_dim3A_3 : vector<16xi32>
        %swap3A_411 = arith.constant 0 : i32
        %swap3A_412 = arith.index_cast %swap3A_411 : i32 to index
        %swap3A_413 = arith.constant 0 : index
        %swap3A_414 = tpu.vector_load %arg13[%swap3A_412, %swap3A_413] {strides = array<i32>} : memref<1x80xi32, #tpu.memory_space<vmem>>, vector<16xi32>,
        tpu.vector_store %arg13[%swap3A_412, %swap3A_413], %shift_right_logical3A_410 {strides = array<i32>} : memref<1x80xi32, #tpu.memory_space<vmem>>, vector<16xi32>,
        %mul3A_415 = arith.constant 80 : i32
        %mul3A_416 = arith.muli %add3A_398, %mul3A_415 : i32
        %add3A_417 = arith.constant 16 : i32
        %add3A_418 = arith.addi %mul3A_416, %add3A_417 : i32
        %get3A_419 = arith.index_cast %add3A_418 : i32 to index
        %get3A_420 = tpu.vector_load %arg6[%get3A_419] {strides = array<i32>} : memref<10000xi32, #tpu.memory_space<vmem>>, vector<16xi32>,
        %and3A_421 = arith.andi %get3A_420, %broadcast_in_dim3A_1 : vector<16xi32>
        %swap3A_422 = arith.constant 0 : i32
        %swap3A_423 = arith.index_cast %swap3A_422 : i32 to index
        %swap3A_424 = arith.constant 16 : index
        %swap3A_425 = tpu.vector_load %arg10[%swap3A_423, %swap3A_424] {strides = array<i32>} : memref<1x80xi32, #tpu.memory_space<vmem>>, vector<16xi32>,
        tpu.vector_store %arg10[%swap3A_423, %swap3A_424], %and3A_421 {strides = array<i32>} : memref<1x80xi32, #tpu.memory_space<vmem>>, vector<16xi32>,
        %shift_right_logical3A_426 = arith.shrui %get3A_420, %broadcast_in_dim3A_3 : vector<16xi32>
        %swap3A_427 = arith.constant 0 : i32
        %swap3A_428 = arith.index_cast %swap3A_427 : i32 to index
        %swap3A_429 = arith.constant 16 : index
        %swap3A_430 = tpu.vector_load %arg13[%swap3A_428, %swap3A_429] {strides = array<i32>} : memref<1x80xi32, #tpu.memory_space<vmem>>, vector<16xi32>,
        tpu.vector_store %arg13[%swap3A_428, %swap3A_429], %shift_right_logical3A_426 {strides = array<i32>} : memref<1x80xi32, #tpu.memory_space<vmem>>, vector<16xi32>,
        %mul3A_431 = arith.constant 80 : i32
        %mul3A_432 = arith.muli %add3A_398, %mul3A_431 : i32
        %add3A_433 = arith.constant 32 : i32
        %add3A_434 = arith.addi %mul3A_432, %add3A_433 : i32
        %get3A_435 = arith.index_cast %add3A_434 : i32 to index
        %get3A_436 = tpu.vector_load %arg6[%get3A_435] {strides = array<i32>} : memref<10000xi32, #tpu.memory_space<vmem>>, vector<16xi32>,
        %and3A_437 = arith.andi %get3A_436, %broadcast_in_dim3A_1 : vector<16xi32>
        %swap3A_438 = arith.constant 0 : i32
        %swap3A_439 = arith.index_cast %swap3A_438 : i32 to index
        %swap3A_440 = arith.constant 32 : index
        %swap3A_441 = tpu.vector_load %arg10[%swap3A_439, %swap3A_440] {strides = array<i32>} : memref<1x80xi32, #tpu.memory_space<vmem>>, vector<16xi32>,
        tpu.vector_store %arg10[%swap3A_439, %swap3A_440], %and3A_437 {strides = array<i32>} : memref<1x80xi32, #tpu.memory_space<vmem>>, vector<16xi32>,
        %shift_right_logical3A_442 = arith.shrui %get3A_436, %broadcast_in_dim3A_3 : vector<16xi32>
        %swap3A_443 = arith.constant 0 : i32
        %swap3A_444 = arith.index_cast %swap3A_443 : i32 to index
        %swap3A_445 = arith.constant 32 : index
        %swap3A_446 = tpu.vector_load %arg13[%swap3A_444, %swap3A_445] {strides = array<i32>} : memref<1x80xi32, #tpu.memory_space<vmem>>, vector<16xi32>,
        tpu.vector_store %arg13[%swap3A_444, %swap3A_445], %shift_right_logical3A_442 {strides = array<i32>} : memref<1x80xi32, #tpu.memory_space<vmem>>, vector<16xi32>,
        %mul3A_447 = arith.constant 80 : i32
        %mul3A_448 = arith.muli %add3A_398, %mul3A_447 : i32
        %add3A_449 = arith.constant 48 : i32
        %add3A_450 = arith.addi %mul3A_448, %add3A_449 : i32
        %get3A_451 = arith.index_cast %add3A_450 : i32 to index
        %get3A_452 = tpu.vector_load %arg6[%get3A_451] {strides = array<i32>} : memref<10000xi32, #tpu.memory_space<vmem>>, vector<16xi32>,
        %and3A_453 = arith.andi %get3A_452, %broadcast_in_dim3A_1 : vector<16xi32>
        %swap3A_454 = arith.constant 0 : i32
        %swap3A_455 = arith.index_cast %swap3A_454 : i32 to index
        %swap3A_456 = arith.constant 48 : index
        %swap3A_457 = tpu.vector_load %arg10[%swap3A_455, %swap3A_456] {strides = array<i32>} : memref<1x80xi32, #tpu.memory_space<vmem>>, vector<16xi32>,
        tpu.vector_store %arg10[%swap3A_455, %swap3A_456], %and3A_453 {strides = array<i32>} : memref<1x80xi32, #tpu.memory_space<vmem>>, vector<16xi32>,
        %shift_right_logical3A_458 = arith.shrui %get3A_452, %broadcast_in_dim3A_3 : vector<16xi32>
        %swap3A_459 = arith.constant 0 : i32
        %swap3A_460 = arith.index_cast %swap3A_459 : i32 to index
        %swap3A_461 = arith.constant 48 : index
        %swap3A_462 = tpu.vector_load %arg13[%swap3A_460, %swap3A_461] {strides = array<i32>} : memref<1x80xi32, #tpu.memory_space<vmem>>, vector<16xi32>,
        tpu.vector_store %arg13[%swap3A_460, %swap3A_461], %shift_right_logical3A_458 {strides = array<i32>} : memref<1x80xi32, #tpu.memory_space<vmem>>, vector<16xi32>,
        %mul3A_463 = arith.constant 80 : i32
        %mul3A_464 = arith.muli %add3A_398, %mul3A_463 : i32
        %add3A_465 = arith.constant 64 : i32
        %add3A_466 = arith.addi %mul3A_464, %add3A_465 : i32
        %get3A_467 = arith.index_cast %add3A_466 : i32 to index
        %get3A_468 = tpu.vector_load %arg6[%get3A_467] {strides = array<i32>} : memref<10000xi32, #tpu.memory_space<vmem>>, vector<16xi32>,
        %and3A_469 = arith.andi %get3A_468, %broadcast_in_dim3A_1 : vector<16xi32>
        %swap3A_470 = arith.constant 0 : i32
        %swap3A_471 = arith.index_cast %swap3A_470 : i32 to index
        %swap3A_472 = arith.constant 64 : index
        %swap3A_473 = tpu.vector_load %arg10[%swap3A_471, %swap3A_472] {strides = array<i32>} : memref<1x80xi32, #tpu.memory_space<vmem>>, vector<16xi32>,
        tpu.vector_store %arg10[%swap3A_471, %swap3A_472], %and3A_469 {strides = array<i32>} : memref<1x80xi32, #tpu.memory_space<vmem>>, vector<16xi32>,
        %shift_right_logical3A_474 = arith.shrui %get3A_468, %broadcast_in_dim3A_3 : vector<16xi32>
        %swap3A_475 = arith.constant 0 : i32
        %swap3A_476 = arith.index_cast %swap3A_475 : i32 to index
        %swap3A_477 = arith.constant 64 : index
        %swap3A_478 = tpu.vector_load %arg13[%swap3A_476, %swap3A_477] {strides = array<i32>} : memref<1x80xi32, #tpu.memory_space<vmem>>, vector<16xi32>,
        tpu.vector_store %arg13[%swap3A_476, %swap3A_477], %shift_right_logical3A_474 {strides = array<i32>} : memref<1x80xi32, #tpu.memory_space<vmem>>, vector<16xi32>,
        %add3A_479 = arith.constant 2 : i32
        %add3A_480 = arith.addi %add3A_303, %add3A_479 : i32
        %dma_start3A_481 = arith.constant 0 : i32
        %dma_start3A_482 = arith.constant 0 : i32
        %dma_start3A_483 = tpu.memref_slice %arg10[%dma_start3A_481, %dma_start3A_482] : memref<1x80xi32, #tpu.memory_space<vmem>> -> memref<1x80xi32, #tpu.memory_space<vmem>>
        %dma_start3A_484 = tpu.memref_squeeze %dma_start3A_483 : memref<1x80xi32, #tpu.memory_space<vmem>> -> memref<80xi32, #tpu.memory_space<vmem>>
        %dma_start3A_485 = arith.constant 0 : i32
        %dma_start3A_486 = arith.constant 0 : i32
        %dma_start3A_487 = tpu.memref_slice %arg2[%dma_start3A_485, %dma_start3A_486] : memref<10000x128xf32, #tpu.memory_space<hbm>> -> memref<10000x128xf32, #tpu.memory_space<hbm>>
        tpu.enqueue_indirect_dma source(%dma_start3A_487 : memref<10000x128xf32, #tpu.memory_space<hbm>>) target(%arg7 : memref<80x128xf32, #tpu.memory_space<vmem>>) offsets(%dma_start3A_484 : memref<80xi32, #tpu.memory_space<vmem>>) semaphore(%arg16 : memref<!tpu.dma_semaphore, #tpu.memory_space<semaphore_mem>>)
      } else {
      }
      %mul3A_329 = arith.constant 3 : i32
      %mul3A_330 = arith.muli %mul3A_329, %scan3A_297 : i32
      %add3A_331 = arith.constant 1 : i32
      %add3A_332 = arith.addi %mul3A_330, %add3A_331 : i32
      %add3A_333 = arith.constant 1 : i32
      %add3A_334 = arith.addi %add3A_332, %add3A_333 : i32
      %dma_wait3A_335 = arith.constant 0 : i32
      %dma_wait3A_336 = arith.constant 0 : i32
      %dma_wait3A_337 = tpu.memref_slice %arg12[%dma_wait3A_335, %dma_wait3A_336] : memref<1x80xi32, #tpu.memory_space<vmem>> -> memref<1x80xi32, #tpu.memory_space<vmem>>
      %dma_wait3A_338 = tpu.memref_squeeze %dma_wait3A_337 : memref<1x80xi32, #tpu.memory_space<vmem>> -> memref<80xi32, #tpu.memory_space<vmem>>
      %dma_wait3A_339 = arith.constant 0 : i32
      %dma_wait3A_340 = arith.constant 0 : i32
      %dma_wait3A_341 = tpu.memref_slice %arg2[%dma_wait3A_339, %dma_wait3A_340] : memref<10000x128xf32, #tpu.memory_space<hbm>> -> memref<10000x128xf32, #tpu.memory_space<hbm>>
      tpu.wait_indirect_dma semaphore(%arg18 : memref<!tpu.dma_semaphore, #tpu.memory_space<semaphore_mem>>) src(%dma_wait3A_341 : memref<10000x128xf32, #tpu.memory_space<hbm>>) dst(%arg9 : memref<80x128xf32, #tpu.memory_space<vmem>>)
      %dma_start3A_342 = arith.constant 0 : i32
      %dma_start3A_343 = arith.constant 0 : i32
      %dma_start3A_344 = tpu.memref_slice %arg15[%dma_start3A_342, %dma_start3A_343] : memref<1x80xi32, #tpu.memory_space<vmem>> -> memref<1x80xi32, #tpu.memory_space<vmem>>
      %dma_start3A_345 = tpu.memref_squeeze %dma_start3A_344 : memref<1x80xi32, #tpu.memory_space<vmem>> -> memref<80xi32, #tpu.memory_space<vmem>>
      %dma_start3A_346 = arith.constant 0 : i32
      %dma_start3A_347 = arith.constant 0 : i32
      %dma_start3A_348 = tpu.memref_slice %arg5[%dma_start3A_346, %dma_start3A_347] : memref<10240x128xf32, #tpu.memory_space<vmem_shared>> -> memref<10240x128xf32, #tpu.memory_space<vmem_shared>>
      tpu.enqueue_indirect_dma source(%arg9 : memref<80x128xf32, #tpu.memory_space<vmem>>) target(%dma_start3A_348 : memref<10240x128xf32, #tpu.memory_space<vmem_shared>>) offsets(%dma_start3A_345 : memref<80xi32, #tpu.memory_space<vmem>>) semaphore(%arg21 : memref<!tpu.dma_semaphore, #tpu.memory_space<semaphore_mem>>) {add = true}
      %dma_wait3A_349 = arith.constant 0 : i32
      %dma_wait3A_350 = arith.constant 0 : i32
      %dma_wait3A_351 = tpu.memref_slice %arg14[%dma_wait3A_349, %dma_wait3A_350] : memref<1x80xi32, #tpu.memory_space<vmem>> -> memref<1x80xi32, #tpu.memory_space<vmem>>
      %dma_wait3A_352 = tpu.memref_squeeze %dma_wait3A_351 : memref<1x80xi32, #tpu.memory_space<vmem>> -> memref<80xi32, #tpu.memory_space<vmem>>
      %dma_wait3A_353 = arith.constant 0 : i32
      %dma_wait3A_354 = arith.constant 0 : i32
      %dma_wait3A_355 = tpu.memref_slice %arg5[%dma_wait3A_353, %dma_wait3A_354] : memref<10240x128xf32, #tpu.memory_space<vmem_shared>> -> memref<10240x128xf32, #tpu.memory_space<vmem_shared>>
      tpu.wait_indirect_dma semaphore(%arg20 : memref<!tpu.dma_semaphore, #tpu.memory_space<semaphore_mem>>) src(%arg8 : memref<80x128xf32, #tpu.memory_space<vmem>>) dst(%dma_wait3A_355 : memref<10240x128xf32, #tpu.memory_space<vmem_shared>>)
      %add3A_356 = arith.constant 2 : i32
      %add3A_357 = arith.addi %add3A_334, %add3A_356 : i32
      %lt3A_358 = arith.constant 125 : i32
      %lt3A_359 = arith.cmpi slt, %add3A_357, %lt3A_358 : i32
      %convert_element_type3A_360 = arith.extui %lt3A_359 : i1 to i32
      %cond3A_361 = arith.constant 0 : i32
      %cond3A_362 = arith.cmpi ne, %convert_element_type3A_360, %cond3A_361 : i32
      scf.if %cond3A_362 {
        %add3A_397 = arith.constant 2 : i32
        %add3A_398 = arith.addi %add3A_334, %add3A_397 : i32
        %mul3A_399 = arith.constant 80 : i32
        %mul3A_400 = arith.muli %add3A_398, %mul3A_399 : i32
        %add3A_401 = arith.constant 0 : i32
        %add3A_402 = arith.addi %mul3A_400, %add3A_401 : i32
        %get3A_403 = arith.index_cast %add3A_402 : i32 to index
        %get3A_404 = tpu.vector_load %arg6[%get3A_403] {strides = array<i32>} : memref<10000xi32, #tpu.memory_space<vmem>>, vector<16xi32>,
        %and3A_405 = arith.andi %get3A_404, %broadcast_in_dim3A_1 : vector<16xi32>
        %swap3A_406 = arith.constant 0 : i32
        %swap3A_407 = arith.index_cast %swap3A_406 : i32 to index
        %swap3A_408 = arith.constant 0 : index
        %swap3A_409 = tpu.vector_load %arg11[%swap3A_407, %swap3A_408] {strides = array<i32>} : memref<1x80xi32, #tpu.memory_space<vmem>>, vector<16xi32>,
        tpu.vector_store %arg11[%swap3A_407, %swap3A_408], %and3A_405 {strides = array<i32>} : memref<1x80xi32, #tpu.memory_space<vmem>>, vector<16xi32>,
        %shift_right_logical3A_410 = arith.shrui %get3A_404, %broadcast_in_dim3A_3 : vector<16xi32>
        %swap3A_411 = arith.constant 0 : i32
        %swap3A_412 = arith.index_cast %swap3A_411 : i32 to index
        %swap3A_413 = arith.constant 0 : index
        %swap3A_414 = tpu.vector_load %arg14[%swap3A_412, %swap3A_413] {strides = array<i32>} : memref<1x80xi32, #tpu.memory_space<vmem>>, vector<16xi32>,
        tpu.vector_store %arg14[%swap3A_412, %swap3A_413], %shift_right_logical3A_410 {strides = array<i32>} : memref<1x80xi32, #tpu.memory_space<vmem>>, vector<16xi32>,
        %mul3A_415 = arith.constant 80 : i32
        %mul3A_416 = arith.muli %add3A_398, %mul3A_415 : i32
        %add3A_417 = arith.constant 16 : i32
        %add3A_418 = arith.addi %mul3A_416, %add3A_417 : i32
        %get3A_419 = arith.index_cast %add3A_418 : i32 to index
        %get3A_420 = tpu.vector_load %arg6[%get3A_419] {strides = array<i32>} : memref<10000xi32, #tpu.memory_space<vmem>>, vector<16xi32>,
        %and3A_421 = arith.andi %get3A_420, %broadcast_in_dim3A_1 : vector<16xi32>
        %swap3A_422 = arith.constant 0 : i32
        %swap3A_423 = arith.index_cast %swap3A_422 : i32 to index
        %swap3A_424 = arith.constant 16 : index
        %swap3A_425 = tpu.vector_load %arg11[%swap3A_423, %swap3A_424] {strides = array<i32>} : memref<1x80xi32, #tpu.memory_space<vmem>>, vector<16xi32>,
        tpu.vector_store %arg11[%swap3A_423, %swap3A_424], %and3A_421 {strides = array<i32>} : memref<1x80xi32, #tpu.memory_space<vmem>>, vector<16xi32>,
        %shift_right_logical3A_426 = arith.shrui %get3A_420, %broadcast_in_dim3A_3 : vector<16xi32>
        %swap3A_427 = arith.constant 0 : i32
        %swap3A_428 = arith.index_cast %swap3A_427 : i32 to index
        %swap3A_429 = arith.constant 16 : index
        %swap3A_430 = tpu.vector_load %arg14[%swap3A_428, %swap3A_429] {strides = array<i32>} : memref<1x80xi32, #tpu.memory_space<vmem>>, vector<16xi32>,
        tpu.vector_store %arg14[%swap3A_428, %swap3A_429], %shift_right_logical3A_426 {strides = array<i32>} : memref<1x80xi32, #tpu.memory_space<vmem>>, vector<16xi32>,
        %mul3A_431 = arith.constant 80 : i32
        %mul3A_432 = arith.muli %add3A_398, %mul3A_431 : i32
        %add3A_433 = arith.constant 32 : i32
        %add3A_434 = arith.addi %mul3A_432, %add3A_433 : i32
        %get3A_435 = arith.index_cast %add3A_434 : i32 to index
        %get3A_436 = tpu.vector_load %arg6[%get3A_435] {strides = array<i32>} : memref<10000xi32, #tpu.memory_space<vmem>>, vector<16xi32>,
        %and3A_437 = arith.andi %get3A_436, %broadcast_in_dim3A_1 : vector<16xi32>
        %swap3A_438 = arith.constant 0 : i32
        %swap3A_439 = arith.index_cast %swap3A_438 : i32 to index
        %swap3A_440 = arith.constant 32 : index
        %swap3A_441 = tpu.vector_load %arg11[%swap3A_439, %swap3A_440] {strides = array<i32>} : memref<1x80xi32, #tpu.memory_space<vmem>>, vector<16xi32>,
        tpu.vector_store %arg11[%swap3A_439, %swap3A_440], %and3A_437 {strides = array<i32>} : memref<1x80xi32, #tpu.memory_space<vmem>>, vector<16xi32>,
        %shift_right_logical3A_442 = arith.shrui %get3A_436, %broadcast_in_dim3A_3 : vector<16xi32>
        %swap3A_443 = arith.constant 0 : i32
        %swap3A_444 = arith.index_cast %swap3A_443 : i32 to index
        %swap3A_445 = arith.constant 32 : index
        %swap3A_446 = tpu.vector_load %arg14[%swap3A_444, %swap3A_445] {strides = array<i32>} : memref<1x80xi32, #tpu.memory_space<vmem>>, vector<16xi32>,
        tpu.vector_store %arg14[%swap3A_444, %swap3A_445], %shift_right_logical3A_442 {strides = array<i32>} : memref<1x80xi32, #tpu.memory_space<vmem>>, vector<16xi32>,
        %mul3A_447 = arith.constant 80 : i32
        %mul3A_448 = arith.muli %add3A_398, %mul3A_447 : i32
        %add3A_449 = arith.constant 48 : i32
        %add3A_450 = arith.addi %mul3A_448, %add3A_449 : i32
        %get3A_451 = arith.index_cast %add3A_450 : i32 to index
        %get3A_452 = tpu.vector_load %arg6[%get3A_451] {strides = array<i32>} : memref<10000xi32, #tpu.memory_space<vmem>>, vector<16xi32>,
        %and3A_453 = arith.andi %get3A_452, %broadcast_in_dim3A_1 : vector<16xi32>
        %swap3A_454 = arith.constant 0 : i32
        %swap3A_455 = arith.index_cast %swap3A_454 : i32 to index
        %swap3A_456 = arith.constant 48 : index
        %swap3A_457 = tpu.vector_load %arg11[%swap3A_455, %swap3A_456] {strides = array<i32>} : memref<1x80xi32, #tpu.memory_space<vmem>>, vector<16xi32>,
        tpu.vector_store %arg11[%swap3A_455, %swap3A_456], %and3A_453 {strides = array<i32>} : memref<1x80xi32, #tpu.memory_space<vmem>>, vector<16xi32>,
        %shift_right_logical3A_458 = arith.shrui %get3A_452, %broadcast_in_dim3A_3 : vector<16xi32>
        %swap3A_459 = arith.constant 0 : i32
        %swap3A_460 = arith.index_cast %swap3A_459 : i32 to index
        %swap3A_461 = arith.constant 48 : index
        %swap3A_462 = tpu.vector_load %arg14[%swap3A_460, %swap3A_461] {strides = array<i32>} : memref<1x80xi32, #tpu.memory_space<vmem>>, vector<16xi32>,
        tpu.vector_store %arg14[%swap3A_460, %swap3A_461], %shift_right_logical3A_458 {strides = array<i32>} : memref<1x80xi32, #tpu.memory_space<vmem>>, vector<16xi32>,
        %mul3A_463 = arith.constant 80 : i32
        %mul3A_464 = arith.muli %add3A_398, %mul3A_463 : i32
        %add3A_465 = arith.constant 64 : i32
        %add3A_466 = arith.addi %mul3A_464, %add3A_465 : i32
        %get3A_467 = arith.index_cast %add3A_466 : i32 to index
        %get3A_468 = tpu.vector_load %arg6[%get3A_467] {strides = array<i32>} : memref<10000xi32, #tpu.memory_space<vmem>>, vector<16xi32>,
        %and3A_469 = arith.andi %get3A_468, %broadcast_in_dim3A_1 : vector<16xi32>
        %swap3A_470 = arith.constant 0 : i32
        %swap3A_471 = arith.index_cast %swap3A_470 : i32 to index
        %swap3A_472 = arith.constant 64 : index
        %swap3A_473 = tpu.vector_load %arg11[%swap3A_471, %swap3A_472] {strides = array<i32>} : memref<1x80xi32, #tpu.memory_space<vmem>>, vector<16xi32>,
        tpu.vector_store %arg11[%swap3A_471, %swap3A_472], %and3A_469 {strides = array<i32>} : memref<1x80xi32, #tpu.memory_space<vmem>>, vector<16xi32>,
        %shift_right_logical3A_474 = arith.shrui %get3A_468, %broadcast_in_dim3A_3 : vector<16xi32>
        %swap3A_475 = arith.constant 0 : i32
        %swap3A_476 = arith.index_cast %swap3A_475 : i32 to index
        %swap3A_477 = arith.constant 64 : index
        %swap3A_478 = tpu.vector_load %arg14[%swap3A_476, %swap3A_477] {strides = array<i32>} : memref<1x80xi32, #tpu.memory_space<vmem>>, vector<16xi32>,
        tpu.vector_store %arg14[%swap3A_476, %swap3A_477], %shift_right_logical3A_474 {strides = array<i32>} : memref<1x80xi32, #tpu.memory_space<vmem>>, vector<16xi32>,
        %add3A_479 = arith.constant 2 : i32
        %add3A_480 = arith.addi %add3A_334, %add3A_479 : i32
        %dma_start3A_481 = arith.constant 0 : i32
        %dma_start3A_482 = arith.constant 0 : i32
        %dma_start3A_483 = tpu.memref_slice %arg11[%dma_start3A_481, %dma_start3A_482] : memref<1x80xi32, #tpu.memory_space<vmem>> -> memref<1x80xi32, #tpu.memory_space<vmem>>
        %dma_start3A_484 = tpu.memref_squeeze %dma_start3A_483 : memref<1x80xi32, #tpu.memory_space<vmem>> -> memref<80xi32, #tpu.memory_space<vmem>>
        %dma_start3A_485 = arith.constant 0 : i32
        %dma_start3A_486 = arith.constant 0 : i32
        %dma_start3A_487 = tpu.memref_slice %arg2[%dma_start3A_485, %dma_start3A_486] : memref<10000x128xf32, #tpu.memory_space<hbm>> -> memref<10000x128xf32, #tpu.memory_space<hbm>>
        tpu.enqueue_indirect_dma source(%dma_start3A_487 : memref<10000x128xf32, #tpu.memory_space<hbm>>) target(%arg8 : memref<80x128xf32, #tpu.memory_space<vmem>>) offsets(%dma_start3A_484 : memref<80xi32, #tpu.memory_space<vmem>>) semaphore(%arg17 : memref<!tpu.dma_semaphore, #tpu.memory_space<semaphore_mem>>)
      } else {
      }
      %mul3A_363 = arith.constant 3 : i32
      %mul3A_364 = arith.muli %mul3A_363, %scan3A_297 : i32
      %add3A_365 = arith.constant 1 : i32
      %add3A_366 = arith.addi %mul3A_364, %add3A_365 : i32
      %add3A_367 = arith.constant 2 : i32
      %add3A_368 = arith.addi %add3A_366, %add3A_367 : i32
      %dma_wait3A_369 = arith.constant 0 : i32
      %dma_wait3A_370 = arith.constant 0 : i32
      %dma_wait3A_371 = tpu.memref_slice %arg10[%dma_wait3A_369, %dma_wait3A_370] : memref<1x80xi32, #tpu.memory_space<vmem>> -> memref<1x80xi32, #tpu.memory_space<vmem>>
      %dma_wait3A_372 = tpu.memref_squeeze %dma_wait3A_371 : memref<1x80xi32, #tpu.memory_space<vmem>> -> memref<80xi32, #tpu.memory_space<vmem>>
      %dma_wait3A_373 = arith.constant 0 : i32
      %dma_wait3A_374 = arith.constant 0 : i32
      %dma_wait3A_375 = tpu.memref_slice %arg2[%dma_wait3A_373, %dma_wait3A_374] : memref<10000x128xf32, #tpu.memory_space<hbm>> -> memref<10000x128xf32, #tpu.memory_space<hbm>>
      tpu.wait_indirect_dma semaphore(%arg16 : memref<!tpu.dma_semaphore, #tpu.memory_space<semaphore_mem>>) src(%dma_wait3A_375 : memref<10000x128xf32, #tpu.memory_space<hbm>>) dst(%arg7 : memref<80x128xf32, #tpu.memory_space<vmem>>)
      %dma_start3A_376 = arith.constant 0 : i32
      %dma_start3A_377 = arith.constant 0 : i32
      %dma_start3A_378 = tpu.memref_slice %arg13[%dma_start3A_376, %dma_start3A_377] : memref<1x80xi32, #tpu.memory_space<vmem>> -> memref<1x80xi32, #tpu.memory_space<vmem>>
      %dma_start3A_379 = tpu.memref_squeeze %dma_start3A_378 : memref<1x80xi32, #tpu.memory_space<vmem>> -> memref<80xi32, #tpu.memory_space<vmem>>
      %dma_start3A_380 = arith.constant 0 : i32
      %dma_start3A_381 = arith.constant 0 : i32
      %dma_start3A_382 = tpu.memref_slice %arg5[%dma_start3A_380, %dma_start3A_381] : memref<10240x128xf32, #tpu.memory_space<vmem_shared>> -> memref<10240x128xf32, #tpu.memory_space<vmem_shared>>
      tpu.enqueue_indirect_dma source(%arg7 : memref<80x128xf32, #tpu.memory_space<vmem>>) target(%dma_start3A_382 : memref<10240x128xf32, #tpu.memory_space<vmem_shared>>) offsets(%dma_start3A_379 : memref<80xi32, #tpu.memory_space<vmem>>) semaphore(%arg19 : memref<!tpu.dma_semaphore, #tpu.memory_space<semaphore_mem>>) {add = true}
      %dma_wait3A_383 = arith.constant 0 : i32
      %dma_wait3A_384 = arith.constant 0 : i32
      %dma_wait3A_385 = tpu.memref_slice %arg15[%dma_wait3A_383, %dma_wait3A_384] : memref<1x80xi32, #tpu.memory_space<vmem>> -> memref<1x80xi32, #tpu.memory_space<vmem>>
      %dma_wait3A_386 = tpu.memref_squeeze %dma_wait3A_385 : memref<1x80xi32, #tpu.memory_space<vmem>> -> memref<80xi32, #tpu.memory_space<vmem>>
      %dma_wait3A_387 = arith.constant 0 : i32
      %dma_wait3A_388 = arith.constant 0 : i32
      %dma_wait3A_389 = tpu.memref_slice %arg5[%dma_wait3A_387, %dma_wait3A_388] : memref<10240x128xf32, #tpu.memory_space<vmem_shared>> -> memref<10240x128xf32, #tpu.memory_space<vmem_shared>>
      tpu.wait_indirect_dma semaphore(%arg21 : memref<!tpu.dma_semaphore, #tpu.memory_space<semaphore_mem>>) src(%arg9 : memref<80x128xf32, #tpu.memory_space<vmem>>) dst(%dma_wait3A_389 : memref<10240x128xf32, #tpu.memory_space<vmem_shared>>)
      %add3A_390 = arith.constant 2 : i32
      %add3A_391 = arith.addi %add3A_368, %add3A_390 : i32
      %lt3A_392 = arith.constant 125 : i32
      %lt3A_393 = arith.cmpi slt, %add3A_391, %lt3A_392 : i32
      %convert_element_type3A_394 = arith.extui %lt3A_393 : i1 to i32
      %cond3A_395 = arith.constant 0 : i32
      %cond3A_396 = arith.cmpi ne, %convert_element_type3A_394, %cond3A_395 : i32
      scf.if %cond3A_396 {
        %add3A_397 = arith.constant 2 : i32
        %add3A_398 = arith.addi %add3A_368, %add3A_397 : i32
        %mul3A_399 = arith.constant 80 : i32
        %mul3A_400 = arith.muli %add3A_398, %mul3A_399 : i32
        %add3A_401 = arith.constant 0 : i32
        %add3A_402 = arith.addi %mul3A_400, %add3A_401 : i32
        %get3A_403 = arith.index_cast %add3A_402 : i32 to index
        %get3A_404 = tpu.vector_load %arg6[%get3A_403] {strides = array<i32>} : memref<10000xi32, #tpu.memory_space<vmem>>, vector<16xi32>,
        %and3A_405 = arith.andi %get3A_404, %broadcast_in_dim3A_1 : vector<16xi32>
        %swap3A_406 = arith.constant 0 : i32
        %swap3A_407 = arith.index_cast %swap3A_406 : i32 to index
        %swap3A_408 = arith.constant 0 : index
        %swap3A_409 = tpu.vector_load %arg12[%swap3A_407, %swap3A_408] {strides = array<i32>} : memref<1x80xi32, #tpu.memory_space<vmem>>, vector<16xi32>,
        tpu.vector_store %arg12[%swap3A_407, %swap3A_408], %and3A_405 {strides = array<i32>} : memref<1x80xi32, #tpu.memory_space<vmem>>, vector<16xi32>,
        %shift_right_logical3A_410 = arith.shrui %get3A_404, %broadcast_in_dim3A_3 : vector<16xi32>
        %swap3A_411 = arith.constant 0 : i32
        %swap3A_412 = arith.index_cast %swap3A_411 : i32 to index
        %swap3A_413 = arith.constant 0 : index
        %swap3A_414 = tpu.vector_load %arg15[%swap3A_412, %swap3A_413] {strides = array<i32>} : memref<1x80xi32, #tpu.memory_space<vmem>>, vector<16xi32>,
        tpu.vector_store %arg15[%swap3A_412, %swap3A_413], %shift_right_logical3A_410 {strides = array<i32>} : memref<1x80xi32, #tpu.memory_space<vmem>>, vector<16xi32>,
        %mul3A_415 = arith.constant 80 : i32
        %mul3A_416 = arith.muli %add3A_398, %mul3A_415 : i32
        %add3A_417 = arith.constant 16 : i32
        %add3A_418 = arith.addi %mul3A_416, %add3A_417 : i32
        %get3A_419 = arith.index_cast %add3A_418 : i32 to index
        %get3A_420 = tpu.vector_load %arg6[%get3A_419] {strides = array<i32>} : memref<10000xi32, #tpu.memory_space<vmem>>, vector<16xi32>,
        %and3A_421 = arith.andi %get3A_420, %broadcast_in_dim3A_1 : vector<16xi32>
        %swap3A_422 = arith.constant 0 : i32
        %swap3A_423 = arith.index_cast %swap3A_422 : i32 to index
        %swap3A_424 = arith.constant 16 : index
        %swap3A_425 = tpu.vector_load %arg12[%swap3A_423, %swap3A_424] {strides = array<i32>} : memref<1x80xi32, #tpu.memory_space<vmem>>, vector<16xi32>,
        tpu.vector_store %arg12[%swap3A_423, %swap3A_424], %and3A_421 {strides = array<i32>} : memref<1x80xi32, #tpu.memory_space<vmem>>, vector<16xi32>,
        %shift_right_logical3A_426 = arith.shrui %get3A_420, %broadcast_in_dim3A_3 : vector<16xi32>
        %swap3A_427 = arith.constant 0 : i32
        %swap3A_428 = arith.index_cast %swap3A_427 : i32 to index
        %swap3A_429 = arith.constant 16 : index
        %swap3A_430 = tpu.vector_load %arg15[%swap3A_428, %swap3A_429] {strides = array<i32>} : memref<1x80xi32, #tpu.memory_space<vmem>>, vector<16xi32>,
        tpu.vector_store %arg15[%swap3A_428, %swap3A_429], %shift_right_logical3A_426 {strides = array<i32>} : memref<1x80xi32, #tpu.memory_space<vmem>>, vector<16xi32>,
        %mul3A_431 = arith.constant 80 : i32
        %mul3A_432 = arith.muli %add3A_398, %mul3A_431 : i32
        %add3A_433 = arith.constant 32 : i32
        %add3A_434 = arith.addi %mul3A_432, %add3A_433 : i32
        %get3A_435 = arith.index_cast %add3A_434 : i32 to index
        %get3A_436 = tpu.vector_load %arg6[%get3A_435] {strides = array<i32>} : memref<10000xi32, #tpu.memory_space<vmem>>, vector<16xi32>,
        %and3A_437 = arith.andi %get3A_436, %broadcast_in_dim3A_1 : vector<16xi32>
        %swap3A_438 = arith.constant 0 : i32
        %swap3A_439 = arith.index_cast %swap3A_438 : i32 to index
        %swap3A_440 = arith.constant 32 : index
        %swap3A_441 = tpu.vector_load %arg12[%swap3A_439, %swap3A_440] {strides = array<i32>} : memref<1x80xi32, #tpu.memory_space<vmem>>, vector<16xi32>,
        tpu.vector_store %arg12[%swap3A_439, %swap3A_440], %and3A_437 {strides = array<i32>} : memref<1x80xi32, #tpu.memory_space<vmem>>, vector<16xi32>,
        %shift_right_logical3A_442 = arith.shrui %get3A_436, %broadcast_in_dim3A_3 : vector<16xi32>
        %swap3A_443 = arith.constant 0 : i32
        %swap3A_444 = arith.index_cast %swap3A_443 : i32 to index
        %swap3A_445 = arith.constant 32 : index
        %swap3A_446 = tpu.vector_load %arg15[%swap3A_444, %swap3A_445] {strides = array<i32>} : memref<1x80xi32, #tpu.memory_space<vmem>>, vector<16xi32>,
        tpu.vector_store %arg15[%swap3A_444, %swap3A_445], %shift_right_logical3A_442 {strides = array<i32>} : memref<1x80xi32, #tpu.memory_space<vmem>>, vector<16xi32>,
        %mul3A_447 = arith.constant 80 : i32
        %mul3A_448 = arith.muli %add3A_398, %mul3A_447 : i32
        %add3A_449 = arith.constant 48 : i32
        %add3A_450 = arith.addi %mul3A_448, %add3A_449 : i32
        %get3A_451 = arith.index_cast %add3A_450 : i32 to index
        %get3A_452 = tpu.vector_load %arg6[%get3A_451] {strides = array<i32>} : memref<10000xi32, #tpu.memory_space<vmem>>, vector<16xi32>,
        %and3A_453 = arith.andi %get3A_452, %broadcast_in_dim3A_1 : vector<16xi32>
        %swap3A_454 = arith.constant 0 : i32
        %swap3A_455 = arith.index_cast %swap3A_454 : i32 to index
        %swap3A_456 = arith.constant 48 : index
        %swap3A_457 = tpu.vector_load %arg12[%swap3A_455, %swap3A_456] {strides = array<i32>} : memref<1x80xi32, #tpu.memory_space<vmem>>, vector<16xi32>,
        tpu.vector_store %arg12[%swap3A_455, %swap3A_456], %and3A_453 {strides = array<i32>} : memref<1x80xi32, #tpu.memory_space<vmem>>, vector<16xi32>,
        %shift_right_logical3A_458 = arith.shrui %get3A_452, %broadcast_in_dim3A_3 : vector<16xi32>
        %swap3A_459 = arith.constant 0 : i32
        %swap3A_460 = arith.index_cast %swap3A_459 : i32 to index
        %swap3A_461 = arith.constant 48 : index
        %swap3A_462 = tpu.vector_load %arg15[%swap3A_460, %swap3A_461] {strides = array<i32>} : memref<1x80xi32, #tpu.memory_space<vmem>>, vector<16xi32>,
        tpu.vector_store %arg15[%swap3A_460, %swap3A_461], %shift_right_logical3A_458 {strides = array<i32>} : memref<1x80xi32, #tpu.memory_space<vmem>>, vector<16xi32>,
        %mul3A_463 = arith.constant 80 : i32
        %mul3A_464 = arith.muli %add3A_398, %mul3A_463 : i32
        %add3A_465 = arith.constant 64 : i32
        %add3A_466 = arith.addi %mul3A_464, %add3A_465 : i32
        %get3A_467 = arith.index_cast %add3A_466 : i32 to index
        %get3A_468 = tpu.vector_load %arg6[%get3A_467] {strides = array<i32>} : memref<10000xi32, #tpu.memory_space<vmem>>, vector<16xi32>,
        %and3A_469 = arith.andi %get3A_468, %broadcast_in_dim3A_1 : vector<16xi32>
        %swap3A_470 = arith.constant 0 : i32
        %swap3A_471 = arith.index_cast %swap3A_470 : i32 to index
        %swap3A_472 = arith.constant 64 : index
        %swap3A_473 = tpu.vector_load %arg12[%swap3A_471, %swap3A_472] {strides = array<i32>} : memref<1x80xi32, #tpu.memory_space<vmem>>, vector<16xi32>,
        tpu.vector_store %arg12[%swap3A_471, %swap3A_472], %and3A_469 {strides = array<i32>} : memref<1x80xi32, #tpu.memory_space<vmem>>, vector<16xi32>,
        %shift_right_logical3A_474 = arith.shrui %get3A_468, %broadcast_in_dim3A_3 : vector<16xi32>
        %swap3A_475 = arith.constant 0 : i32
        %swap3A_476 = arith.index_cast %swap3A_475 : i32 to index
        %swap3A_477 = arith.constant 64 : index
        %swap3A_478 = tpu.vector_load %arg15[%swap3A_476, %swap3A_477] {strides = array<i32>} : memref<1x80xi32, #tpu.memory_space<vmem>>, vector<16xi32>,
        tpu.vector_store %arg15[%swap3A_476, %swap3A_477], %shift_right_logical3A_474 {strides = array<i32>} : memref<1x80xi32, #tpu.memory_space<vmem>>, vector<16xi32>,
        %add3A_479 = arith.constant 2 : i32
        %add3A_480 = arith.addi %add3A_368, %add3A_479 : i32
        %dma_start3A_481 = arith.constant 0 : i32
        %dma_start3A_482 = arith.constant 0 : i32
        %dma_start3A_483 = tpu.memref_slice %arg12[%dma_start3A_481, %dma_start3A_482] : memref<1x80xi32, #tpu.memory_space<vmem>> -> memref<1x80xi32, #tpu.memory_space<vmem>>
        %dma_start3A_484 = tpu.memref_squeeze %dma_start3A_483 : memref<1x80xi32, #tpu.memory_space<vmem>> -> memref<80xi32, #tpu.memory_space<vmem>>
        %dma_start3A_485 = arith.constant 0 : i32
        %dma_start3A_486 = arith.constant 0 : i32
        %dma_start3A_487 = tpu.memref_slice %arg2[%dma_start3A_485, %dma_start3A_486] : memref<10000x128xf32, #tpu.memory_space<hbm>> -> memref<10000x128xf32, #tpu.memory_space<hbm>>
        tpu.enqueue_indirect_dma source(%dma_start3A_487 : memref<10000x128xf32, #tpu.memory_space<hbm>>) target(%arg9 : memref<80x128xf32, #tpu.memory_space<vmem>>) offsets(%dma_start3A_484 : memref<80xi32, #tpu.memory_space<vmem>>) semaphore(%arg18 : memref<!tpu.dma_semaphore, #tpu.memory_space<semaphore_mem>>)
      } else {
      }
    }
    %scan3A_263 = arith.constant 41 : i32
    %dma_wait3A_264 = arith.constant 0 : i32
    %dma_wait3A_265 = arith.constant 0 : i32
    %dma_wait3A_266 = tpu.memref_slice %arg11[%dma_wait3A_264, %dma_wait3A_265] : memref<1x80xi32, #tpu.memory_space<vmem>> -> memref<1x80xi32, #tpu.memory_space<vmem>>
    %dma_wait3A_267 = tpu.memref_squeeze %dma_wait3A_266 : memref<1x80xi32, #tpu.memory_space<vmem>> -> memref<80xi32, #tpu.memory_space<vmem>>
    %dma_wait3A_268 = arith.constant 0 : i32
    %dma_wait3A_269 = arith.constant 0 : i32
    %dma_wait3A_270 = tpu.memref_slice %arg2[%dma_wait3A_268, %dma_wait3A_269] : memref<10000x128xf32, #tpu.memory_space<hbm>> -> memref<10000x128xf32, #tpu.memory_space<hbm>>
    tpu.wait_indirect_dma semaphore(%arg17 : memref<!tpu.dma_semaphore, #tpu.memory_space<semaphore_mem>>) src(%dma_wait3A_270 : memref<10000x128xf32, #tpu.memory_space<hbm>>) dst(%arg8 : memref<80x128xf32, #tpu.memory_space<vmem>>)
    %dma_start3A_271 = arith.constant 0 : i32
    %dma_start3A_272 = arith.constant 0 : i32
    %dma_start3A_273 = tpu.memref_slice %arg14[%dma_start3A_271, %dma_start3A_272] : memref<1x80xi32, #tpu.memory_space<vmem>> -> memref<1x80xi32, #tpu.memory_space<vmem>>
    %dma_start3A_274 = tpu.memref_squeeze %dma_start3A_273 : memref<1x80xi32, #tpu.memory_space<vmem>> -> memref<80xi32, #tpu.memory_space<vmem>>
    %dma_start3A_275 = arith.constant 0 : i32
    %dma_start3A_276 = arith.constant 0 : i32
    %dma_start3A_277 = tpu.memref_slice %arg5[%dma_start3A_275, %dma_start3A_276] : memref<10240x128xf32, #tpu.memory_space<vmem_shared>> -> memref<10240x128xf32, #tpu.memory_space<vmem_shared>>
    tpu.enqueue_indirect_dma source(%arg8 : memref<80x128xf32, #tpu.memory_space<vmem>>) target(%dma_start3A_277 : memref<10240x128xf32, #tpu.memory_space<vmem_shared>>) offsets(%dma_start3A_274 : memref<80xi32, #tpu.memory_space<vmem>>) semaphore(%arg20 : memref<!tpu.dma_semaphore, #tpu.memory_space<semaphore_mem>>) {add = true}
    %dma_wait3A_278 = arith.constant 0 : i32
    %dma_wait3A_279 = arith.constant 0 : i32
    %dma_wait3A_280 = tpu.memref_slice %arg13[%dma_wait3A_278, %dma_wait3A_279] : memref<1x80xi32, #tpu.memory_space<vmem>> -> memref<1x80xi32, #tpu.memory_space<vmem>>
    %dma_wait3A_281 = tpu.memref_squeeze %dma_wait3A_280 : memref<1x80xi32, #tpu.memory_space<vmem>> -> memref<80xi32, #tpu.memory_space<vmem>>
    %dma_wait3A_282 = arith.constant 0 : i32
    %dma_wait3A_283 = arith.constant 0 : i32
    %dma_wait3A_284 = tpu.memref_slice %arg5[%dma_wait3A_282, %dma_wait3A_283] : memref<10240x128xf32, #tpu.memory_space<vmem_shared>> -> memref<10240x128xf32, #tpu.memory_space<vmem_shared>>
    tpu.wait_indirect_dma semaphore(%arg19 : memref<!tpu.dma_semaphore, #tpu.memory_space<semaphore_mem>>) src(%arg7 : memref<80x128xf32, #tpu.memory_space<vmem>>) dst(%dma_wait3A_284 : memref<10240x128xf32, #tpu.memory_space<vmem_shared>>)
    %dma_wait3A_285 = arith.constant 0 : i32
    %dma_wait3A_286 = arith.constant 0 : i32
    %dma_wait3A_287 = tpu.memref_slice %arg14[%dma_wait3A_285, %dma_wait3A_286] : memref<1x80xi32, #tpu.memory_space<vmem>> -> memref<1x80xi32, #tpu.memory_space<vmem>>
    %dma_wait3A_288 = tpu.memref_squeeze %dma_wait3A_287 : memref<1x80xi32, #tpu.memory_space<vmem>> -> memref<80xi32, #tpu.memory_space<vmem>>
    %dma_wait3A_289 = arith.constant 0 : i32
    %dma_wait3A_290 = arith.constant 0 : i32
    %dma_wait3A_291 = tpu.memref_slice %arg5[%dma_wait3A_289, %dma_wait3A_290] : memref<10240x128xf32, #tpu.memory_space<vmem_shared>> -> memref<10240x128xf32, #tpu.memory_space<vmem_shared>>
    tpu.wait_indirect_dma semaphore(%arg20 : memref<!tpu.dma_semaphore, #tpu.memory_space<semaphore_mem>>) src(%arg8 : memref<80x128xf32, #tpu.memory_space<vmem>>) dst(%dma_wait3A_291 : memref<10240x128xf32, #tpu.memory_space<vmem_shared>>)
    %barrier3A_292 = arith.constant 0 : index
    tpu.barrier barrier_id(%barrier3A_292)
    %mul3A_293 = arith.constant 640 : i32
    %mul3A_294 = arith.muli %arg1, %mul3A_293 : i32
    %mul3A_295 = arith.constant 640 : i32
    %mul3A_296 = arith.muli %arg1, %mul3A_295 : i32
    "tpu.region"() ({
      %run_scoped3A = tpu.sem_alloc : memref<!tpu.dma_semaphore, #tpu.memory_space<semaphore_mem>>
      %dma_start3A_297 = arith.constant 0 : i32
      %dma_start3A_298 = tpu.memref_slice %arg4[%arg0, %mul3A_296, %dma_start3A_297] : memref<2x10240x128xf32, #tpu.memory_space<hbm>> -> memref<1x640x128xf32, #tpu.memory_space<hbm>>
      %dma_start3A_299 = tpu.memref_squeeze %dma_start3A_298 : memref<1x640x128xf32, #tpu.memory_space<hbm>> -> memref<640x128xf32, #tpu.memory_space<hbm>>
      %dma_start3A_300 = arith.constant 0 : i32
      %dma_start3A_301 = tpu.memref_slice %arg5[%mul3A_294, %dma_start3A_300] : memref<10240x128xf32, #tpu.memory_space<vmem_shared>> -> memref<640x128xf32, #tpu.memory_space<vmem_shared>>
      tpu.enqueue_dma source(%dma_start3A_301 : memref<640x128xf32, #tpu.memory_space<vmem_shared>>) target(%dma_start3A_299 : memref<640x128xf32, #tpu.memory_space<hbm>>) target_semaphore(%run_scoped3A : memref<!tpu.dma_semaphore, #tpu.memory_space<semaphore_mem>>)
      %dma_wait3A_302 = arith.constant 0 : i32
      %dma_wait3A_303 = tpu.memref_slice %arg4[%arg0, %mul3A_296, %dma_wait3A_302] : memref<2x10240x128xf32, #tpu.memory_space<hbm>> -> memref<1x640x128xf32, #tpu.memory_space<hbm>>
      %dma_wait3A_304 = tpu.memref_squeeze %dma_wait3A_303 : memref<1x640x128xf32, #tpu.memory_space<hbm>> -> memref<640x128xf32, #tpu.memory_space<hbm>>
      %dma_wait3A_305 = arith.constant 0 : i32
      %dma_wait3A_306 = tpu.memref_slice %arg5[%mul3A_294, %dma_wait3A_305] : memref<10240x128xf32, #tpu.memory_space<vmem_shared>> -> memref<640x128xf32, #tpu.memory_space<vmem_shared>>
      tpu.wait_dma2 semaphore(%run_scoped3A : memref<!tpu.dma_semaphore, #tpu.memory_space<semaphore_mem>>) src(%dma_wait3A_306 : memref<640x128xf32, #tpu.memory_space<vmem_shared>>) dst(%dma_wait3A_304 : memref<640x128xf32, #tpu.memory_space<hbm>>)
      tpu.yield
    }) : () -> ()
    return
  }
}

#map = affine_map<(d0, d1) -> (0)>
#map1 = affine_map<(d0, d1) -> (0, 0)>
module attributes {stable_mosaic.version = 14 : i64} {
  func.func @deg_kernel(%arg0: i32, %arg1: i32, %arg2: memref<320000xi32, #tpu.memory_space<hbm>>, %arg3: memref<32x10240xf32, #tpu.memory_space<hbm>>, %arg4: memref<10240xf32, #tpu.memory_space<vmem>>, %arg5: memref<10000xi32, #tpu.memory_space<vmem>>) attributes {dimension_semantics = [#tpu.dimension_semantics<core_parallel>, #tpu.dimension_semantics<subcore_parallel>], iteration_bounds = array<i64: 2, 16>, scalar_prefetch = 0 : i64, scratch_operands = 2 : i64, tpu.core_type = #tpu.core_type<sc_vector_subcore>, window_params = [{transform_indices = #map}, {transform_indices = #map1}]} {
    %mul3A = arith.constant 16 : i32
    %mul3A_0 = arith.muli %arg0, %mul3A : i32
    %add3A = arith.addi %mul3A_0, %arg1 : i32
    %scan3A = arith.constant 0 : i32
    %scan3A_1 = arith.constant 0 : i32
    %scan3A_2 = arith.constant 640 : i32
    %scan3A_3 = arith.addi %scan3A_1, %scan3A_2 : i32
    %scan3A_4 = arith.constant 1 : i32
    scf.for %scan3A_15 = %scan3A_1 to %scan3A_3 step %scan3A_4  : i32 {
      %broadcast_in_dim3A_16 = arith.constant 0.000000e+00 : f32
      %broadcast_in_dim3A_17 = vector.broadcast %broadcast_in_dim3A_16 : f32 to vector<16xf32>
      %mul3A_18 = arith.constant 16 : i32
      %mul3A_19 = arith.muli %scan3A_15, %mul3A_18 : i32
      %swap3A = arith.index_cast %mul3A_19 : i32 to index
      %swap3A_20 = tpu.vector_load %arg4[%swap3A] {strides = array<i32>} : memref<10240xf32, #tpu.memory_space<vmem>>, vector<16xf32>,
      tpu.vector_store %arg4[%swap3A], %broadcast_in_dim3A_17 {strides = array<i32>} : memref<10240xf32, #tpu.memory_space<vmem>>, vector<16xf32>,
    }
    %scan3A_5 = arith.constant 640 : i32
    %mul3A_6 = arith.constant 10000 : i32
    %mul3A_7 = arith.muli %add3A, %mul3A_6 : i32
    "tpu.region"() ({
      %run_scoped3A = tpu.sem_alloc : memref<!tpu.dma_semaphore, #tpu.memory_space<semaphore_mem>>
      %dma_start3A = tpu.memref_slice %arg2[%mul3A_7] : memref<320000xi32, #tpu.memory_space<hbm>> -> memref<10000xi32, #tpu.memory_space<hbm>>
      %dma_start3A_15 = tpu.memref_slice %arg2[%mul3A_7] : memref<320000xi32, #tpu.memory_space<hbm>> -> memref<10000xi32, #tpu.memory_space<hbm>>
      tpu.enqueue_dma source(%dma_start3A_15 : memref<10000xi32, #tpu.memory_space<hbm>>) target(%arg5 : memref<10000xi32, #tpu.memory_space<vmem>>) target_semaphore(%run_scoped3A : memref<!tpu.dma_semaphore, #tpu.memory_space<semaphore_mem>>)
      %dma_wait3A = tpu.memref_slice %arg2[%mul3A_7] : memref<320000xi32, #tpu.memory_space<hbm>> -> memref<10000xi32, #tpu.memory_space<hbm>>
      %dma_wait3A_16 = tpu.memref_slice %arg2[%mul3A_7] : memref<320000xi32, #tpu.memory_space<hbm>> -> memref<10000xi32, #tpu.memory_space<hbm>>
      tpu.wait_dma2 semaphore(%run_scoped3A : memref<!tpu.dma_semaphore, #tpu.memory_space<semaphore_mem>>) src(%dma_wait3A_16 : memref<10000xi32, #tpu.memory_space<hbm>>) dst(%arg5 : memref<10000xi32, #tpu.memory_space<vmem>>)
      tpu.yield
    }) : () -> ()
    %broadcast_in_dim3A = arith.constant 1.000000e+00 : f32
    %broadcast_in_dim3A_8 = vector.broadcast %broadcast_in_dim3A : f32 to vector<16xf32>
    %scan3A_9 = arith.constant 0 : i32
    %scan3A_10 = arith.constant 0 : i32
    %scan3A_11 = arith.constant 625 : i32
    %scan3A_12 = arith.addi %scan3A_10, %scan3A_11 : i32
    %scan3A_13 = arith.constant 1 : i32
    scf.for %scan3A_15 = %scan3A_10 to %scan3A_12 step %scan3A_13  : i32 {
      %mul3A_16 = arith.constant 16 : i32
      %mul3A_17 = arith.muli %scan3A_15, %mul3A_16 : i32
      %get3A = arith.index_cast %mul3A_17 : i32 to index
      %get3A_18 = tpu.vector_load %arg5[%get3A] {strides = array<i32>} : memref<10000xi32, #tpu.memory_space<vmem>>, vector<16xi32>,
      tpu.vector_store_idx %arg4[%get3A_18], %broadcast_in_dim3A_8 {add = true} : memref<10240xf32, #tpu.memory_space<vmem>>[vector<16xi32>], vector<16xf32>,
    }
    %scan3A_14 = arith.constant 625 : i32
    "tpu.region"() ({
      %run_scoped3A = tpu.sem_alloc : memref<!tpu.dma_semaphore, #tpu.memory_space<semaphore_mem>>
      %dma_start3A = arith.constant 0 : i32
      %dma_start3A_15 = tpu.memref_slice %arg3[%add3A, %dma_start3A] : memref<32x10240xf32, #tpu.memory_space<hbm>> -> memref<1x10240xf32, #tpu.memory_space<hbm>>
      %dma_start3A_16 = tpu.memref_squeeze %dma_start3A_15 : memref<1x10240xf32, #tpu.memory_space<hbm>> -> memref<10240xf32, #tpu.memory_space<hbm>>
      %dma_start3A_17 = arith.constant 0 : i32
      %dma_start3A_18 = tpu.memref_slice %arg3[%add3A, %dma_start3A_17] : memref<32x10240xf32, #tpu.memory_space<hbm>> -> memref<1x10240xf32, #tpu.memory_space<hbm>>
      %dma_start3A_19 = tpu.memref_squeeze %dma_start3A_18 : memref<1x10240xf32, #tpu.memory_space<hbm>> -> memref<10240xf32, #tpu.memory_space<hbm>>
      tpu.enqueue_dma source(%arg4 : memref<10240xf32, #tpu.memory_space<vmem>>) target(%dma_start3A_19 : memref<10240xf32, #tpu.memory_space<hbm>>) target_semaphore(%run_scoped3A : memref<!tpu.dma_semaphore, #tpu.memory_space<semaphore_mem>>)
      %dma_wait3A = arith.constant 0 : i32
      %dma_wait3A_20 = tpu.memref_slice %arg3[%add3A, %dma_wait3A] : memref<32x10240xf32, #tpu.memory_space<hbm>> -> memref<1x10240xf32, #tpu.memory_space<hbm>>
      %dma_wait3A_21 = tpu.memref_squeeze %dma_wait3A_20 : memref<1x10240xf32, #tpu.memory_space<hbm>> -> memref<10240xf32, #tpu.memory_space<hbm>>
      %dma_wait3A_22 = arith.constant 0 : i32
      %dma_wait3A_23 = tpu.memref_slice %arg3[%add3A, %dma_wait3A_22] : memref<32x10240xf32, #tpu.memory_space<hbm>> -> memref<1x10240xf32, #tpu.memory_space<hbm>>
      %dma_wait3A_24 = tpu.memref_squeeze %dma_wait3A_23 : memref<1x10240xf32, #tpu.memory_space<hbm>> -> memref<10240xf32, #tpu.memory_space<hbm>>
      tpu.wait_dma2 semaphore(%run_scoped3A : memref<!tpu.dma_semaphore, #tpu.memory_space<semaphore_mem>>) src(%arg4 : memref<10240xf32, #tpu.memory_space<vmem>>) dst(%dma_wait3A_24 : memref<10240xf32, #tpu.memory_space<hbm>>)
      tpu.yield
    }) : () -> ()
    return
  }
}

module attributes {stable_mosaic.version = 14 : i64} {
  func.func @_y1_body(%arg0: i32, %arg1: memref<32x2048xf32, #tpu.memory_space<vmem>>, %arg2: memref<2048x128xf32, #tpu.memory_space<vmem>>, %arg3: memref<2048x128xf32, #tpu.memory_space<vmem>>) attributes {dimension_semantics = [#tpu.dimension_semantics<arbitrary>], iteration_bounds = array<i64: 5>, scalar_prefetch = 0 : i64, scratch_operands = 0 : i64, tpu.core_type = #tpu.core_type<tc>, window_params = [{transform_indices = @transform_0, window_bounds = array<i64: 32, 2048>}, {transform_indices = @transform_1, window_bounds = array<i64: 2048, 128>}, {transform_indices = @transform_2, window_bounds = array<i64: 2048, 128>}]} {
    %get3A = arith.constant 0 : index
    %get3A_0 = arith.constant 0 : index
    %get3A_1 = vector.load %arg1[%get3A, %get3A_0] : memref<32x2048xf32, #tpu.memory_space<vmem>>, vector<32x2048xf32>
    %transpose3A = tpu.transpose %get3A_1, [1, 0] : vector<32x2048xf32> -> vector<2048x32xf32>
    %reduce_sum3A = arith.constant dense<0.000000e+00> : vector<2048xf32>
    %reduce_sum3A_2 = vector.multi_reduction <add>, %transpose3A, %reduce_sum3A [1] : vector<2048x32xf32> to vector<2048xf32>
    %broadcast_in_dim3A = vector.shape_cast %reduce_sum3A_2 : vector<2048xf32> to vector<2048x1xf32>
    %add3A = arith.constant 1.000000e+00 : f32
    %add3A_3 = vector.broadcast %add3A : f32 to vector<2048x1xf32>
    %add3A_4 = arith.addf %broadcast_in_dim3A, %add3A_3 : vector<2048x1xf32>
    %rsqrt3A = math.rsqrt %add3A_4 : vector<2048x1xf32>
    %get3A_5 = arith.constant 0 : index
    %get3A_6 = arith.constant 0 : index
    %get3A_7 = vector.load %arg2[%get3A_5, %get3A_6] : memref<2048x128xf32, #tpu.memory_space<vmem>>, vector<2048x128xf32>
    %mul3A = vector.broadcast %rsqrt3A : vector<2048x1xf32> to vector<2048x128xf32>
    %mul3A_8 = arith.mulf %get3A_7, %mul3A : vector<2048x128xf32>
    %swap3A = arith.constant 0 : index
    %swap3A_9 = arith.constant 0 : index
    %swap3A_10 = vector.load %arg3[%swap3A, %swap3A_9] : memref<2048x128xf32, #tpu.memory_space<vmem>>, vector<2048x128xf32>
    tpu.vector_store %arg3[%swap3A, %swap3A_9], %mul3A_8 {strides = array<i32>} : memref<2048x128xf32, #tpu.memory_space<vmem>>, vector<2048x128xf32>,
    return
  }
  func.func @transform_0(%arg0: i32) -> (i32, i32) {
    %c0_i32 = arith.constant 0 : i32
    %c0_i32_0 = arith.constant 0 : i32
    return %c0_i32, %arg0 : i32, i32
  }
  func.func @transform_1(%arg0: i32) -> (i32, i32) {
    %c0_i32 = arith.constant 0 : i32
    %c0_i32_0 = arith.constant 0 : i32
    return %arg0, %c0_i32 : i32, i32
  }
  func.func @transform_2(%arg0: i32) -> (i32, i32) {
    %c0_i32 = arith.constant 0 : i32
    %c0_i32_0 = arith.constant 0 : i32
    return %arg0, %c0_i32 : i32, i32
  }
}

module attributes {stable_mosaic.version = 14 : i64} {
  func.func @_mid_body(%arg0: i32, %arg1: memref<32x2048xf32, #tpu.memory_space<vmem>>, %arg2: memref<2x2048x128xf32, #tpu.memory_space<vmem>>, %arg3: memref<2048x128xf32, #tpu.memory_space<vmem>>, %arg4: memref<128x256xf32, #tpu.memory_space<vmem>>, %arg5: memref<1x256xf32, #tpu.memory_space<vmem>>, %arg6: memref<256x128xf32, #tpu.memory_space<vmem>>, %arg7: memref<2048x128xf32, #tpu.memory_space<vmem>>) attributes {dimension_semantics = [#tpu.dimension_semantics<arbitrary>], iteration_bounds = array<i64: 5>, scalar_prefetch = 0 : i64, scratch_operands = 0 : i64, tpu.core_type = #tpu.core_type<tc>, window_params = [{transform_indices = @transform_0, window_bounds = array<i64: 32, 2048>}, {transform_indices = @transform_1, window_bounds = array<i64: 2, 2048, 128>}, {transform_indices = @transform_2, window_bounds = array<i64: 2048, 128>}, {pipeline_mode = #tpu.pipeline_mode<synchronous>, transform_indices = @transform_3, window_bounds = array<i64: 128, 256>}, {pipeline_mode = #tpu.pipeline_mode<synchronous>, transform_indices = @transform_4, window_bounds = array<i64: 1, 256>}, {pipeline_mode = #tpu.pipeline_mode<synchronous>, transform_indices = @transform_5, window_bounds = array<i64: 256, 128>}, {transform_indices = @transform_6, window_bounds = array<i64: 2048, 128>}]} {
    %get3A = arith.constant 0 : index
    %get3A_0 = arith.constant 0 : index
    %get3A_1 = vector.load %arg1[%get3A, %get3A_0] : memref<32x2048xf32, #tpu.memory_space<vmem>>, vector<32x2048xf32>
    %transpose3A = tpu.transpose %get3A_1, [1, 0] : vector<32x2048xf32> -> vector<2048x32xf32>
    %reduce_sum3A = arith.constant dense<0.000000e+00> : vector<2048xf32>
    %reduce_sum3A_2 = vector.multi_reduction <add>, %transpose3A, %reduce_sum3A [1] : vector<2048x32xf32> to vector<2048xf32>
    %broadcast_in_dim3A = vector.shape_cast %reduce_sum3A_2 : vector<2048xf32> to vector<2048x1xf32>
    %add3A = arith.constant 1.000000e+00 : f32
    %add3A_3 = vector.broadcast %add3A : f32 to vector<2048x1xf32>
    %add3A_4 = arith.addf %broadcast_in_dim3A, %add3A_3 : vector<2048x1xf32>
    %rsqrt3A = math.rsqrt %add3A_4 : vector<2048x1xf32>
    %get3A_5 = arith.constant 0 : index
    %get3A_6 = arith.constant 0 : index
    %get3A_7 = arith.constant 0 : index
    %get3A_8 = vector.load %arg2[%get3A_5, %get3A_6, %get3A_7] : memref<2x2048x128xf32, #tpu.memory_space<vmem>>, vector<1x2048x128xf32>
    %get3A_9 = vector.shape_cast %get3A_8 : vector<1x2048x128xf32> to vector<2048x128xf32>
    %get3A_10 = arith.constant 1 : index
    %get3A_11 = arith.constant 0 : index
    %get3A_12 = arith.constant 0 : index
    %get3A_13 = vector.load %arg2[%get3A_10, %get3A_11, %get3A_12] : memref<2x2048x128xf32, #tpu.memory_space<vmem>>, vector<1x2048x128xf32>
    %get3A_14 = vector.shape_cast %get3A_13 : vector<1x2048x128xf32> to vector<2048x128xf32>
    %add3A_15 = arith.addf %get3A_9, %get3A_14 : vector<2048x128xf32>
    %get3A_16 = arith.constant 0 : index
    %get3A_17 = arith.constant 0 : index
    %get3A_18 = vector.load %arg3[%get3A_16, %get3A_17] : memref<2048x128xf32, #tpu.memory_space<vmem>>, vector<2048x128xf32>
    %add3A_19 = arith.addf %add3A_15, %get3A_18 : vector<2048x128xf32>
    %mul3A = vector.broadcast %rsqrt3A : vector<2048x1xf32> to vector<2048x128xf32>
    %mul3A_20 = arith.mulf %mul3A, %add3A_19 : vector<2048x128xf32>
    %get3A_21 = arith.constant 0 : index
    %get3A_22 = arith.constant 0 : index
    %get3A_23 = vector.load %arg4[%get3A_21, %get3A_22] : memref<128x256xf32, #tpu.memory_space<vmem>>, vector<128x256xf32>
    %dot_general3A = arith.constant dense<0.000000e+00> : vector<2048x256xf32>
    %dot_general3A_24 = tpu.matmul %mul3A_20, %get3A_23, %dot_general3A {dimension_numbers = #tpu.dot_dimension_numbers<[1], [0], [0], [1], [0, 0, 1, 1], [], []>, transpose_lhs_hint = false} : vector<2048x128xf32>, vector<128x256xf32>, vector<2048x256xf32> -> vector<2048x256xf32>
    %get3A_25 = arith.constant 0 : index
    %get3A_26 = arith.constant 0 : index
    %get3A_27 = vector.load %arg5[%get3A_25, %get3A_26] : memref<1x256xf32, #tpu.memory_space<vmem>>, vector<1x256xf32>
    %add3A_28 = vector.broadcast %get3A_27 : vector<1x256xf32> to vector<2048x256xf32>
    %add3A_29 = arith.addf %dot_general3A_24, %add3A_28 : vector<2048x256xf32>
    %max3A = arith.constant 0.000000e+00 : f32
    %max3A_30 = vector.broadcast %max3A : f32 to vector<2048x256xf32>
    %max3A_31 = arith.maximumf %add3A_29, %max3A_30 : vector<2048x256xf32>
    %get3A_32 = arith.constant 0 : index
    %get3A_33 = arith.constant 0 : index
    %get3A_34 = vector.load %arg6[%get3A_32, %get3A_33] : memref<256x128xf32, #tpu.memory_space<vmem>>, vector<256x128xf32>
    %dot_general3A_35 = arith.constant dense<0.000000e+00> : vector<2048x128xf32>
    %dot_general3A_36 = tpu.matmul %max3A_31, %get3A_34, %dot_general3A_35 {dimension_numbers = #tpu.dot_dimension_numbers<[1], [0], [0], [1], [0, 0, 1, 1], [], []>, transpose_lhs_hint = false} : vector<2048x256xf32>, vector<256x128xf32>, vector<2048x128xf32> -> vector<2048x128xf32>
    %mul3A_37 = vector.broadcast %rsqrt3A : vector<2048x1xf32> to vector<2048x128xf32>
    %mul3A_38 = arith.mulf %dot_general3A_36, %mul3A_37 : vector<2048x128xf32>
    %swap3A = arith.constant 0 : index
    %swap3A_39 = arith.constant 0 : index
    %swap3A_40 = vector.load %arg7[%swap3A, %swap3A_39] : memref<2048x128xf32, #tpu.memory_space<vmem>>, vector<2048x128xf32>
    tpu.vector_store %arg7[%swap3A, %swap3A_39], %mul3A_38 {strides = array<i32>} : memref<2048x128xf32, #tpu.memory_space<vmem>>, vector<2048x128xf32>,
    return
  }
  func.func @transform_0(%arg0: i32) -> (i32, i32) {
    %c0_i32 = arith.constant 0 : i32
    %c0_i32_0 = arith.constant 0 : i32
    return %c0_i32, %arg0 : i32, i32
  }
  func.func @transform_1(%arg0: i32) -> (i32, i32, i32) {
    %c0_i32 = arith.constant 0 : i32
    %c0_i32_0 = arith.constant 0 : i32
    %c0_i32_1 = arith.constant 0 : i32
    return %c0_i32, %arg0, %c0_i32_0 : i32, i32, i32
  }
  func.func @transform_2(%arg0: i32) -> (i32, i32) {
    %c0_i32 = arith.constant 0 : i32
    %c0_i32_0 = arith.constant 0 : i32
    return %arg0, %c0_i32 : i32, i32
  }
  func.func @transform_3(%arg0: i32) -> (i32, i32) {
    %c0_i32 = arith.constant 0 : i32
    %c0_i32_0 = arith.constant 0 : i32
    %c0_i32_1 = arith.constant 0 : i32
    return %c0_i32, %c0_i32_0 : i32, i32
  }
  func.func @transform_4(%arg0: i32) -> (i32, i32) {
    %c0_i32 = arith.constant 0 : i32
    %c0_i32_0 = arith.constant 0 : i32
    %c0_i32_1 = arith.constant 0 : i32
    return %c0_i32, %c0_i32_0 : i32, i32
  }
  func.func @transform_5(%arg0: i32) -> (i32, i32) {
    %c0_i32 = arith.constant 0 : i32
    %c0_i32_0 = arith.constant 0 : i32
    %c0_i32_1 = arith.constant 0 : i32
    return %c0_i32, %c0_i32_0 : i32, i32
  }
  func.func @transform_6(%arg0: i32) -> (i32, i32) {
    %c0_i32 = arith.constant 0 : i32
    %c0_i32_0 = arith.constant 0 : i32
    return %arg0, %c0_i32 : i32, i32
  }
}

module attributes {stable_mosaic.version = 14 : i64} {
  func.func @_out_body(%arg0: i32, %arg1: memref<32x2048xf32, #tpu.memory_space<vmem>>, %arg2: memref<2x2048x128xf32, #tpu.memory_space<vmem>>, %arg3: memref<2048x128xf32, #tpu.memory_space<vmem>>, %arg4: memref<1x128xf32, #tpu.memory_space<vmem>>, %arg5: memref<2048x128xf32, #tpu.memory_space<vmem>>) attributes {dimension_semantics = [#tpu.dimension_semantics<arbitrary>], iteration_bounds = array<i64: 5>, scalar_prefetch = 0 : i64, scratch_operands = 0 : i64, tpu.core_type = #tpu.core_type<tc>, window_params = [{transform_indices = @transform_0, window_bounds = array<i64: 32, 2048>}, {transform_indices = @transform_1, window_bounds = array<i64: 2, 2048, 128>}, {transform_indices = @transform_2, window_bounds = array<i64: 2048, 128>}, {pipeline_mode = #tpu.pipeline_mode<synchronous>, transform_indices = @transform_3, window_bounds = array<i64: 1, 128>}, {transform_indices = @transform_4, window_bounds = array<i64: 2048, 128>}]} {
    %get3A = arith.constant 0 : index
    %get3A_0 = arith.constant 0 : index
    %get3A_1 = vector.load %arg1[%get3A, %get3A_0] : memref<32x2048xf32, #tpu.memory_space<vmem>>, vector<32x2048xf32>
    %transpose3A = tpu.transpose %get3A_1, [1, 0] : vector<32x2048xf32> -> vector<2048x32xf32>
    %reduce_sum3A = arith.constant dense<0.000000e+00> : vector<2048xf32>
    %reduce_sum3A_2 = vector.multi_reduction <add>, %transpose3A, %reduce_sum3A [1] : vector<2048x32xf32> to vector<2048xf32>
    %broadcast_in_dim3A = vector.shape_cast %reduce_sum3A_2 : vector<2048xf32> to vector<2048x1xf32>
    %add3A = arith.constant 1.000000e+00 : f32
    %add3A_3 = vector.broadcast %add3A : f32 to vector<2048x1xf32>
    %add3A_4 = arith.addf %broadcast_in_dim3A, %add3A_3 : vector<2048x1xf32>
    %rsqrt3A = math.rsqrt %add3A_4 : vector<2048x1xf32>
    %get3A_5 = arith.constant 0 : index
    %get3A_6 = arith.constant 0 : index
    %get3A_7 = arith.constant 0 : index
    %get3A_8 = vector.load %arg2[%get3A_5, %get3A_6, %get3A_7] : memref<2x2048x128xf32, #tpu.memory_space<vmem>>, vector<1x2048x128xf32>
    %get3A_9 = vector.shape_cast %get3A_8 : vector<1x2048x128xf32> to vector<2048x128xf32>
    %get3A_10 = arith.constant 1 : index
    %get3A_11 = arith.constant 0 : index
    %get3A_12 = arith.constant 0 : index
    %get3A_13 = vector.load %arg2[%get3A_10, %get3A_11, %get3A_12] : memref<2x2048x128xf32, #tpu.memory_space<vmem>>, vector<1x2048x128xf32>
    %get3A_14 = vector.shape_cast %get3A_13 : vector<1x2048x128xf32> to vector<2048x128xf32>
    %add3A_15 = arith.addf %get3A_9, %get3A_14 : vector<2048x128xf32>
    %get3A_16 = arith.constant 0 : index
    %get3A_17 = arith.constant 0 : index
    %get3A_18 = vector.load %arg3[%get3A_16, %get3A_17] : memref<2048x128xf32, #tpu.memory_space<vmem>>, vector<2048x128xf32>
    %add3A_19 = arith.addf %add3A_15, %get3A_18 : vector<2048x128xf32>
    %mul3A = vector.broadcast %rsqrt3A : vector<2048x1xf32> to vector<2048x128xf32>
    %mul3A_20 = arith.mulf %mul3A, %add3A_19 : vector<2048x128xf32>
    %get3A_21 = arith.constant 0 : index
    %get3A_22 = arith.constant 0 : index
    %get3A_23 = vector.load %arg4[%get3A_21, %get3A_22] : memref<1x128xf32, #tpu.memory_space<vmem>>, vector<1x128xf32>
    %add3A_24 = vector.broadcast %get3A_23 : vector<1x128xf32> to vector<2048x128xf32>
    %add3A_25 = arith.addf %mul3A_20, %add3A_24 : vector<2048x128xf32>
    %swap3A = arith.constant 0 : index
    %swap3A_26 = arith.constant 0 : index
    %swap3A_27 = vector.load %arg5[%swap3A, %swap3A_26] : memref<2048x128xf32, #tpu.memory_space<vmem>>, vector<2048x128xf32>
    tpu.vector_store %arg5[%swap3A, %swap3A_26], %add3A_25 {strides = array<i32>} : memref<2048x128xf32, #tpu.memory_space<vmem>>, vector<2048x128xf32>,
    return
  }
  func.func @transform_0(%arg0: i32) -> (i32, i32) {
    %c0_i32 = arith.constant 0 : i32
    %c0_i32_0 = arith.constant 0 : i32
    return %c0_i32, %arg0 : i32, i32
  }
  func.func @transform_1(%arg0: i32) -> (i32, i32, i32) {
    %c0_i32 = arith.constant 0 : i32
    %c0_i32_0 = arith.constant 0 : i32
    %c0_i32_1 = arith.constant 0 : i32
    return %c0_i32, %arg0, %c0_i32_0 : i32, i32, i32
  }
  func.func @transform_2(%arg0: i32) -> (i32, i32) {
    %c0_i32 = arith.constant 0 : i32
    %c0_i32_0 = arith.constant 0 : i32
    return %arg0, %c0_i32 : i32, i32
  }
  func.func @transform_3(%arg0: i32) -> (i32, i32) {
    %c0_i32 = arith.constant 0 : i32
    %c0_i32_0 = arith.constant 0 : i32
    %c0_i32_1 = arith.constant 0 : i32
    return %c0_i32, %c0_i32_0 : i32, i32
  }
  func.func @transform_4(%arg0: i32) -> (i32, i32) {
    %c0_i32 = arith.constant 0 : i32
    %c0_i32_0 = arith.constant 0 : i32
    return %arg0, %c0_i32 : i32, i32
  }
}

</mosaic_0001>

<sc_bundles>
// kernel: kernel.11.cloned.1.call-start
scs
__scs_entry_jumppad:
0x0: {  	(pc) =	sbr.rel $0x88, $3  }
0x1: {  	(tag) =	ssettag $0x0;
	lr =	simm.s32 $0x1  }
0x2: {  	[smem:$0x3F9B] =	sst lr;
	_ =	strace $0xD0000000  }
0x3: {  	_ = 	snop  }
0x4: {  	_ = 	snop  }
0x5: {  	_ = 	snop  }
0x6: {  	_ = 	snop  }
0x7: {  	_ = 	snop  }
__scs_overlays_trampoline_lowered:
0x8: {  	[smem:$0x3FAA] =	sst s0  }
0x9: {  	[smem:$0x3FAB] =	sst s1  }
0xa: {  	[smem:$0x3FAC] =	sst s2  }
0xb: {  	[smem:$0x3FAD] =	sst s3  }
0xc: {  	[smem:$0x3FAE] =	sst s4  }
0xd: {  	[smem:$0x3FAF] =	sst s5  }
0xe: {  	[smem:$0x3FB0] =	sst s6  }
0xf: {  	[smem:$0x3FB1] =	sst s7  }
0x10: {  	[smem:$0x3FB2] =	sst s8  }
0x11: {  	[smem:$0x3FB3] =	sst s9;
	s0 =	simm.s32 @!p0 $0x0  }
0x12: {  	s1 =	sld [smem:$0x3F99];
	s0 =	simm.s32 @p0 $0x1  }
0x13: {  	[smem:$0x3FB4] =	sst s0;
	s0 =	simm.s32 @!p1 $0x0  }
0x14: {  	s2 =	sld [smem:$0x3F98];
	s0 =	simm.s32 @p1 $0x1  }
0x15: {  	[smem:$0x3FB5] =	sst s0;
	s0 =	simm.s32 @!p2 $0x0  }
0x16: {  	s3 =	sld [smem:$0x3FDB];
	s0 =	simm.s32 @p2 $0x1  }
0x17: {  	s4 =	simm.s32 $0x1BF5;
	[smem:$0x3FB7] =	sst s0  }
0x18: {  	s0 =	sld [smem:$0x3F9A];
	_ =	swait.ge [sflag:s4], $0x0  }
0x19: {  	s7 =	sld [smem:$0x3F9B]  }
0x1a: {  	s8 =	sadd.s32 $0xFFFFE003, lr  }
0x1b: {  	s9 =	sadd.s32 $0xFFFFFEF7, lr;
	s5 =	simm.s32 $0xFFFFFFFF;
	p2 =	slt.u32 s8, $0xFFFFF086  }
0x1c: {  	p1 =	slt.u32 s9, $0xF7A;
	s5 =	simm.s32 @!p2 $0x0  }
0x1d: {  	s5 =	simm.s32 @p1 $0x1;
	p0 =	seq.s32 s7, s2  }
0x1e: {  	s7 =	smul.u32 @!p0 $0xF7A, s2;
	p2 =	seq.s32 @!p0 s5, $0x0  }
0x1f: {  	s9 =	smul.u32 $0xF7A, s1;
	s8 =	simm.s32 @!p0 $0x1BF5;
	p2 =	por !p2, p0  }
0x20: {  	[sflag:s8] =	ssyncset.s32 @!p0 $0xFFFFF086;
	s6 =	sadd.s32 @!p0 s3, s7;
	s7 =	simm.s32 @!p0 $0x108  }
0x21: {  	s3 =	sadd.s32 s3, s9;
	s6 =	sadd.s32 @!p0 $0x88, s6;
	s7 =	simm.s32 @p2 $0x1082  }
0x22: {  	[simem:s7], [sflag:s8] =	dma.local @!p0 [hbm:s6], $0xF7A  }
0x23: {  	s9 =	sor.u32 $0xD0000000, s2;
	s6 =	simm.s32 $0x108;
	_ =	swait.ge @!p0 [sflag:s8], $0x0  }
0x24: {  	s3 =	sadd.s32 $0x88, s3;
	s6 =	simm.s32 @!p1 $0x1082;
	[sflag:s4] =	ssyncset.s32 $0xFFFFF086  }
0x25: {  	[simem:s6], [sflag:s4] =	dma.local [hbm:s3], $0xF7A  }
0x26: {  	[smem:$0x3F9B] =	sst s1;
	(tag) =	ssettag s2;
	_ =	strace s9  }
0x27: {  	s1 =	sld [smem:$0x3FAB]  }
0x28: {  	s2 =	sld [smem:$0x3FAC]  }
0x29: {  	s4 =	sld [smem:$0x3FAE]  }
0x2a: {  	p0 =	seq.s32 s5, $0x0;
	s5 =	sld [smem:$0x3FAF]  }
0x2b: {  	s6 =	sld [smem:$0x3FB0]  }
0x2c: {  	s7 =	sld [smem:$0x3FB1]  }
0x2d: {  	s3 =	simm.s32 $0x108;
	s8 =	sld [smem:$0x3FB2]  }
0x2e: {  	s3 =	simm.s32 @!p0 $0x1082;
	s9 =	sld [smem:$0x3FB3]  }
0x2f: {  	lr =	sadd.s32 s0, s3;
	s0 =	sld [smem:$0x3FAA]  }
0x30: {  	s3 =	sld [smem:$0x3FAD]  }
0x31: {  	[smem:$0x3FB6] =	sst s10  }
0x32: {  	s10 =	sld [smem:$0x3FB4];
	_ =	sdelay $0x3  }
0x33: {  	p0 =	seq.s32 s10, $0x1;
	s10 =	sld [smem:$0x3FB6];
	_ =	sdelay $0x3  }
0x34: {  	[smem:$0x3FB6] =	sst s10  }
0x35: {  	s10 =	sld [smem:$0x3FB5];
	_ =	sdelay $0x3  }
0x36: {  	p1 =	seq.s32 s10, $0x1;
	s10 =	sld [smem:$0x3FB6];
	_ =	sdelay $0x3  }
0x37: {  	[smem:$0x3FB6] =	sst s10  }
0x38: {  	s10 =	sld [smem:$0x3FB7]  }
0x39: {  	_ = 	snop;
	(pc) =	sbr.ind lr, $3  }
0x3a: {  	_ = 	snop  }
0x3b: {  	_ = 	snop  }
0x3c: {  	p2 =	seq.s32 s10, $0x1;
	s10 =	sld [smem:$0x3FB6]  }
0x3d: {  	_ =	shalt  }
0x3e: {  	_ =	shalt  }
0x3f: {  	_ =	shalt  }
0x40: {  	_ =	shalt  }
0x41: {  	_ =	shalt  }
0x42: {  	_ =	shalt  }
0x43: {  	_ =	shalt  }
0x44: {  	_ =	shalt  }
0x45: {  	_ =	shalt  }
0x46: {  	_ =	shalt  }
0x47: {  	_ =	shalt  }
0x48: {  	_ =	shalt  }
0x49: {  	_ =	shalt  }
0x4a: {  	_ =	shalt  }
0x4b: {  	_ =	shalt  }
0x4c: {  	_ =	shalt  }
0x4d: {  	_ =	shalt  }
0x4e: {  	_ =	shalt  }
0x4f: {  	_ =	shalt  }
0x50: {  	_ =	shalt  }
0x51: {  	_ =	shalt  }
0x52: {  	_ =	shalt  }
0x53: {  	_ =	shalt  }
0x54: {  	_ =	shalt  }
0x55: {  	_ =	shalt  }
0x56: {  	_ =	shalt  }
0x57: {  	_ =	shalt  }
0x58: {  	_ =	shalt  }
0x59: {  	_ =	shalt  }
0x5a: {  	_ =	shalt  }
0x5b: {  	_ =	shalt  }
0x5c: {  	_ =	shalt  }
0x5d: {  	_ =	shalt  }
0x5e: {  	_ =	shalt  }
0x5f: {  	_ =	shalt  }
0x60: {  	_ =	shalt  }
0x61: {  	_ =	shalt  }
0x62: {  	_ =	shalt  }
0x63: {  	_ =	shalt  }
0x64: {  	_ =	shalt  }
0x65: {  	_ =	shalt  }
0x66: {  	_ =	shalt  }
0x67: {  	_ =	shalt  }
0x68: {  	_ =	shalt  }
0x69: {  	_ =	shalt  }
0x6a: {  	_ =	shalt  }
0x6b: {  	_ =	shalt  }
0x6c: {  	_ =	shalt  }
0x6d: {  	_ =	shalt  }
0x6e: {  	_ =	shalt  }
0x6f: {  	_ =	shalt  }
0x70: {  	_ =	shalt  }
0x71: {  	_ =	shalt  }
0x72: {  	_ =	shalt  }
0x73: {  	_ =	shalt  }
0x74: {  	_ =	shalt  }
0x75: {  	_ =	shalt  }
0x76: {  	_ =	shalt  }
0x77: {  	_ =	shalt  }
0x78: {  	_ =	shalt  }
0x79: {  	_ =	shalt  }
0x7a: {  	_ =	shalt  }
0x7b: {  	_ =	shalt  }
0x7c: {  	_ =	shalt  }
0x7d: {  	_ =	shalt  }
0x7e: {  	_ =	shalt  }
0x7f: {  	_ =	shalt  }
0x80: {  	_ =	shalt  }
0x81: {  	_ =	shalt  }
0x82: {  	_ =	shalt  }
0x83: {  	_ =	shalt  }
0x84: {  	_ =	shalt  }
0x85: {  	_ =	shalt  }
0x86: {  	_ =	shalt  }
0x87: {  	_ =	shalt  }
.Lfunc_end0:
.L_simem_size_0:
called_computation.1_lowered:
.L_overlay_start_0:
0x88: {  	s2 =	sld [smem:$0x3FD9]  }
0x89: {  	s3 =	sld [smem:$0x3FFE];
	_ =	sdelay $0x1  }
0x8a: {  	s1 =	srdreg.scid  }
0x8b: {  	s0 =	sand.u32 $0x1, s1  }
0x8c: {  	s17 =	sshll.u32 s0, $0xA;
	s2 =	sadd.s32 s3, s2  }
0x8d: {  	s2 =	sadd.s32 s2, s17  }
0x8e: {  	[smem:$0x3FC2] =	sst s2  }
0x8f: {  	_ = 	snop  }
0x90: {  	s2 =	sld [smem:$0x3FD0];
	(tm) =	ssettm $0x1  }
0x91: {  	s18 =	sld [smem:$0x3FFB];
	_ =	sdelay $0x3  }
0x92: {  	_ =	strace s18  }
0x93: {  	s3 =	sld [smem:$0x3FFC];
	_ =	sdelay $0x3  }
0x94: {  	_ =	strace s3  }
0x95: {  	s3 =	sld [smem:$0x3FFD];
	_ =	sdelay $0x3  }
0x96: {  	_ =	strace s3  }
0x97: {  	_ =	strace $0x8FFFFFFF  }
0x98: {  	s19 =	sld [smem:$0x3FDB];
	_ =	sdelay $0x1  }
0x99: {  	s4 =	simm.s32 $_scs_section_size  }
0x9a: {  	s5 =	simm.s32 $_size__tile_overlayer_lowered;
	s6 =	simm.s32 $_tile_overlayer_lowered  }
0x9b: {  	s22 =	simm.s32 $0x1BFF;
	s21 =	sshll.u32 s6, $0x1;
	s3 =	sadd.s32 s4, s19  }
0x9c: {  	s7 =	simm.s32 $0x0;
	s20 =	sshll.u32 s5, $0x1;
	s5 =	sadd.s32 s21, s3  }
0x9d: {  	[timem:s7], [sflag:s22] =	dma.local [hbm:s5], s20  }
0x9e: {  	_ =	swait.ge [sflag:s22], s20  }
0x9f: {  	s4 =	ssub.s32 $0x0, s20;
	[sflag:s22] =	ssyncset.done $0x0  }
0xa0: {  	[sflag:s22] =	ssyncadd.s32 s4;
	_ =	sdelay $0x1  }
0xa1: {  	s23 =	simm.s32 $0x1B8B  }
0xa2: {  	_ =	swait.ge [sflag:s23], $0x1  }
0xa3: {  	[sflag:s23] =	ssyncset.done $0x0  }
0xa4: {  	s25 =	simm.s32 $0x1B8E;
	s24 =	sld [smem:$0x3FFE];
	[sflag:s23] =	ssyncadd.s32 $0xFFFFFFFF  }
0xa5: {  	s26 =	simm.s32 $execute0_lowered;
	[smem:$0x3FD2] =	sst s25  }
0xa6: {  	s5 =	sshll.u32 s26, $0x1;
	_ =	strace $0x80000049;
	[dreg:$0x1] =	wrdreg $0xFFFFFFFF  }
0xa7: {  	s28 =	simm.s32 $_size_execute0_lowered;
	s3 =	sadd.s32 s3, s5;
	[dreg:$0x0] =	wrdreg $0x0  }
0xa8: {  	s5 =	sshll.u32 s28, $0x1;
	[dreg:$0x2] =	wrdreg s3  }
0xa9: {  	[dreg:$0x3] =	wrdreg s5  }
0xaa: {  	[dreg:$0x4] =	wrdreg $0xC0  }
0xab: {  	_ =	task [dreg:s7], $0x5FFFF  }
0xac: {  	[dreg:$0x1] =	wrdreg $0xFFFFFFFF  }
0xad: {  	[dreg:$0x0] =	wrdreg $0x60  }
0xae: {  	[dreg:$0x2] =	wrdreg s2  }
0xaf: {  	[dreg:$0x3] =	wrdreg s24  }
0xb0: {  	[dreg:$0x4] =	wrdreg $0x0  }
0xb1: {  	[dreg:$0x5] =	wrdreg $0x9  }
0xb2: {  	_ =	task.clear_ibuf [dreg:s7], $0x6FFFF;
	_ =	strace $0x90000049  }
0xb3: {  	s29 =	simm.s32 $0x9;
	_ =	strace $0x8000004B  }
0xb4: {  	_ =	swait.ge [sflag:s29], $0x1  }
0xb5: {  	[sflag:s29] =	ssyncadd.s32 $0xFFFFFFFF  }
0xb6: {  	_ =	strace $0x9000004B  }
0xb7: {  	_ =	sfence  }
0xb8: {  	s30 =	sld [smem:$0x0];
	_ =	sdelay $0x2  }
0xb9: {  	s31 =	sshll.u32 s1, $0xD;
	s1 =	sshrl.u32 s1, $0x2  }
0xba: {  	s3 =	sand.u32 $0x4000, s31;
	s1 =	sadd.s32 s1, s30  }
0xbb: {  	s0 =	sor.u32 s3, s0;
	s1 =	sshll.u32 s1, $0x11  }
0xbc: {  	s0 =	sor.u32 s1, s0  }
0xbd: {  	s0 =	sadd.s32 $0x8F2B, s0  }
0xbe: {  	[sflag:s0] =	ssyncadd.remote.s32 $0x1  }
0xbf: {  	_ =	sfence.sel $0xFFFF  }
0xc0: {  	[dreg:$0x0] =	wrdreg $0xFFFFFFFF;
	(pc) =	sbr.abs _section_cstart, $3  }
0xc1: {  	[dreg:$0x1] =	wrdreg $0xFFFFFFFF  }
0xc2: {  	_ =	task.clear_ibuf [dreg:s7], $0x2FFFF;
	_ =	strace $0x9FFFFFFF  }
0xc3: {  	(tm) =	ssettm $0x7FFFFFFF  }
tec
execute0_lowered:
.L_overlay_start_1:
0x0: {  	(tag) =	ssettag $0x1  }
0x1: {  	s1 =	rddreg [dreg:$0x0]  }
0x2: {  	s0 =	srdreg.scid;
	s4 =	rddreg [dreg:$0x1]  }
0x3: {  	s7 =	stileid.u32;
	s3 =	rddreg [dreg:$0x2];
	s8 =	simm.s32 $0x0  }
0x4: {  	s28 =	simm.s32 $0x1B780;
	s29 =	simm.s32 $0x1;
	s30 =	simm.s32 $0x1E100  }
0x5: {  	s31 =	simm.s32 $0x1E080;
	s18 =	simm.s32 $0x1E180;
	s19 =	simm.s32 $0x4  }
0x6: {  	s0 =	sand.u32 $0x1, s0;
	s5 =	sshll.u32 s7, $0x7;
	[smem:$0x7FF] =	sst s8  }
0x7: {  	s20 =	smul.u32 $0x14000, s7;
	s2 =	sshll.u32 s0, $0x4;
	s5 =	sand.u32 $0x380, s5  }
0x8: {  	s6 =	smul.u32 $0x140000, s0;
	s0 =	ssub.s32 $0x2, s0;
	s2 =	sor.u32 s7, s2  }
0x9: {  	s7 =	smul.u32 $0x50000, s7;
	s21 =	sshrl.u32 s0, $0x1;
	s2 =	sshrl.u32 s2, $0x3  }
0xa: {  	_ =	strace $0x8000004A;
	s0 =	ssub.s32 s0, s21;
	s2 =	smul.u32 $0x13C00, s2  }
0xb: {  	s21 =	simm.s32 $0x7;
	s7 =	sshrl.u32 s7, $0x2;
	s17 =	smax.u32 s0, $0x1  }
0xc: {  	s0 =	simm.s32 $0x1E200;
	s2 =	sor.u32 s5, s2;
	s5 =	sadd.s32 s20, s6  }
0xd: {  	s20 =	simm.s32 $0x3;
	s2 =	sshrl.u32 s2, $0x3;
	s5 =	sshrl.u32 s5, $0x3  }
0xe: {  	s6 =	simm.s32 $0x6;
	s2 =	sadd.s32 s2, s4;
	s4 =	sadd.s32 s5, s4  }
0xf: {  	s5 =	sadd.s32 s7, s3;
	s7 =	simm.s32 $0x0;
	s2 =	sadd.s32 $0xC000, s2  }
0x10: {  	s22 =	sadd.s32 $0x2000, s5;
	s23 =	sadd.s32 $0x4000, s5;
	[dreg:$0x4] =	wrdreg s2  }
0x11: {  	s24 =	sadd.s32 $0x6000, s5;
	s25 =	sadd.s32 $0x8000, s5;
	[dreg:$0x5] =	wrdreg s22  }
0x12: {  	s26 =	sadd.s32 $0xA000, s5;
	s12 =	sadd.s32 $0xC000, s5;
	[dreg:$0x6] =	wrdreg s23  }
.Ltmp0:
0x13: {  	s13 =	sadd.s32 $0xE000, s5;
	[dreg:$0x7] =	wrdreg s24;
	(pc) =	sbr.rel .LBB2_1-.Ltmp0, $4  }
0x14: {  	s14 =	sadd.s32 $0x10000, s5;
	s15 =	sadd.s32 $0x12000, s5;
	[dreg:$0x8] =	wrdreg s25  }
0x15: {  	s16 =	sadd.s32 $0x15E00, s4;
	s4 =	simm.s32 $0x5;
	[dreg:$0x9] =	wrdreg s26  }
0x16: {  	s22 =	simm.s32 $0x50;
	s23 =	simm.s32 $0x1DF80;
	s24 =	simm.s32 $0x16780  }
0x17: {  	v0 =	vimm.f32 $0.0e+00;
	s25 =	simm.s32 $0x1E000;
	s26 =	simm.s32 $0x18F80;
	s2 =	simm.s32 $0x2  }
.LBB2_6:
0x18: {  	_ =	swait.ge [sflag:s2], $0x2800  }
0x19: {  	[sflag:s2] =	ssyncset.done $0x0  }
0x1a: {  	[sflag:s2] =	ssyncadd.s32 $0xFFFFD800  }
0x1b: {  	[spmem:s3] =	stream.indirect.scatter.add.f32 [tilespmem:s26], [sflag:$0x5], $0x80, s18, s22, $0xb8;
	[tilespmem:$0x1E280] =	vst v63  }
0x1c: {  	_ =	swait.ge [sflag:s19], $0x2800  }
0x1d: {  	[sflag:s19] =	ssyncset.done $0x0  }
0x1e: {  	[sflag:s19] =	ssyncadd.s32 $0xFFFFD800  }
0x1f: {  	s8 =	stileid.u32;
	_ =	swait.ge [sflag:s4], $0x2800  }
0x20: {  	s9 =	sshrl.u32 s5, $0x3;
	s7 =	sadd.s32 $0x1, s7;
	[sflag:s4] =	ssyncset.done $0x0  }
0x21: {  	s8 =	sshll.u32 s8, $0x6;
	p0 =	sne.s32 s7, s17;
	[sflag:s4] =	ssyncadd.s32 $0xFFFFD800  }
.Ltmp1:
0x22: {  	s8 =	sor.u32 $0x1C07, s8;
	[bflag:$0x0] =	sbarrier.arrive $0xFFFF;
	(pc) =	sbr.rel @!p0 .LBB2_7-.Ltmp1, $4  }
0x23: {  	[hbm:s16], [sflag:s8] =	dma.local [spmem:s9], $0x2800  }
0x24: {  	_ =	swait.ge [sflag:s21], $0x2800  }
0x25: {  	[sflag:s21] =	ssyncset.done $0x0  }
0x26: {  	[sflag:s21] =	ssyncadd.s32 $0xFFFFD800  }
.LBB2_1:
0x27: {  	s8 =	rddreg [dreg:$0x4]  }
0x28: {  	s9 =	simm.s32 $0x80;
	s10 =	simm.s32 $0x400;
	s11 =	simm.s32 $0x14000  }
0x29: {  	[tilespmem:s11], [sflag:$0x7] =	stream.strided.gather [hbm4b:s8+s9], $0x2780, s10, s9, $0x38;
	[tilespmem:$0x1E280] =	vst v63  }
0x2a: {  	_ =	swait.ge [sflag:s21], $0x2780  }
0x2b: {  	[sflag:s21] =	ssyncset.done $0x0  }
0x2c: {  	[sflag:s21] =	ssyncadd.s32 $0xFFFFD880  }
0x2d: {  	v1 =	vld [tilespmem:$0x14000];
	_ =	sdelay $0x1  }
0x2e: {  	v2 =	vld [tilespmem:$0x14010];
	_ =	sdelay $0x1  }
0x2f: {  	v3 =	vld [tilespmem:$0x14020]  }
0x30: {  	v4 =	vand.u32 $0x3FFF, v1  }
0x31: {  	v61 =	vld [tilespmem:$0x14030];
	v1 =	vshrl.u32 v1, $0xE;
	[tilespmem:$0x1DF80] =	vst v4  }
0x32: {  	[tilespmem:$0x1E100] =	vst v1;
	v1 =	vand.u32 $0x3FFF, v2  }
0x33: {  	[tilespmem:$0x1DF90] =	vst v1;
	v1 =	vshrl.u32 v2, $0xE;
	v2 =	vld [tilespmem:$0x14040]  }
0x34: {  	[tilespmem:$0x1E110] =	vst v1;
	v1 =	vand.u32 $0x3FFF, v3  }
0x35: {  	[tilespmem:$0x1DFA0] =	vst v1;
	v1 =	vshrl.u32 v3, $0xE  }
0x36: {  	[tilespmem:$0x1E120] =	vst v1;
	v1 =	vand.u32 $0x3FFF, v61  }
0x37: {  	[tilespmem:$0x1DFB0] =	vst v1;
	v1 =	vshrl.u32 v61, $0xE  }
0x38: {  	[tilespmem:$0x1E130] =	vst v1;
	v1 =	vand.u32 $0x3FFF, v2  }
0x39: {  	[tilespmem:$0x1DFC0] =	vst v1;
	v1 =	vshrl.u32 v2, $0xE  }
0x3a: {  	[tilespmem:$0x1E140] =	vst v1  }
0x3b: {  	[tilespmem:s24], [sflag:$0x1] =	stream.indirect.gather [hbm4b:s1+s22], $0x80, s23, s22, $0xb8;
	[tilespmem:$0x1E280] =	vst v63  }
0x3c: {  	v1 =	vld [tilespmem:$0x14050];
	_ =	sdelay $0x1  }
0x3d: {  	v2 =	vld [tilespmem:$0x14060];
	_ =	sdelay $0x1  }
0x3e: {  	v3 =	vld [tilespmem:$0x14070]  }
0x3f: {  	v62 =	vand.u32 $0x3FFF, v1  }
0x40: {  	v63 =	vld [tilespmem:$0x14080];
	v1 =	vshrl.u32 v1, $0xE;
	[tilespmem:$0x1E000] =	vst v62  }
0x41: {  	[tilespmem:$0x1E180] =	vst v1;
	v1 =	vand.u32 $0x3FFF, v2  }
0x42: {  	[tilespmem:$0x1E010] =	vst v1;
	v1 =	vshrl.u32 v2, $0xE;
	v2 =	vld [tilespmem:$0x14090]  }
0x43: {  	[tilespmem:$0x1E190] =	vst v1;
	v1 =	vand.u32 $0x3FFF, v3  }
0x44: {  	[tilespmem:$0x1E020] =	vst v1;
	v1 =	vshrl.u32 v3, $0xE  }
0x45: {  	[tilespmem:$0x1E1A0] =	vst v1;
	v1 =	vand.u32 $0x3FFF, v63  }
0x46: {  	s8 =	simm.s32 $0x0;
	[tilespmem:$0x1E030] =	vst v1;
	v1 =	vshrl.u32 v63, $0xE  }
0x47: {  	s10 =	sand.u32 $0x7E00, s8;
	[tilespmem:$0x1E1B0] =	vst v1;
	v1 =	vand.u32 $0x3FFF, v2  }
0x48: {  	s9 =	sand.u32 $0x70, s8;
	s11 =	sshrl.u32 s10, $0x2;
	[tilespmem:$0x1E040] =	vst v1;
	v1 =	vshrl.u32 v2, $0xE  }
0x49: {  	s8 =	simm.s32 $0x40;
	s10 =	sor.u32 s9, s11;
	s9 =	simm.s32 $0x0;
	[tilespmem:$0x1E1C0] =	vst v1  }
0x4a: {  	[tilespmem:s26], [sflag:$0x2] =	stream.indirect.gather [hbm4b:s1+s22], $0x80, s25, s22, $0xb8;
	[tilespmem:$0x1E280] =	vst v63  }
.LBB2_2:
0x4b: {  	p0 =	sne.s32 s8, $0x7FC0  }
0x4c: {  	[tilespmem:s10+$0x1B780] =	vst v0;
	s9 =	sadd.s32 $0x10, s9;
	s10 =	smov.u32 s8;
	s8 =	sadd.s32 $0x40, s8  }
.Ltmp2:
0x4d: {  	(pc) =	sbr.rel @p0 .LBB2_2-.Ltmp2, $4  }
0x4e: {  	_ = 	snop  }
0x4f: {  	s10 =	sand.u32 $0x7E00, s10  }
0x50: {  	s11 =	sand.u32 $0x70, s9;
	s10 =	sshrl.u32 s10, $0x2  }
0x51: {  	s10 =	sor.u32 s11, s10  }
0x52: {  	[tilespmem:s10+$0x1B780] =	vst v0  }
0x53: {  	[spmem:s5] =	stream.linear.scatter [tilespmem:s28], [sflag:$0x7], $0x2000, $0x38;
	[tilespmem:$0x1E280] =	vst v63  }
0x54: {  	_ =	swait.ge [sflag:s21], $0x2000  }
0x55: {  	[sflag:s21] =	ssyncset.done $0x0  }
0x56: {  	s8 =	rddreg [dreg:$0x5];
	[sflag:s21] =	ssyncadd.s32 $0xFFFFE000  }
0x57: {  	[spmem:s8] =	stream.linear.scatter [tilespmem:s28], [sflag:$0x7], $0x2000, $0x38;
	[tilespmem:$0x1E280] =	vst v63  }
0x58: {  	_ =	swait.ge [sflag:s21], $0x2000  }
0x59: {  	[sflag:s21] =	ssyncset.done $0x0  }
0x5a: {  	s11 =	rddreg [dreg:$0x6];
	[sflag:s21] =	ssyncadd.s32 $0xFFFFE000  }
0x5b: {  	[spmem:s11] =	stream.linear.scatter [tilespmem:s28], [sflag:$0x7], $0x2000, $0x38;
	[tilespmem:$0x1E280] =	vst v63  }
0x5c: {  	_ =	swait.ge [sflag:s21], $0x2000  }
0x5d: {  	[sflag:s21] =	ssyncset.done $0x0  }
0x5e: {  	s9 =	rddreg [dreg:$0x7];
	[sflag:s21] =	ssyncadd.s32 $0xFFFFE000  }
0x5f: {  	[spmem:s9] =	stream.linear.scatter [tilespmem:s28], [sflag:$0x7], $0x2000, $0x38;
	[tilespmem:$0x1E280] =	vst v63  }
0x60: {  	_ =	swait.ge [sflag:s21], $0x2000  }
0x61: {  	[sflag:s21] =	ssyncset.done $0x0  }
0x62: {  	s10 =	rddreg [dreg:$0x8];
	[sflag:s21] =	ssyncadd.s32 $0xFFFFE000  }
0x63: {  	[spmem:s10] =	stream.linear.scatter [tilespmem:s28], [sflag:$0x7], $0x2000, $0x38;
	[tilespmem:$0x1E280] =	vst v63  }
0x64: {  	_ =	swait.ge [sflag:s21], $0x2000  }
0x65: {  	[sflag:s21] =	ssyncset.done $0x0  }
0x66: {  	s11 =	rddreg [dreg:$0x9];
	[sflag:s21] =	ssyncadd.s32 $0xFFFFE000  }
0x67: {  	[spmem:s11] =	stream.linear.scatter [tilespmem:s28], [sflag:$0x7], $0x2000, $0x38;
	[tilespmem:$0x1E280] =	vst v63  }
0x68: {  	_ =	swait.ge [sflag:s21], $0x2000  }
0x69: {  	[sflag:s21] =	ssyncset.done $0x0  }
0x6a: {  	[sflag:s21] =	ssyncadd.s32 $0xFFFFE000  }
0x6b: {  	[spmem:s12] =	stream.linear.scatter [tilespmem:s28], [sflag:$0x7], $0x2000, $0x38;
	[tilespmem:$0x1E280] =	vst v63  }
0x6c: {  	_ =	swait.ge [sflag:s21], $0x2000  }
0x6d: {  	[sflag:s21] =	ssyncset.done $0x0  }
0x6e: {  	[sflag:s21] =	ssyncadd.s32 $0xFFFFE000  }
0x6f: {  	[spmem:s13] =	stream.linear.scatter [tilespmem:s28], [sflag:$0x7], $0x2000, $0x38;
	[tilespmem:$0x1E280] =	vst v63  }
0x70: {  	_ =	swait.ge [sflag:s21], $0x2000  }
0x71: {  	[sflag:s21] =	ssyncset.done $0x0  }
0x72: {  	[sflag:s21] =	ssyncadd.s32 $0xFFFFE000  }
0x73: {  	[spmem:s14] =	stream.linear.scatter [tilespmem:s28], [sflag:$0x7], $0x2000, $0x38;
	[tilespmem:$0x1E280] =	vst v63  }
0x74: {  	_ =	swait.ge [sflag:s21], $0x2000  }
0x75: {  	[sflag:s21] =	ssyncset.done $0x0  }
0x76: {  	[sflag:s21] =	ssyncadd.s32 $0xFFFFE000  }
0x77: {  	[spmem:s15] =	stream.linear.scatter [tilespmem:s28], [sflag:$0x7], $0x2000, $0x38;
	[tilespmem:$0x1E280] =	vst v63  }
0x78: {  	_ =	swait.ge [sflag:s21], $0x2000  }
0x79: {  	[sflag:s21] =	ssyncset.done $0x0  }
0x7a: {  	[sflag:s21] =	ssyncadd.s32 $0xFFFFE000  }
0x7b: {  	[bflag:$0x0] =	sbarrier.arrive $0xFFFF  }
0x7c: {  	_ =	swait.ge [sflag:s29], $0x2800  }
0x7d: {  	[sflag:s29] =	ssyncset.done $0x0  }
0x7e: {  	[sflag:s29] =	ssyncadd.s32 $0xFFFFD800  }
0x7f: {  	[spmem:s3] =	stream.indirect.scatter.add.f32 [tilespmem:s24], [sflag:$0x4], $0x80, s30, s22, $0xb8;
	[tilespmem:$0x1E280] =	vst v63  }
0x80: {  	v1 =	vld [tilespmem:$0x140A0];
	_ =	sdelay $0x1  }
0x81: {  	v2 =	vld [tilespmem:$0x140B0];
	_ =	sdelay $0x1  }
0x82: {  	v3 =	vld [tilespmem:$0x140C0]  }
0x83: {  	v4 =	vand.u32 $0x3FFF, v1  }
0x84: {  	v63 =	vld [tilespmem:$0x140D0];
	v1 =	vshrl.u32 v1, $0xE;
	[tilespmem:$0x1E080] =	vst v4  }
0x85: {  	[tilespmem:$0x1E200] =	vst v1;
	v1 =	vand.u32 $0x3FFF, v2  }
0x86: {  	[tilespmem:$0x1E090] =	vst v1;
	v1 =	vshrl.u32 v2, $0xE;
	v2 =	vld [tilespmem:$0x140E0]  }
0x87: {  	[tilespmem:$0x1E210] =	vst v1;
	v1 =	vand.u32 $0x3FFF, v3  }
0x88: {  	[tilespmem:$0x1E0A0] =	vst v1;
	v1 =	vshrl.u32 v3, $0xE  }
0x89: {  	[tilespmem:$0x1E220] =	vst v1;
	v1 =	vand.u32 $0x3FFF, v63  }
0x8a: {  	[tilespmem:$0x1E0B0] =	vst v1;
	v1 =	vshrl.u32 v63, $0xE  }
0x8b: {  	[tilespmem:$0x1E230] =	vst v1;
	v1 =	vand.u32 $0x3FFF, v2  }
0x8c: {  	[tilespmem:$0x1E0C0] =	vst v1;
	v1 =	vshrl.u32 v2, $0xE  }
0x8d: {  	s8 =	simm.s32 $0x740;
	[tilespmem:$0x1E240] =	vst v1  }
0x8e: {  	[tilespmem:s28], [sflag:$0x3] =	stream.indirect.gather [hbm4b:s1+s22], $0x80, s31, s22, $0xb8;
	[tilespmem:$0x1E280] =	vst v63  }
.LBB2_4:
0x8f: {  	_ =	swait.ge [sflag:s2], $0x2800  }
0x90: {  	[sflag:s2] =	ssyncset.done $0x0  }
0x91: {  	[sflag:s2] =	ssyncadd.s32 $0xFFFFD800  }
0x92: {  	[spmem:s3] =	stream.indirect.scatter.add.f32 [tilespmem:s26], [sflag:$0x5], $0x80, s18, s22, $0xb8;
	[tilespmem:$0x1E280] =	vst v63  }
0x93: {  	_ =	swait.ge [sflag:s19], $0x2800  }
0x94: {  	[sflag:s19] =	ssyncset.done $0x0  }
0x95: {  	s9 =	sshra.s32 s8, $0x2;
	[sflag:s19] =	ssyncadd.s32 $0xFFFFD800  }
0x96: {  	v1 =	vld [tilespmem:s9+$0x13F20];
	_ =	sdelay $0x4  }
0x97: {  	v2 =	vand.u32 $0x3FFF, v1  }
0x98: {  	v1 =	vshrl.u32 v1, $0xE;
	[tilespmem:$0x1DF80] =	vst v2  }
0x99: {  	[tilespmem:$0x1E100] =	vst v1  }
0x9a: {  	v1 =	vld [tilespmem:s9+$0x13F30];
	_ =	sdelay $0x4  }
0x9b: {  	v2 =	vand.u32 $0x3FFF, v1  }
0x9c: {  	v1 =	vshrl.u32 v1, $0xE;
	[tilespmem:$0x1DF90] =	vst v2  }
0x9d: {  	[tilespmem:$0x1E110] =	vst v1  }
0x9e: {  	v1 =	vld [tilespmem:s9+$0x13F40];
	_ =	sdelay $0x4  }
0x9f: {  	v2 =	vand.u32 $0x3FFF, v1  }
0xa0: {  	v1 =	vshrl.u32 v1, $0xE;
	[tilespmem:$0x1DFA0] =	vst v2  }
0xa1: {  	[tilespmem:$0x1E120] =	vst v1  }
0xa2: {  	v1 =	vld [tilespmem:s9+$0x13F50];
	_ =	sdelay $0x4  }
0xa3: {  	v2 =	vand.u32 $0x3FFF, v1  }
0xa4: {  	v1 =	vshrl.u32 v1, $0xE;
	[tilespmem:$0x1DFB0] =	vst v2  }
0xa5: {  	[tilespmem:$0x1E130] =	vst v1  }
0xa6: {  	v1 =	vld [tilespmem:s9+$0x13F60];
	_ =	sdelay $0x4  }
0xa7: {  	v2 =	vand.u32 $0x3FFF, v1  }
0xa8: {  	v1 =	vshrl.u32 v1, $0xE;
	[tilespmem:$0x1DFC0] =	vst v2  }
0xa9: {  	[tilespmem:$0x1E140] =	vst v1  }
0xaa: {  	[tilespmem:s24], [sflag:$0x1] =	stream.indirect.gather [hbm4b:s1+s22], $0x80, s23, s22, $0xb8;
	[tilespmem:$0x1E280] =	vst v63  }
0xab: {  	_ =	swait.ge [sflag:s20], $0x2800  }
0xac: {  	[sflag:s20] =	ssyncset.done $0x0  }
0xad: {  	[sflag:s20] =	ssyncadd.s32 $0xFFFFD800  }
0xae: {  	[spmem:s3] =	stream.indirect.scatter.add.f32 [tilespmem:s28], [sflag:$0x6], $0x80, s0, s22, $0xb8;
	[tilespmem:$0x1E280] =	vst v63  }
0xaf: {  	_ =	swait.ge [sflag:s4], $0x2800  }
0xb0: {  	[sflag:s4] =	ssyncset.done $0x0  }
0xb1: {  	[sflag:s4] =	ssyncadd.s32 $0xFFFFD800  }
0xb2: {  	v1 =	vld [tilespmem:s9+$0x13F70];
	_ =	sdelay $0x4  }
0xb3: {  	v2 =	vand.u32 $0x3FFF, v1  }
0xb4: {  	v1 =	vshrl.u32 v1, $0xE;
	[tilespmem:$0x1E000] =	vst v2  }
0xb5: {  	[tilespmem:$0x1E180] =	vst v1  }
0xb6: {  	v1 =	vld [tilespmem:s9+$0x13F80];
	_ =	sdelay $0x4  }
0xb7: {  	v2 =	vand.u32 $0x3FFF, v1  }
0xb8: {  	v1 =	vshrl.u32 v1, $0xE;
	[tilespmem:$0x1E010] =	vst v2  }
0xb9: {  	[tilespmem:$0x1E190] =	vst v1  }
0xba: {  	v1 =	vld [tilespmem:s9+$0x13F90];
	_ =	sdelay $0x4  }
0xbb: {  	v2 =	vand.u32 $0x3FFF, v1  }
0xbc: {  	v1 =	vshrl.u32 v1, $0xE;
	[tilespmem:$0x1E020] =	vst v2  }
0xbd: {  	[tilespmem:$0x1E1A0] =	vst v1  }
0xbe: {  	v1 =	vld [tilespmem:s9+$0x13FA0];
	_ =	sdelay $0x4  }
0xbf: {  	v2 =	vand.u32 $0x3FFF, v1  }
0xc0: {  	v1 =	vshrl.u32 v1, $0xE;
	[tilespmem:$0x1E030] =	vst v2  }
0xc1: {  	[tilespmem:$0x1E1B0] =	vst v1  }
0xc2: {  	v1 =	vld [tilespmem:s9+$0x13FB0];
	_ =	sdelay $0x4  }
0xc3: {  	v2 =	vand.u32 $0x3FFF, v1  }
0xc4: {  	v1 =	vshrl.u32 v1, $0xE;
	[tilespmem:$0x1E040] =	vst v2  }
0xc5: {  	[tilespmem:$0x1E1C0] =	vst v1  }
0xc6: {  	[tilespmem:s26], [sflag:$0x2] =	stream.indirect.gather [hbm4b:s1+s22], $0x80, s25, s22, $0xb8;
	[tilespmem:$0x1E280] =	vst v63  }
0xc7: {  	_ =	swait.ge [sflag:s29], $0x2800  }
0xc8: {  	p0 =	seq.s32 s8, $0x9D40;
	[sflag:s29] =	ssyncset.done $0x0  }
.Ltmp3:
0xc9: {  	[sflag:s29] =	ssyncadd.s32 $0xFFFFD800;
	(pc) =	sbr.rel @p0 .LBB2_6-.Ltmp3, $4  }
0xca: {  	[spmem:s3] =	stream.indirect.scatter.add.f32 [tilespmem:s24], [sflag:$0x4], $0x80, s30, s22, $0xb8;
	[tilespmem:$0x1E280] =	vst v63  }
0xcb: {  	_ =	swait.ge [sflag:s6], $0x2800  }
0xcc: {  	[sflag:s6] =	ssyncset.done $0x0  }
0xcd: {  	[sflag:s6] =	ssyncadd.s32 $0xFFFFD800  }
0xce: {  	v1 =	vld [tilespmem:s9+$0x13FC0];
	_ =	sdelay $0x4  }
0xcf: {  	v2 =	vand.u32 $0x3FFF, v1  }
0xd0: {  	v1 =	vshrl.u32 v1, $0xE;
	[tilespmem:$0x1E080] =	vst v2  }
0xd1: {  	[tilespmem:$0x1E200] =	vst v1  }
0xd2: {  	v1 =	vld [tilespmem:s9+$0x13FD0];
	_ =	sdelay $0x4  }
0xd3: {  	v2 =	vand.u32 $0x3FFF, v1  }
0xd4: {  	v1 =	vshrl.u32 v1, $0xE;
	[tilespmem:$0x1E090] =	vst v2  }
0xd5: {  	[tilespmem:$0x1E210] =	vst v1  }
0xd6: {  	v1 =	vld [tilespmem:s9+$0x13FE0];
	_ =	sdelay $0x4  }
0xd7: {  	v2 =	vand.u32 $0x3FFF, v1  }
0xd8: {  	v1 =	vshrl.u32 v1, $0xE;
	[tilespmem:$0x1E0A0] =	vst v2  }
0xd9: {  	[tilespmem:$0x1E220] =	vst v1  }
0xda: {  	v1 =	vld [tilespmem:s9+$0x13FF0];
	_ =	sdelay $0x4  }
0xdb: {  	v2 =	vand.u32 $0x3FFF, v1  }
0xdc: {  	v1 =	vshrl.u32 v1, $0xE;
	[tilespmem:$0x1E0B0] =	vst v2  }
0xdd: {  	[tilespmem:$0x1E230] =	vst v1  }
0xde: {  	v1 =	vld [tilespmem:s9+$0x14000];
	_ =	sdelay $0x3  }
.Ltmp4:
0xdf: {  	_ = 	snop;
	(pc) =	sbr.rel .LBB2_4-.Ltmp4, $4  }
0xe0: {  	v2 =	vand.u32 $0x3FFF, v1  }
0xe1: {  	v1 =	vshrl.u32 v1, $0xE;
	[tilespmem:$0x1E0C0] =	vst v2  }
0xe2: {  	s8 =	sadd.s32 $0x3C0, s8;
	[tilespmem:$0x1E240] =	vst v1  }
0xe3: {  	[tilespmem:s28], [sflag:$0x3] =	stream.indirect.gather [hbm4b:s1+s22], $0x80, s31, s22, $0xb8;
	[tilespmem:$0x1E280] =	vst v63  }
.LBB2_7:
0xe4: {  	_ =	sfence.sel $0x180000  }
0xe5: {  	[bflag:$0x0] =	sbarrier.arrive $0xFFFF  }
0xe6: {  	_ =	strace $0x9000004A  }
0xe7: {  	s0 =	stileid.u32;
	[bflag:$0x2] =	sbarrier.arrive $0xFFFF  }
0xe8: {  	p0 =	sne.s32 s0, $0x0;
	s0 =	rddreg [dreg:$0x3]  }
0xe9: {  	s0 =	sadd.s32 @!p0 $0x100000, s0  }
0xea: {  	[sflag:s0] =	ssyncadd.tile.s32 @!p0 $0x1;
	_ =	shalt  }
.Lfunc_end2:
_tile_overlayer_lowered:
.L_overlay_start_2:
0xeb: {  	(tag) =	ssettag $0x2  }
0xec: {  	s0 =	rddreg [dreg:$0x0];
	s2 =	stileid.u32  }
0xed: {  	s1 =	rddreg [dreg:$0x1];
	p0 =	sne.s32 s2, $0x0  }
0xee: {  	s3 =	rddreg [dreg:$0x2];
	[bflag:$0x3] =	sbarrier.arrive $0xFFFF;
	s2 =	simm.s32 @!p0 $0x1C07  }
0xef: {  	[timem:s3], [sflag:s2] =	dma.local @!p0 [hbm:s0], s1  }
0xf0: {  	s0 =	simm.s32 @!p0 $0x7  }
0xf1: {  	_ =	swait.ge @!p0 [sflag:s0], s1  }
0xf2: {  	s1 =	ssub.s32 @!p0 $0x0, s1;
	[sflag:s0] =	ssyncset.done @!p0 $0x0  }
0xf3: {  	[sflag:s0] =	ssyncadd.s32 @!p0 s1  }
0xf4: {  	[bflag:$0x3] =	sbarrier.arrive $0xFFFF  }
0xf5: {  	_ =	shalt  }

// kernel: kernel.14.cloned.1.call-start
scs
__scs_entry_jumppad:
0x0: {  	(pc) =	sbr.rel $0x88, $3  }
0x1: {  	(tag) =	ssettag $0x0;
	lr =	simm.s32 $0x1  }
0x2: {  	[smem:$0x3F9B] =	sst lr;
	_ =	strace $0xD0000000  }
0x3: {  	_ = 	snop  }
0x4: {  	_ = 	snop  }
0x5: {  	_ = 	snop  }
0x6: {  	_ = 	snop  }
0x7: {  	_ = 	snop  }
__scs_overlays_trampoline_lowered:
0x8: {  	[smem:$0x3FAA] =	sst s0  }
0x9: {  	[smem:$0x3FAB] =	sst s1  }
0xa: {  	[smem:$0x3FAC] =	sst s2  }
0xb: {  	[smem:$0x3FAD] =	sst s3  }
0xc: {  	[smem:$0x3FAE] =	sst s4  }
0xd: {  	[smem:$0x3FAF] =	sst s5  }
0xe: {  	[smem:$0x3FB0] =	sst s6  }
0xf: {  	[smem:$0x3FB1] =	sst s7  }
0x10: {  	[smem:$0x3FB2] =	sst s8  }
0x11: {  	[smem:$0x3FB3] =	sst s9;
	s0 =	simm.s32 @!p0 $0x0  }
0x12: {  	s1 =	sld [smem:$0x3F99];
	s0 =	simm.s32 @p0 $0x1  }
0x13: {  	[smem:$0x3FB4] =	sst s0;
	s0 =	simm.s32 @!p1 $0x0  }
0x14: {  	s2 =	sld [smem:$0x3F98];
	s0 =	simm.s32 @p1 $0x1  }
0x15: {  	[smem:$0x3FB5] =	sst s0;
	s0 =	simm.s32 @!p2 $0x0  }
0x16: {  	s3 =	sld [smem:$0x3FDB];
	s0 =	simm.s32 @p2 $0x1  }
0x17: {  	s4 =	simm.s32 $0x1BF5;
	[smem:$0x3FB7] =	sst s0  }
0x18: {  	s0 =	sld [smem:$0x3F9A];
	_ =	swait.ge [sflag:s4], $0x0  }
0x19: {  	s7 =	sld [smem:$0x3F9B]  }
0x1a: {  	s8 =	sadd.s32 $0xFFFFE003, lr  }
0x1b: {  	s9 =	sadd.s32 $0xFFFFFEF7, lr;
	s5 =	simm.s32 $0xFFFFFFFF;
	p2 =	slt.u32 s8, $0xFFFFF086  }
0x1c: {  	p1 =	slt.u32 s9, $0xF7A;
	s5 =	simm.s32 @!p2 $0x0  }
0x1d: {  	s5 =	simm.s32 @p1 $0x1;
	p0 =	seq.s32 s7, s2  }
0x1e: {  	s7 =	smul.u32 @!p0 $0xF7A, s2;
	p2 =	seq.s32 @!p0 s5, $0x0  }
0x1f: {  	s9 =	smul.u32 $0xF7A, s1;
	s8 =	simm.s32 @!p0 $0x1BF5;
	p2 =	por !p2, p0  }
0x20: {  	[sflag:s8] =	ssyncset.s32 @!p0 $0xFFFFF086;
	s6 =	sadd.s32 @!p0 s3, s7;
	s7 =	simm.s32 @!p0 $0x108  }
0x21: {  	s3 =	sadd.s32 s3, s9;
	s6 =	sadd.s32 @!p0 $0x88, s6;
	s7 =	simm.s32 @p2 $0x1082  }
0x22: {  	[simem:s7], [sflag:s8] =	dma.local @!p0 [hbm:s6], $0xF7A  }
0x23: {  	s9 =	sor.u32 $0xD0000000, s2;
	s6 =	simm.s32 $0x108;
	_ =	swait.ge @!p0 [sflag:s8], $0x0  }
0x24: {  	s3 =	sadd.s32 $0x88, s3;
	s6 =	simm.s32 @!p1 $0x1082;
	[sflag:s4] =	ssyncset.s32 $0xFFFFF086  }
0x25: {  	[simem:s6], [sflag:s4] =	dma.local [hbm:s3], $0xF7A  }
0x26: {  	[smem:$0x3F9B] =	sst s1;
	(tag) =	ssettag s2;
	_ =	strace s9  }
0x27: {  	s1 =	sld [smem:$0x3FAB]  }
0x28: {  	s2 =	sld [smem:$0x3FAC]  }
0x29: {  	s4 =	sld [smem:$0x3FAE]  }
0x2a: {  	p0 =	seq.s32 s5, $0x0;
	s5 =	sld [smem:$0x3FAF]  }
0x2b: {  	s6 =	sld [smem:$0x3FB0]  }
0x2c: {  	s7 =	sld [smem:$0x3FB1]  }
0x2d: {  	s3 =	simm.s32 $0x108;
	s8 =	sld [smem:$0x3FB2]  }
0x2e: {  	s3 =	simm.s32 @!p0 $0x1082;
	s9 =	sld [smem:$0x3FB3]  }
0x2f: {  	lr =	sadd.s32 s0, s3;
	s0 =	sld [smem:$0x3FAA]  }
0x30: {  	s3 =	sld [smem:$0x3FAD]  }
0x31: {  	[smem:$0x3FB6] =	sst s10  }
0x32: {  	s10 =	sld [smem:$0x3FB4];
	_ =	sdelay $0x3  }
0x33: {  	p0 =	seq.s32 s10, $0x1;
	s10 =	sld [smem:$0x3FB6];
	_ =	sdelay $0x3  }
0x34: {  	[smem:$0x3FB6] =	sst s10  }
0x35: {  	s10 =	sld [smem:$0x3FB5];
	_ =	sdelay $0x3  }
0x36: {  	p1 =	seq.s32 s10, $0x1;
	s10 =	sld [smem:$0x3FB6];
	_ =	sdelay $0x3  }
0x37: {  	[smem:$0x3FB6] =	sst s10  }
0x38: {  	s10 =	sld [smem:$0x3FB7]  }
0x39: {  	_ = 	snop;
	(pc) =	sbr.ind lr, $3  }
0x3a: {  	_ = 	snop  }
0x3b: {  	_ = 	snop  }
0x3c: {  	p2 =	seq.s32 s10, $0x1;
	s10 =	sld [smem:$0x3FB6]  }
0x3d: {  	_ =	shalt  }
0x3e: {  	_ =	shalt  }
0x3f: {  	_ =	shalt  }
0x40: {  	_ =	shalt  }
0x41: {  	_ =	shalt  }
0x42: {  	_ =	shalt  }
0x43: {  	_ =	shalt  }
0x44: {  	_ =	shalt  }
0x45: {  	_ =	shalt  }
0x46: {  	_ =	shalt  }
0x47: {  	_ =	shalt  }
0x48: {  	_ =	shalt  }
0x49: {  	_ =	shalt  }
0x4a: {  	_ =	shalt  }
0x4b: {  	_ =	shalt  }
0x4c: {  	_ =	shalt  }
0x4d: {  	_ =	shalt  }
0x4e: {  	_ =	shalt  }
0x4f: {  	_ =	shalt  }
0x50: {  	_ =	shalt  }
0x51: {  	_ =	shalt  }
0x52: {  	_ =	shalt  }
0x53: {  	_ =	shalt  }
0x54: {  	_ =	shalt  }
0x55: {  	_ =	shalt  }
0x56: {  	_ =	shalt  }
0x57: {  	_ =	shalt  }
0x58: {  	_ =	shalt  }
0x59: {  	_ =	shalt  }
0x5a: {  	_ =	shalt  }
0x5b: {  	_ =	shalt  }
0x5c: {  	_ =	shalt  }
0x5d: {  	_ =	shalt  }
0x5e: {  	_ =	shalt  }
0x5f: {  	_ =	shalt  }
0x60: {  	_ =	shalt  }
0x61: {  	_ =	shalt  }
0x62: {  	_ =	shalt  }
0x63: {  	_ =	shalt  }
0x64: {  	_ =	shalt  }
0x65: {  	_ =	shalt  }
0x66: {  	_ =	shalt  }
0x67: {  	_ =	shalt  }
0x68: {  	_ =	shalt  }
0x69: {  	_ =	shalt  }
0x6a: {  	_ =	shalt  }
0x6b: {  	_ =	shalt  }
0x6c: {  	_ =	shalt  }
0x6d: {  	_ =	shalt  }
0x6e: {  	_ =	shalt  }
0x6f: {  	_ =	shalt  }
0x70: {  	_ =	shalt  }
0x71: {  	_ =	shalt  }
0x72: {  	_ =	shalt  }
0x73: {  	_ =	shalt  }
0x74: {  	_ =	shalt  }
0x75: {  	_ =	shalt  }
0x76: {  	_ =	shalt  }
0x77: {  	_ =	shalt  }
0x78: {  	_ =	shalt  }
0x79: {  	_ =	shalt  }
0x7a: {  	_ =	shalt  }
0x7b: {  	_ =	shalt  }
0x7c: {  	_ =	shalt  }
0x7d: {  	_ =	shalt  }
0x7e: {  	_ =	shalt  }
0x7f: {  	_ =	shalt  }
0x80: {  	_ =	shalt  }
0x81: {  	_ =	shalt  }
0x82: {  	_ =	shalt  }
0x83: {  	_ =	shalt  }
0x84: {  	_ =	shalt  }
0x85: {  	_ =	shalt  }
0x86: {  	_ =	shalt  }
0x87: {  	_ =	shalt  }
.Lfunc_end0:
.L_simem_size_0:
called_computation.2_lowered:
.L_overlay_start_0:
0x88: {  	s2 =	sld [smem:$0x3FD9]  }
0x89: {  	s3 =	sld [smem:$0x3FFE];
	_ =	sdelay $0x1  }
0x8a: {  	s1 =	srdreg.scid  }
0x8b: {  	s0 =	sand.u32 $0x1, s1  }
0x8c: {  	s17 =	sshll.u32 s0, $0xA;
	s2 =	sadd.s32 s3, s2  }
0x8d: {  	s2 =	sadd.s32 s2, s17  }
0x8e: {  	[smem:$0x3FC2] =	sst s2  }
0x8f: {  	_ = 	snop  }
0x90: {  	s2 =	sld [smem:$0x3FD0];
	(tm) =	ssettm $0x1  }
0x91: {  	s18 =	sld [smem:$0x3FFB];
	_ =	sdelay $0x3  }
0x92: {  	_ =	strace s18  }
0x93: {  	s3 =	sld [smem:$0x3FFC];
	_ =	sdelay $0x3  }
0x94: {  	_ =	strace s3  }
0x95: {  	s3 =	sld [smem:$0x3FFD];
	_ =	sdelay $0x3  }
0x96: {  	_ =	strace s3  }
0x97: {  	_ =	strace $0x8FFFFFFF  }
0x98: {  	s19 =	sld [smem:$0x3FDB];
	_ =	sdelay $0x1  }
0x99: {  	s4 =	simm.s32 $_scs_section_size  }
0x9a: {  	s5 =	simm.s32 $_size__tile_overlayer_lowered;
	s6 =	simm.s32 $_tile_overlayer_lowered  }
0x9b: {  	s22 =	simm.s32 $0x1BFF;
	s21 =	sshll.u32 s6, $0x1;
	s3 =	sadd.s32 s4, s19  }
0x9c: {  	s7 =	simm.s32 $0x0;
	s20 =	sshll.u32 s5, $0x1;
	s5 =	sadd.s32 s21, s3  }
0x9d: {  	[timem:s7], [sflag:s22] =	dma.local [hbm:s5], s20  }
0x9e: {  	_ =	swait.ge [sflag:s22], s20  }
0x9f: {  	s4 =	ssub.s32 $0x0, s20;
	[sflag:s22] =	ssyncset.done $0x0  }
0xa0: {  	[sflag:s22] =	ssyncadd.s32 s4;
	_ =	sdelay $0x1  }
0xa1: {  	s23 =	simm.s32 $0x1B8B  }
0xa2: {  	_ =	swait.ge [sflag:s23], $0x1  }
0xa3: {  	[sflag:s23] =	ssyncset.done $0x0  }
0xa4: {  	s25 =	simm.s32 $0x1B8E;
	s24 =	sld [smem:$0x3FFE];
	[sflag:s23] =	ssyncadd.s32 $0xFFFFFFFF  }
0xa5: {  	s26 =	simm.s32 $execute0_lowered;
	[smem:$0x3FD2] =	sst s25  }
0xa6: {  	s5 =	sshll.u32 s26, $0x1;
	_ =	strace $0x8000004C;
	[dreg:$0x1] =	wrdreg $0xFFFFFFFF  }
0xa7: {  	s28 =	simm.s32 $_size_execute0_lowered;
	s3 =	sadd.s32 s3, s5;
	[dreg:$0x0] =	wrdreg $0x0  }
0xa8: {  	s5 =	sshll.u32 s28, $0x1;
	[dreg:$0x2] =	wrdreg s3  }
0xa9: {  	[dreg:$0x3] =	wrdreg s5  }
0xaa: {  	[dreg:$0x4] =	wrdreg $0xC0  }
0xab: {  	_ =	task [dreg:s7], $0x5FFFF  }
0xac: {  	[dreg:$0x1] =	wrdreg $0xFFFFFFFF  }
0xad: {  	[dreg:$0x0] =	wrdreg $0x60  }
0xae: {  	[dreg:$0x2] =	wrdreg s2  }
0xaf: {  	[dreg:$0x3] =	wrdreg s24  }
0xb0: {  	[dreg:$0x4] =	wrdreg $0x0  }
0xb1: {  	[dreg:$0x5] =	wrdreg $0x9  }
0xb2: {  	_ =	task.clear_ibuf [dreg:s7], $0x6FFFF;
	_ =	strace $0x9000004C  }
0xb3: {  	s29 =	simm.s32 $0x9;
	_ =	strace $0x8000004E  }
0xb4: {  	_ =	swait.ge [sflag:s29], $0x1  }
0xb5: {  	[sflag:s29] =	ssyncadd.s32 $0xFFFFFFFF  }
0xb6: {  	_ =	strace $0x9000004E  }
0xb7: {  	_ =	sfence  }
0xb8: {  	s30 =	sld [smem:$0x0];
	_ =	sdelay $0x2  }
0xb9: {  	s31 =	sshll.u32 s1, $0xD;
	s1 =	sshrl.u32 s1, $0x2  }
0xba: {  	s3 =	sand.u32 $0x4000, s31;
	s1 =	sadd.s32 s1, s30  }
0xbb: {  	s0 =	sor.u32 s3, s0;
	s1 =	sshll.u32 s1, $0x11  }
0xbc: {  	s0 =	sor.u32 s1, s0  }
0xbd: {  	s0 =	sadd.s32 $0x8F2B, s0  }
0xbe: {  	[sflag:s0] =	ssyncadd.remote.s32 $0x1  }
0xbf: {  	_ =	sfence.sel $0xFFFF  }
0xc0: {  	[dreg:$0x0] =	wrdreg $0xFFFFFFFF;
	(pc) =	sbr.abs _section_cstart, $3  }
0xc1: {  	[dreg:$0x1] =	wrdreg $0xFFFFFFFF  }
0xc2: {  	_ =	task.clear_ibuf [dreg:s7], $0x2FFFF;
	_ =	strace $0x9FFFFFFF  }
0xc3: {  	(tm) =	ssettm $0x7FFFFFFF  }
tec
execute0_lowered:
.L_overlay_start_1:
0x0: {  	(tag) =	ssettag $0x1  }
0x1: {  	s1 =	rddreg [dreg:$0x0]  }
0x2: {  	s0 =	srdreg.scid;
	s4 =	rddreg [dreg:$0x1]  }
0x3: {  	s7 =	stileid.u32;
	s3 =	rddreg [dreg:$0x2];
	s8 =	simm.s32 $0x0  }
0x4: {  	s28 =	simm.s32 $0x1B780;
	s29 =	simm.s32 $0x1;
	s30 =	simm.s32 $0x1E100  }
0x5: {  	s31 =	simm.s32 $0x1E080;
	s18 =	simm.s32 $0x1E180;
	s19 =	simm.s32 $0x4  }
0x6: {  	s0 =	sand.u32 $0x1, s0;
	s5 =	sshll.u32 s7, $0x7;
	[smem:$0x7FF] =	sst s8  }
0x7: {  	s20 =	smul.u32 $0x14000, s7;
	s2 =	sshll.u32 s0, $0x4;
	s5 =	sand.u32 $0x380, s5  }
0x8: {  	s6 =	smul.u32 $0x140000, s0;
	s0 =	ssub.s32 $0x2, s0;
	s2 =	sor.u32 s7, s2  }
0x9: {  	s7 =	smul.u32 $0x50000, s7;
	s21 =	sshrl.u32 s0, $0x1;
	s2 =	sshrl.u32 s2, $0x3  }
0xa: {  	_ =	strace $0x8000004D;
	s0 =	ssub.s32 s0, s21;
	s2 =	smul.u32 $0x13C00, s2  }
0xb: {  	s21 =	simm.s32 $0x7;
	s7 =	sshrl.u32 s7, $0x2;
	s17 =	smax.u32 s0, $0x1  }
0xc: {  	s0 =	simm.s32 $0x1E200;
	s2 =	sor.u32 s5, s2;
	s5 =	sadd.s32 s20, s6  }
0xd: {  	s20 =	simm.s32 $0x3;
	s2 =	sshrl.u32 s2, $0x3;
	s5 =	sshrl.u32 s5, $0x3  }
0xe: {  	s6 =	simm.s32 $0x6;
	s2 =	sadd.s32 s2, s4;
	s4 =	sadd.s32 s5, s4  }
0xf: {  	s5 =	sadd.s32 s7, s3;
	s7 =	simm.s32 $0x0;
	s2 =	sadd.s32 $0xC000, s2  }
0x10: {  	s22 =	sadd.s32 $0x2000, s5;
	s23 =	sadd.s32 $0x4000, s5;
	[dreg:$0x4] =	wrdreg s2  }
0x11: {  	s24 =	sadd.s32 $0x6000, s5;
	s25 =	sadd.s32 $0x8000, s5;
	[dreg:$0x5] =	wrdreg s22  }
0x12: {  	s26 =	sadd.s32 $0xA000, s5;
	s12 =	sadd.s32 $0xC000, s5;
	[dreg:$0x6] =	wrdreg s23  }
.Ltmp0:
0x13: {  	s13 =	sadd.s32 $0xE000, s5;
	[dreg:$0x7] =	wrdreg s24;
	(pc) =	sbr.rel .LBB2_1-.Ltmp0, $4  }
0x14: {  	s14 =	sadd.s32 $0x10000, s5;
	s15 =	sadd.s32 $0x12000, s5;
	[dreg:$0x8] =	wrdreg s25  }
0x15: {  	s16 =	sadd.s32 $0x15E00, s4;
	s4 =	simm.s32 $0x5;
	[dreg:$0x9] =	wrdreg s26  }
0x16: {  	s22 =	simm.s32 $0x50;
	s23 =	simm.s32 $0x1DF80;
	s24 =	simm.s32 $0x16780  }
0x17: {  	v0 =	vimm.f32 $0.0e+00;
	s25 =	simm.s32 $0x1E000;
	s26 =	simm.s32 $0x18F80;
	s2 =	simm.s32 $0x2  }
.LBB2_6:
0x18: {  	_ =	swait.ge [sflag:s2], $0x2800  }
0x19: {  	[sflag:s2] =	ssyncset.done $0x0  }
0x1a: {  	[sflag:s2] =	ssyncadd.s32 $0xFFFFD800  }
0x1b: {  	[spmem:s3] =	stream.indirect.scatter.add.f32 [tilespmem:s26], [sflag:$0x5], $0x80, s18, s22, $0xb8;
	[tilespmem:$0x1E280] =	vst v63  }
0x1c: {  	_ =	swait.ge [sflag:s19], $0x2800  }
0x1d: {  	[sflag:s19] =	ssyncset.done $0x0  }
0x1e: {  	[sflag:s19] =	ssyncadd.s32 $0xFFFFD800  }
0x1f: {  	s8 =	stileid.u32;
	_ =	swait.ge [sflag:s4], $0x2800  }
0x20: {  	s9 =	sshrl.u32 s5, $0x3;
	s7 =	sadd.s32 $0x1, s7;
	[sflag:s4] =	ssyncset.done $0x0  }
0x21: {  	s8 =	sshll.u32 s8, $0x6;
	p0 =	sne.s32 s7, s17;
	[sflag:s4] =	ssyncadd.s32 $0xFFFFD800  }
.Ltmp1:
0x22: {  	s8 =	sor.u32 $0x1C07, s8;
	[bflag:$0x0] =	sbarrier.arrive $0xFFFF;
	(pc) =	sbr.rel @!p0 .LBB2_7-.Ltmp1, $4  }
0x23: {  	[hbm:s16], [sflag:s8] =	dma.local [spmem:s9], $0x2800  }
0x24: {  	_ =	swait.ge [sflag:s21], $0x2800  }
0x25: {  	[sflag:s21] =	ssyncset.done $0x0  }
0x26: {  	[sflag:s21] =	ssyncadd.s32 $0xFFFFD800  }
.LBB2_1:
0x27: {  	s8 =	rddreg [dreg:$0x4]  }
0x28: {  	s9 =	simm.s32 $0x80;
	s10 =	simm.s32 $0x400;
	s11 =	simm.s32 $0x14000  }
0x29: {  	[tilespmem:s11], [sflag:$0x7] =	stream.strided.gather [hbm4b:s8+s9], $0x2780, s10, s9, $0x38;
	[tilespmem:$0x1E280] =	vst v63  }
0x2a: {  	_ =	swait.ge [sflag:s21], $0x2780  }
0x2b: {  	[sflag:s21] =	ssyncset.done $0x0  }
0x2c: {  	[sflag:s21] =	ssyncadd.s32 $0xFFFFD880  }
0x2d: {  	v1 =	vld [tilespmem:$0x14000];
	_ =	sdelay $0x1  }
0x2e: {  	v2 =	vld [tilespmem:$0x14010];
	_ =	sdelay $0x1  }
0x2f: {  	v3 =	vld [tilespmem:$0x14020]  }
0x30: {  	v4 =	vand.u32 $0x3FFF, v1  }
0x31: {  	v61 =	vld [tilespmem:$0x14030];
	v1 =	vshrl.u32 v1, $0xE;
	[tilespmem:$0x1DF80] =	vst v4  }
0x32: {  	[tilespmem:$0x1E100] =	vst v1;
	v1 =	vand.u32 $0x3FFF, v2  }
0x33: {  	[tilespmem:$0x1DF90] =	vst v1;
	v1 =	vshrl.u32 v2, $0xE;
	v2 =	vld [tilespmem:$0x14040]  }
0x34: {  	[tilespmem:$0x1E110] =	vst v1;
	v1 =	vand.u32 $0x3FFF, v3  }
0x35: {  	[tilespmem:$0x1DFA0] =	vst v1;
	v1 =	vshrl.u32 v3, $0xE  }
0x36: {  	[tilespmem:$0x1E120] =	vst v1;
	v1 =	vand.u32 $0x3FFF, v61  }
0x37: {  	[tilespmem:$0x1DFB0] =	vst v1;
	v1 =	vshrl.u32 v61, $0xE  }
0x38: {  	[tilespmem:$0x1E130] =	vst v1;
	v1 =	vand.u32 $0x3FFF, v2  }
0x39: {  	[tilespmem:$0x1DFC0] =	vst v1;
	v1 =	vshrl.u32 v2, $0xE  }
0x3a: {  	[tilespmem:$0x1E140] =	vst v1  }
0x3b: {  	[tilespmem:s24], [sflag:$0x1] =	stream.indirect.gather [hbm4b:s1+s22], $0x80, s23, s22, $0xb8;
	[tilespmem:$0x1E280] =	vst v63  }
0x3c: {  	v1 =	vld [tilespmem:$0x14050];
	_ =	sdelay $0x1  }
0x3d: {  	v2 =	vld [tilespmem:$0x14060];
	_ =	sdelay $0x1  }
0x3e: {  	v3 =	vld [tilespmem:$0x14070]  }
0x3f: {  	v62 =	vand.u32 $0x3FFF, v1  }
0x40: {  	v63 =	vld [tilespmem:$0x14080];
	v1 =	vshrl.u32 v1, $0xE;
	[tilespmem:$0x1E000] =	vst v62  }
0x41: {  	[tilespmem:$0x1E180] =	vst v1;
	v1 =	vand.u32 $0x3FFF, v2  }
0x42: {  	[tilespmem:$0x1E010] =	vst v1;
	v1 =	vshrl.u32 v2, $0xE;
	v2 =	vld [tilespmem:$0x14090]  }
0x43: {  	[tilespmem:$0x1E190] =	vst v1;
	v1 =	vand.u32 $0x3FFF, v3  }
0x44: {  	[tilespmem:$0x1E020] =	vst v1;
	v1 =	vshrl.u32 v3, $0xE  }
0x45: {  	[tilespmem:$0x1E1A0] =	vst v1;
	v1 =	vand.u32 $0x3FFF, v63  }
0x46: {  	s8 =	simm.s32 $0x0;
	[tilespmem:$0x1E030] =	vst v1;
	v1 =	vshrl.u32 v63, $0xE  }
0x47: {  	s10 =	sand.u32 $0x7E00, s8;
	[tilespmem:$0x1E1B0] =	vst v1;
	v1 =	vand.u32 $0x3FFF, v2  }
0x48: {  	s9 =	sand.u32 $0x70, s8;
	s11 =	sshrl.u32 s10, $0x2;
	[tilespmem:$0x1E040] =	vst v1;
	v1 =	vshrl.u32 v2, $0xE  }
0x49: {  	s8 =	simm.s32 $0x40;
	s10 =	sor.u32 s9, s11;
	s9 =	simm.s32 $0x0;
	[tilespmem:$0x1E1C0] =	vst v1  }
0x4a: {  	[tilespmem:s26], [sflag:$0x2] =	stream.indirect.gather [hbm4b:s1+s22], $0x80, s25, s22, $0xb8;
	[tilespmem:$0x1E280] =	vst v63  }
.LBB2_2:
0x4b: {  	p0 =	sne.s32 s8, $0x7FC0  }
0x4c: {  	[tilespmem:s10+$0x1B780] =	vst v0;
	s9 =	sadd.s32 $0x10, s9;
	s10 =	smov.u32 s8;
	s8 =	sadd.s32 $0x40, s8  }
.Ltmp2:
0x4d: {  	(pc) =	sbr.rel @p0 .LBB2_2-.Ltmp2, $4  }
0x4e: {  	_ = 	snop  }
0x4f: {  	s10 =	sand.u32 $0x7E00, s10  }
0x50: {  	s11 =	sand.u32 $0x70, s9;
	s10 =	sshrl.u32 s10, $0x2  }
0x51: {  	s10 =	sor.u32 s11, s10  }
0x52: {  	[tilespmem:s10+$0x1B780] =	vst v0  }
0x53: {  	[spmem:s5] =	stream.linear.scatter [tilespmem:s28], [sflag:$0x7], $0x2000, $0x38;
	[tilespmem:$0x1E280] =	vst v63  }
0x54: {  	_ =	swait.ge [sflag:s21], $0x2000  }
0x55: {  	[sflag:s21] =	ssyncset.done $0x0  }
0x56: {  	s8 =	rddreg [dreg:$0x5];
	[sflag:s21] =	ssyncadd.s32 $0xFFFFE000  }
0x57: {  	[spmem:s8] =	stream.linear.scatter [tilespmem:s28], [sflag:$0x7], $0x2000, $0x38;
	[tilespmem:$0x1E280] =	vst v63  }
0x58: {  	_ =	swait.ge [sflag:s21], $0x2000  }
0x59: {  	[sflag:s21] =	ssyncset.done $0x0  }
0x5a: {  	s11 =	rddreg [dreg:$0x6];
	[sflag:s21] =	ssyncadd.s32 $0xFFFFE000  }
0x5b: {  	[spmem:s11] =	stream.linear.scatter [tilespmem:s28], [sflag:$0x7], $0x2000, $0x38;
	[tilespmem:$0x1E280] =	vst v63  }
0x5c: {  	_ =	swait.ge [sflag:s21], $0x2000  }
0x5d: {  	[sflag:s21] =	ssyncset.done $0x0  }
0x5e: {  	s9 =	rddreg [dreg:$0x7];
	[sflag:s21] =	ssyncadd.s32 $0xFFFFE000  }
0x5f: {  	[spmem:s9] =	stream.linear.scatter [tilespmem:s28], [sflag:$0x7], $0x2000, $0x38;
	[tilespmem:$0x1E280] =	vst v63  }
0x60: {  	_ =	swait.ge [sflag:s21], $0x2000  }
0x61: {  	[sflag:s21] =	ssyncset.done $0x0  }
0x62: {  	s10 =	rddreg [dreg:$0x8];
	[sflag:s21] =	ssyncadd.s32 $0xFFFFE000  }
0x63: {  	[spmem:s10] =	stream.linear.scatter [tilespmem:s28], [sflag:$0x7], $0x2000, $0x38;
	[tilespmem:$0x1E280] =	vst v63  }
0x64: {  	_ =	swait.ge [sflag:s21], $0x2000  }
0x65: {  	[sflag:s21] =	ssyncset.done $0x0  }
0x66: {  	s11 =	rddreg [dreg:$0x9];
	[sflag:s21] =	ssyncadd.s32 $0xFFFFE000  }
0x67: {  	[spmem:s11] =	stream.linear.scatter [tilespmem:s28], [sflag:$0x7], $0x2000, $0x38;
	[tilespmem:$0x1E280] =	vst v63  }
0x68: {  	_ =	swait.ge [sflag:s21], $0x2000  }
0x69: {  	[sflag:s21] =	ssyncset.done $0x0  }
0x6a: {  	[sflag:s21] =	ssyncadd.s32 $0xFFFFE000  }
0x6b: {  	[spmem:s12] =	stream.linear.scatter [tilespmem:s28], [sflag:$0x7], $0x2000, $0x38;
	[tilespmem:$0x1E280] =	vst v63  }
0x6c: {  	_ =	swait.ge [sflag:s21], $0x2000  }
0x6d: {  	[sflag:s21] =	ssyncset.done $0x0  }
0x6e: {  	[sflag:s21] =	ssyncadd.s32 $0xFFFFE000  }
0x6f: {  	[spmem:s13] =	stream.linear.scatter [tilespmem:s28], [sflag:$0x7], $0x2000, $0x38;
	[tilespmem:$0x1E280] =	vst v63  }
0x70: {  	_ =	swait.ge [sflag:s21], $0x2000  }
0x71: {  	[sflag:s21] =	ssyncset.done $0x0  }
0x72: {  	[sflag:s21] =	ssyncadd.s32 $0xFFFFE000  }
0x73: {  	[spmem:s14] =	stream.linear.scatter [tilespmem:s28], [sflag:$0x7], $0x2000, $0x38;
	[tilespmem:$0x1E280] =	vst v63  }
0x74: {  	_ =	swait.ge [sflag:s21], $0x2000  }
0x75: {  	[sflag:s21] =	ssyncset.done $0x0  }
0x76: {  	[sflag:s21] =	ssyncadd.s32 $0xFFFFE000  }
0x77: {  	[spmem:s15] =	stream.linear.scatter [tilespmem:s28], [sflag:$0x7], $0x2000, $0x38;
	[tilespmem:$0x1E280] =	vst v63  }
0x78: {  	_ =	swait.ge [sflag:s21], $0x2000  }
0x79: {  	[sflag:s21] =	ssyncset.done $0x0  }
0x7a: {  	[sflag:s21] =	ssyncadd.s32 $0xFFFFE000  }
0x7b: {  	[bflag:$0x0] =	sbarrier.arrive $0xFFFF  }
0x7c: {  	_ =	swait.ge [sflag:s29], $0x2800  }
0x7d: {  	[sflag:s29] =	ssyncset.done $0x0  }
0x7e: {  	[sflag:s29] =	ssyncadd.s32 $0xFFFFD800  }
0x7f: {  	[spmem:s3] =	stream.indirect.scatter.add.f32 [tilespmem:s24], [sflag:$0x4], $0x80, s30, s22, $0xb8;
	[tilespmem:$0x1E280] =	vst v63  }
0x80: {  	v1 =	vld [tilespmem:$0x140A0];
	_ =	sdelay $0x1  }
0x81: {  	v2 =	vld [tilespmem:$0x140B0];
	_ =	sdelay $0x1  }
0x82: {  	v3 =	vld [tilespmem:$0x140C0]  }
0x83: {  	v4 =	vand.u32 $0x3FFF, v1  }
0x84: {  	v63 =	vld [tilespmem:$0x140D0];
	v1 =	vshrl.u32 v1, $0xE;
	[tilespmem:$0x1E080] =	vst v4  }
0x85: {  	[tilespmem:$0x1E200] =	vst v1;
	v1 =	vand.u32 $0x3FFF, v2  }
0x86: {  	[tilespmem:$0x1E090] =	vst v1;
	v1 =	vshrl.u32 v2, $0xE;
	v2 =	vld [tilespmem:$0x140E0]  }
0x87: {  	[tilespmem:$0x1E210] =	vst v1;
	v1 =	vand.u32 $0x3FFF, v3  }
0x88: {  	[tilespmem:$0x1E0A0] =	vst v1;
	v1 =	vshrl.u32 v3, $0xE  }
0x89: {  	[tilespmem:$0x1E220] =	vst v1;
	v1 =	vand.u32 $0x3FFF, v63  }
0x8a: {  	[tilespmem:$0x1E0B0] =	vst v1;
	v1 =	vshrl.u32 v63, $0xE  }
0x8b: {  	[tilespmem:$0x1E230] =	vst v1;
	v1 =	vand.u32 $0x3FFF, v2  }
0x8c: {  	[tilespmem:$0x1E0C0] =	vst v1;
	v1 =	vshrl.u32 v2, $0xE  }
0x8d: {  	s8 =	simm.s32 $0x740;
	[tilespmem:$0x1E240] =	vst v1  }
0x8e: {  	[tilespmem:s28], [sflag:$0x3] =	stream.indirect.gather [hbm4b:s1+s22], $0x80, s31, s22, $0xb8;
	[tilespmem:$0x1E280] =	vst v63  }
.LBB2_4:
0x8f: {  	_ =	swait.ge [sflag:s2], $0x2800  }
0x90: {  	[sflag:s2] =	ssyncset.done $0x0  }
0x91: {  	[sflag:s2] =	ssyncadd.s32 $0xFFFFD800  }
0x92: {  	[spmem:s3] =	stream.indirect.scatter.add.f32 [tilespmem:s26], [sflag:$0x5], $0x80, s18, s22, $0xb8;
	[tilespmem:$0x1E280] =	vst v63  }
0x93: {  	_ =	swait.ge [sflag:s19], $0x2800  }
0x94: {  	[sflag:s19] =	ssyncset.done $0x0  }
0x95: {  	s9 =	sshra.s32 s8, $0x2;
	[sflag:s19] =	ssyncadd.s32 $0xFFFFD800  }
0x96: {  	v1 =	vld [tilespmem:s9+$0x13F20];
	_ =	sdelay $0x4  }
0x97: {  	v2 =	vand.u32 $0x3FFF, v1  }
0x98: {  	v1 =	vshrl.u32 v1, $0xE;
	[tilespmem:$0x1DF80] =	vst v2  }
0x99: {  	[tilespmem:$0x1E100] =	vst v1  }
0x9a: {  	v1 =	vld [tilespmem:s9+$0x13F30];
	_ =	sdelay $0x4  }
0x9b: {  	v2 =	vand.u32 $0x3FFF, v1  }
0x9c: {  	v1 =	vshrl.u32 v1, $0xE;
	[tilespmem:$0x1DF90] =	vst v2  }
0x9d: {  	[tilespmem:$0x1E110] =	vst v1  }
0x9e: {  	v1 =	vld [tilespmem:s9+$0x13F40];
	_ =	sdelay $0x4  }
0x9f: {  	v2 =	vand.u32 $0x3FFF, v1  }
0xa0: {  	v1 =	vshrl.u32 v1, $0xE;
	[tilespmem:$0x1DFA0] =	vst v2  }
0xa1: {  	[tilespmem:$0x1E120] =	vst v1  }
0xa2: {  	v1 =	vld [tilespmem:s9+$0x13F50];
	_ =	sdelay $0x4  }
0xa3: {  	v2 =	vand.u32 $0x3FFF, v1  }
0xa4: {  	v1 =	vshrl.u32 v1, $0xE;
	[tilespmem:$0x1DFB0] =	vst v2  }
0xa5: {  	[tilespmem:$0x1E130] =	vst v1  }
0xa6: {  	v1 =	vld [tilespmem:s9+$0x13F60];
	_ =	sdelay $0x4  }
0xa7: {  	v2 =	vand.u32 $0x3FFF, v1  }
0xa8: {  	v1 =	vshrl.u32 v1, $0xE;
	[tilespmem:$0x1DFC0] =	vst v2  }
0xa9: {  	[tilespmem:$0x1E140] =	vst v1  }
0xaa: {  	[tilespmem:s24], [sflag:$0x1] =	stream.indirect.gather [hbm4b:s1+s22], $0x80, s23, s22, $0xb8;
	[tilespmem:$0x1E280] =	vst v63  }
0xab: {  	_ =	swait.ge [sflag:s20], $0x2800  }
0xac: {  	[sflag:s20] =	ssyncset.done $0x0  }
0xad: {  	[sflag:s20] =	ssyncadd.s32 $0xFFFFD800  }
0xae: {  	[spmem:s3] =	stream.indirect.scatter.add.f32 [tilespmem:s28], [sflag:$0x6], $0x80, s0, s22, $0xb8;
	[tilespmem:$0x1E280] =	vst v63  }
0xaf: {  	_ =	swait.ge [sflag:s4], $0x2800  }
0xb0: {  	[sflag:s4] =	ssyncset.done $0x0  }
0xb1: {  	[sflag:s4] =	ssyncadd.s32 $0xFFFFD800  }
0xb2: {  	v1 =	vld [tilespmem:s9+$0x13F70];
	_ =	sdelay $0x4  }
0xb3: {  	v2 =	vand.u32 $0x3FFF, v1  }
0xb4: {  	v1 =	vshrl.u32 v1, $0xE;
	[tilespmem:$0x1E000] =	vst v2  }
0xb5: {  	[tilespmem:$0x1E180] =	vst v1  }
0xb6: {  	v1 =	vld [tilespmem:s9+$0x13F80];
	_ =	sdelay $0x4  }
0xb7: {  	v2 =	vand.u32 $0x3FFF, v1  }
0xb8: {  	v1 =	vshrl.u32 v1, $0xE;
	[tilespmem:$0x1E010] =	vst v2  }
0xb9: {  	[tilespmem:$0x1E190] =	vst v1  }
0xba: {  	v1 =	vld [tilespmem:s9+$0x13F90];
	_ =	sdelay $0x4  }
0xbb: {  	v2 =	vand.u32 $0x3FFF, v1  }
0xbc: {  	v1 =	vshrl.u32 v1, $0xE;
	[tilespmem:$0x1E020] =	vst v2  }
0xbd: {  	[tilespmem:$0x1E1A0] =	vst v1  }
0xbe: {  	v1 =	vld [tilespmem:s9+$0x13FA0];
	_ =	sdelay $0x4  }
0xbf: {  	v2 =	vand.u32 $0x3FFF, v1  }
0xc0: {  	v1 =	vshrl.u32 v1, $0xE;
	[tilespmem:$0x1E030] =	vst v2  }
0xc1: {  	[tilespmem:$0x1E1B0] =	vst v1  }
0xc2: {  	v1 =	vld [tilespmem:s9+$0x13FB0];
	_ =	sdelay $0x4  }
0xc3: {  	v2 =	vand.u32 $0x3FFF, v1  }
0xc4: {  	v1 =	vshrl.u32 v1, $0xE;
	[tilespmem:$0x1E040] =	vst v2  }
0xc5: {  	[tilespmem:$0x1E1C0] =	vst v1  }
0xc6: {  	[tilespmem:s26], [sflag:$0x2] =	stream.indirect.gather [hbm4b:s1+s22], $0x80, s25, s22, $0xb8;
	[tilespmem:$0x1E280] =	vst v63  }
0xc7: {  	_ =	swait.ge [sflag:s29], $0x2800  }
0xc8: {  	p0 =	seq.s32 s8, $0x9D40;
	[sflag:s29] =	ssyncset.done $0x0  }
.Ltmp3:
0xc9: {  	[sflag:s29] =	ssyncadd.s32 $0xFFFFD800;
	(pc) =	sbr.rel @p0 .LBB2_6-.Ltmp3, $4  }
0xca: {  	[spmem:s3] =	stream.indirect.scatter.add.f32 [tilespmem:s24], [sflag:$0x4], $0x80, s30, s22, $0xb8;
	[tilespmem:$0x1E280] =	vst v63  }
0xcb: {  	_ =	swait.ge [sflag:s6], $0x2800  }
0xcc: {  	[sflag:s6] =	ssyncset.done $0x0  }
0xcd: {  	[sflag:s6] =	ssyncadd.s32 $0xFFFFD800  }
0xce: {  	v1 =	vld [tilespmem:s9+$0x13FC0];
	_ =	sdelay $0x4  }
0xcf: {  	v2 =	vand.u32 $0x3FFF, v1  }
0xd0: {  	v1 =	vshrl.u32 v1, $0xE;
	[tilespmem:$0x1E080] =	vst v2  }
0xd1: {  	[tilespmem:$0x1E200] =	vst v1  }
0xd2: {  	v1 =	vld [tilespmem:s9+$0x13FD0];
	_ =	sdelay $0x4  }
0xd3: {  	v2 =	vand.u32 $0x3FFF, v1  }
0xd4: {  	v1 =	vshrl.u32 v1, $0xE;
	[tilespmem:$0x1E090] =	vst v2  }
0xd5: {  	[tilespmem:$0x1E210] =	vst v1  }
0xd6: {  	v1 =	vld [tilespmem:s9+$0x13FE0];
	_ =	sdelay $0x4  }
0xd7: {  	v2 =	vand.u32 $0x3FFF, v1  }
0xd8: {  	v1 =	vshrl.u32 v1, $0xE;
	[tilespmem:$0x1E0A0] =	vst v2  }
0xd9: {  	[tilespmem:$0x1E220] =	vst v1  }
0xda: {  	v1 =	vld [tilespmem:s9+$0x13FF0];
	_ =	sdelay $0x4  }
0xdb: {  	v2 =	vand.u32 $0x3FFF, v1  }
0xdc: {  	v1 =	vshrl.u32 v1, $0xE;
	[tilespmem:$0x1E0B0] =	vst v2  }
0xdd: {  	[tilespmem:$0x1E230] =	vst v1  }
0xde: {  	v1 =	vld [tilespmem:s9+$0x14000];
	_ =	sdelay $0x3  }
.Ltmp4:
0xdf: {  	_ = 	snop;
	(pc) =	sbr.rel .LBB2_4-.Ltmp4, $4  }
0xe0: {  	v2 =	vand.u32 $0x3FFF, v1  }
0xe1: {  	v1 =	vshrl.u32 v1, $0xE;
	[tilespmem:$0x1E0C0] =	vst v2  }
0xe2: {  	s8 =	sadd.s32 $0x3C0, s8;
	[tilespmem:$0x1E240] =	vst v1  }
0xe3: {  	[tilespmem:s28], [sflag:$0x3] =	stream.indirect.gather [hbm4b:s1+s22], $0x80, s31, s22, $0xb8;
	[tilespmem:$0x1E280] =	vst v63  }
.LBB2_7:
0xe4: {  	_ =	sfence.sel $0x180000  }
0xe5: {  	[bflag:$0x0] =	sbarrier.arrive $0xFFFF  }
0xe6: {  	_ =	strace $0x9000004D  }
0xe7: {  	s0 =	stileid.u32;
	[bflag:$0x2] =	sbarrier.arrive $0xFFFF  }
0xe8: {  	p0 =	sne.s32 s0, $0x0;
	s0 =	rddreg [dreg:$0x3]  }
0xe9: {  	s0 =	sadd.s32 @!p0 $0x100000, s0  }
0xea: {  	[sflag:s0] =	ssyncadd.tile.s32 @!p0 $0x1;
	_ =	shalt  }
.Lfunc_end2:
_tile_overlayer_lowered:
.L_overlay_start_2:
0xeb: {  	(tag) =	ssettag $0x2  }
0xec: {  	s0 =	rddreg [dreg:$0x0];
	s2 =	stileid.u32  }
0xed: {  	s1 =	rddreg [dreg:$0x1];
	p0 =	sne.s32 s2, $0x0  }
0xee: {  	s3 =	rddreg [dreg:$0x2];
	[bflag:$0x3] =	sbarrier.arrive $0xFFFF;
	s2 =	simm.s32 @!p0 $0x1C07  }
0xef: {  	[timem:s3], [sflag:s2] =	dma.local @!p0 [hbm:s0], s1  }
0xf0: {  	s0 =	simm.s32 @!p0 $0x7  }
0xf1: {  	_ =	swait.ge @!p0 [sflag:s0], s1  }
0xf2: {  	s1 =	ssub.s32 @!p0 $0x0, s1;
	[sflag:s0] =	ssyncset.done @!p0 $0x0  }
0xf3: {  	[sflag:s0] =	ssyncadd.s32 @!p0 s1  }
0xf4: {  	[bflag:$0x3] =	sbarrier.arrive $0xFFFF  }
0xf5: {  	_ =	shalt  }

// kernel: kernel.8.cloned.1.call-start
scs
__scs_entry_jumppad:
0x0: {  	(pc) =	sbr.rel $0x88, $3  }
0x1: {  	(tag) =	ssettag $0x0;
	lr =	simm.s32 $0x1  }
0x2: {  	[smem:$0x3F9B] =	sst lr;
	_ =	strace $0xD0000000  }
0x3: {  	_ = 	snop  }
0x4: {  	_ = 	snop  }
0x5: {  	_ = 	snop  }
0x6: {  	_ = 	snop  }
0x7: {  	_ = 	snop  }
__scs_overlays_trampoline_lowered:
0x8: {  	[smem:$0x3FAA] =	sst s0  }
0x9: {  	[smem:$0x3FAB] =	sst s1  }
0xa: {  	[smem:$0x3FAC] =	sst s2  }
0xb: {  	[smem:$0x3FAD] =	sst s3  }
0xc: {  	[smem:$0x3FAE] =	sst s4  }
0xd: {  	[smem:$0x3FAF] =	sst s5  }
0xe: {  	[smem:$0x3FB0] =	sst s6  }
0xf: {  	[smem:$0x3FB1] =	sst s7  }
0x10: {  	[smem:$0x3FB2] =	sst s8  }
0x11: {  	[smem:$0x3FB3] =	sst s9;
	s0 =	simm.s32 @!p0 $0x0  }
0x12: {  	s1 =	sld [smem:$0x3F99];
	s0 =	simm.s32 @p0 $0x1  }
0x13: {  	[smem:$0x3FB4] =	sst s0;
	s0 =	simm.s32 @!p1 $0x0  }
0x14: {  	s2 =	sld [smem:$0x3F98];
	s0 =	simm.s32 @p1 $0x1  }
0x15: {  	[smem:$0x3FB5] =	sst s0;
	s0 =	simm.s32 @!p2 $0x0  }
0x16: {  	s3 =	sld [smem:$0x3FDB];
	s0 =	simm.s32 @p2 $0x1  }
0x17: {  	s4 =	simm.s32 $0x1BF5;
	[smem:$0x3FB7] =	sst s0  }
0x18: {  	s0 =	sld [smem:$0x3F9A];
	_ =	swait.ge [sflag:s4], $0x0  }
0x19: {  	s7 =	sld [smem:$0x3F9B]  }
0x1a: {  	s8 =	sadd.s32 $0xFFFFE003, lr  }
0x1b: {  	s9 =	sadd.s32 $0xFFFFFEF7, lr;
	s5 =	simm.s32 $0xFFFFFFFF;
	p2 =	slt.u32 s8, $0xFFFFF086  }
0x1c: {  	p1 =	slt.u32 s9, $0xF7A;
	s5 =	simm.s32 @!p2 $0x0  }
0x1d: {  	s5 =	simm.s32 @p1 $0x1;
	p0 =	seq.s32 s7, s2  }
0x1e: {  	s7 =	smul.u32 @!p0 $0xF7A, s2;
	p2 =	seq.s32 @!p0 s5, $0x0  }
0x1f: {  	s9 =	smul.u32 $0xF7A, s1;
	s8 =	simm.s32 @!p0 $0x1BF5;
	p2 =	por !p2, p0  }
0x20: {  	[sflag:s8] =	ssyncset.s32 @!p0 $0xFFFFF086;
	s6 =	sadd.s32 @!p0 s3, s7;
	s7 =	simm.s32 @!p0 $0x108  }
0x21: {  	s3 =	sadd.s32 s3, s9;
	s6 =	sadd.s32 @!p0 $0x88, s6;
	s7 =	simm.s32 @p2 $0x1082  }
0x22: {  	[simem:s7], [sflag:s8] =	dma.local @!p0 [hbm:s6], $0xF7A  }
0x23: {  	s9 =	sor.u32 $0xD0000000, s2;
	s6 =	simm.s32 $0x108;
	_ =	swait.ge @!p0 [sflag:s8], $0x0  }
0x24: {  	s3 =	sadd.s32 $0x88, s3;
	s6 =	simm.s32 @!p1 $0x1082;
	[sflag:s4] =	ssyncset.s32 $0xFFFFF086  }
0x25: {  	[simem:s6], [sflag:s4] =	dma.local [hbm:s3], $0xF7A  }
0x26: {  	[smem:$0x3F9B] =	sst s1;
	(tag) =	ssettag s2;
	_ =	strace s9  }
0x27: {  	s1 =	sld [smem:$0x3FAB]  }
0x28: {  	s2 =	sld [smem:$0x3FAC]  }
0x29: {  	s4 =	sld [smem:$0x3FAE]  }
0x2a: {  	p0 =	seq.s32 s5, $0x0;
	s5 =	sld [smem:$0x3FAF]  }
0x2b: {  	s6 =	sld [smem:$0x3FB0]  }
0x2c: {  	s7 =	sld [smem:$0x3FB1]  }
0x2d: {  	s3 =	simm.s32 $0x108;
	s8 =	sld [smem:$0x3FB2]  }
0x2e: {  	s3 =	simm.s32 @!p0 $0x1082;
	s9 =	sld [smem:$0x3FB3]  }
0x2f: {  	lr =	sadd.s32 s0, s3;
	s0 =	sld [smem:$0x3FAA]  }
0x30: {  	s3 =	sld [smem:$0x3FAD]  }
0x31: {  	[smem:$0x3FB6] =	sst s10  }
0x32: {  	s10 =	sld [smem:$0x3FB4];
	_ =	sdelay $0x3  }
0x33: {  	p0 =	seq.s32 s10, $0x1;
	s10 =	sld [smem:$0x3FB6];
	_ =	sdelay $0x3  }
0x34: {  	[smem:$0x3FB6] =	sst s10  }
0x35: {  	s10 =	sld [smem:$0x3FB5];
	_ =	sdelay $0x3  }
0x36: {  	p1 =	seq.s32 s10, $0x1;
	s10 =	sld [smem:$0x3FB6];
	_ =	sdelay $0x3  }
0x37: {  	[smem:$0x3FB6] =	sst s10  }
0x38: {  	s10 =	sld [smem:$0x3FB7]  }
0x39: {  	_ = 	snop;
	(pc) =	sbr.ind lr, $3  }
0x3a: {  	_ = 	snop  }
0x3b: {  	_ = 	snop  }
0x3c: {  	p2 =	seq.s32 s10, $0x1;
	s10 =	sld [smem:$0x3FB6]  }
0x3d: {  	_ =	shalt  }
0x3e: {  	_ =	shalt  }
0x3f: {  	_ =	shalt  }
0x40: {  	_ =	shalt  }
0x41: {  	_ =	shalt  }
0x42: {  	_ =	shalt  }
0x43: {  	_ =	shalt  }
0x44: {  	_ =	shalt  }
0x45: {  	_ =	shalt  }
0x46: {  	_ =	shalt  }
0x47: {  	_ =	shalt  }
0x48: {  	_ =	shalt  }
0x49: {  	_ =	shalt  }
0x4a: {  	_ =	shalt  }
0x4b: {  	_ =	shalt  }
0x4c: {  	_ =	shalt  }
0x4d: {  	_ =	shalt  }
0x4e: {  	_ =	shalt  }
0x4f: {  	_ =	shalt  }
0x50: {  	_ =	shalt  }
0x51: {  	_ =	shalt  }
0x52: {  	_ =	shalt  }
0x53: {  	_ =	shalt  }
0x54: {  	_ =	shalt  }
0x55: {  	_ =	shalt  }
0x56: {  	_ =	shalt  }
0x57: {  	_ =	shalt  }
0x58: {  	_ =	shalt  }
0x59: {  	_ =	shalt  }
0x5a: {  	_ =	shalt  }
0x5b: {  	_ =	shalt  }
0x5c: {  	_ =	shalt  }
0x5d: {  	_ =	shalt  }
0x5e: {  	_ =	shalt  }
0x5f: {  	_ =	shalt  }
0x60: {  	_ =	shalt  }
0x61: {  	_ =	shalt  }
0x62: {  	_ =	shalt  }
0x63: {  	_ =	shalt  }
0x64: {  	_ =	shalt  }
0x65: {  	_ =	shalt  }
0x66: {  	_ =	shalt  }
0x67: {  	_ =	shalt  }
0x68: {  	_ =	shalt  }
0x69: {  	_ =	shalt  }
0x6a: {  	_ =	shalt  }
0x6b: {  	_ =	shalt  }
0x6c: {  	_ =	shalt  }
0x6d: {  	_ =	shalt  }
0x6e: {  	_ =	shalt  }
0x6f: {  	_ =	shalt  }
0x70: {  	_ =	shalt  }
0x71: {  	_ =	shalt  }
0x72: {  	_ =	shalt  }
0x73: {  	_ =	shalt  }
0x74: {  	_ =	shalt  }
0x75: {  	_ =	shalt  }
0x76: {  	_ =	shalt  }
0x77: {  	_ =	shalt  }
0x78: {  	_ =	shalt  }
0x79: {  	_ =	shalt  }
0x7a: {  	_ =	shalt  }
0x7b: {  	_ =	shalt  }
0x7c: {  	_ =	shalt  }
0x7d: {  	_ =	shalt  }
0x7e: {  	_ =	shalt  }
0x7f: {  	_ =	shalt  }
0x80: {  	_ =	shalt  }
0x81: {  	_ =	shalt  }
0x82: {  	_ =	shalt  }
0x83: {  	_ =	shalt  }
0x84: {  	_ =	shalt  }
0x85: {  	_ =	shalt  }
0x86: {  	_ =	shalt  }
0x87: {  	_ =	shalt  }
.Lfunc_end0:
.L_simem_size_0:
called_computation_lowered:
.L_overlay_start_0:
0x88: {  	s2 =	sld [smem:$0x3FD9]  }
0x89: {  	s3 =	sld [smem:$0x3FFE];
	_ =	sdelay $0x1  }
0x8a: {  	s1 =	srdreg.scid  }
0x8b: {  	s0 =	sand.u32 $0x1, s1  }
0x8c: {  	s17 =	sshll.u32 s0, $0xA;
	s2 =	sadd.s32 s3, s2  }
0x8d: {  	s2 =	sadd.s32 s2, s17  }
0x8e: {  	[smem:$0x3FC2] =	sst s2  }
0x8f: {  	_ = 	snop  }
0x90: {  	s2 =	sld [smem:$0x3FD0];
	(tm) =	ssettm $0x1  }
0x91: {  	s18 =	sld [smem:$0x3FFB];
	_ =	sdelay $0x3  }
0x92: {  	_ =	strace s18  }
0x93: {  	s3 =	sld [smem:$0x3FFC];
	_ =	sdelay $0x3  }
0x94: {  	_ =	strace s3  }
0x95: {  	s3 =	sld [smem:$0x3FFD];
	_ =	sdelay $0x3  }
0x96: {  	_ =	strace s3  }
0x97: {  	_ =	strace $0x8FFFFFFF  }
0x98: {  	s19 =	sld [smem:$0x3FDB];
	_ =	sdelay $0x1  }
0x99: {  	s4 =	simm.s32 $_scs_section_size  }
0x9a: {  	s5 =	simm.s32 $_size__tile_overlayer_lowered;
	s6 =	simm.s32 $_tile_overlayer_lowered  }
0x9b: {  	s22 =	simm.s32 $0x1BFF;
	s21 =	sshll.u32 s6, $0x1;
	s3 =	sadd.s32 s4, s19  }
0x9c: {  	s7 =	simm.s32 $0x0;
	s20 =	sshll.u32 s5, $0x1;
	s5 =	sadd.s32 s21, s3  }
0x9d: {  	[timem:s7], [sflag:s22] =	dma.local [hbm:s5], s20  }
0x9e: {  	_ =	swait.ge [sflag:s22], s20  }
0x9f: {  	s4 =	ssub.s32 $0x0, s20;
	[sflag:s22] =	ssyncset.done $0x0  }
0xa0: {  	[sflag:s22] =	ssyncadd.s32 s4;
	_ =	sdelay $0x1  }
0xa1: {  	s23 =	simm.s32 $0x1B8B  }
0xa2: {  	_ =	swait.ge [sflag:s23], $0x1  }
0xa3: {  	[sflag:s23] =	ssyncset.done $0x0  }
0xa4: {  	s25 =	simm.s32 $0x1B8E;
	s24 =	sld [smem:$0x3FFE];
	[sflag:s23] =	ssyncadd.s32 $0xFFFFFFFF  }
0xa5: {  	s26 =	simm.s32 $execute0_lowered;
	[smem:$0x3FD2] =	sst s25  }
0xa6: {  	s5 =	sshll.u32 s26, $0x1;
	_ =	strace $0x80000046;
	[dreg:$0x1] =	wrdreg $0xFFFFFFFF  }
0xa7: {  	s28 =	simm.s32 $_size_execute0_lowered;
	s3 =	sadd.s32 s3, s5;
	[dreg:$0x0] =	wrdreg $0x0  }
0xa8: {  	s5 =	sshll.u32 s28, $0x1;
	[dreg:$0x2] =	wrdreg s3  }
0xa9: {  	[dreg:$0x3] =	wrdreg s5  }
0xaa: {  	[dreg:$0x4] =	wrdreg $0xC0  }
0xab: {  	_ =	task [dreg:s7], $0x5FFFF  }
0xac: {  	[dreg:$0x1] =	wrdreg $0xFFFFFFFF  }
0xad: {  	[dreg:$0x0] =	wrdreg $0x60  }
0xae: {  	[dreg:$0x2] =	wrdreg s24  }
0xaf: {  	[dreg:$0x3] =	wrdreg s2  }
0xb0: {  	[dreg:$0x4] =	wrdreg $0x9  }
0xb1: {  	_ =	task.clear_ibuf [dreg:s7], $0x5FFFF;
	_ =	strace $0x90000046  }
0xb2: {  	s29 =	simm.s32 $0x9;
	_ =	strace $0x80000048  }
0xb3: {  	_ =	swait.ge [sflag:s29], $0x1  }
0xb4: {  	[sflag:s29] =	ssyncadd.s32 $0xFFFFFFFF  }
0xb5: {  	_ =	strace $0x90000048  }
0xb6: {  	_ =	sfence  }
0xb7: {  	s30 =	sld [smem:$0x0];
	_ =	sdelay $0x2  }
0xb8: {  	s31 =	sshll.u32 s1, $0xD;
	s1 =	sshrl.u32 s1, $0x2  }
0xb9: {  	s3 =	sand.u32 $0x4000, s31;
	s1 =	sadd.s32 s1, s30  }
0xba: {  	s0 =	sor.u32 s3, s0;
	s1 =	sshll.u32 s1, $0x11  }
0xbb: {  	s0 =	sor.u32 s1, s0  }
0xbc: {  	s0 =	sadd.s32 $0x8F2B, s0  }
0xbd: {  	[sflag:s0] =	ssyncadd.remote.s32 $0x1  }
0xbe: {  	_ =	sfence.sel $0xFFFF  }
0xbf: {  	[dreg:$0x0] =	wrdreg $0xFFFFFFFF;
	(pc) =	sbr.abs _section_cstart, $3  }
0xc0: {  	[dreg:$0x1] =	wrdreg $0xFFFFFFFF  }
0xc1: {  	_ =	task.clear_ibuf [dreg:s7], $0x2FFFF;
	_ =	strace $0x9FFFFFFF  }
0xc2: {  	(tm) =	ssettm $0x7FFFFFFF  }
0xc3: {  	_ =	shalt  }
tec
execute0_lowered:
.L_overlay_start_1:
0x0: {  	(tag) =	ssettag $0x1  }
0x1: {  	s0 =	srdreg.scid  }
0x2: {  	s4 =	rddreg [dreg:$0x0];
	s3 =	sand.u32 $0x1, s0  }
0x3: {  	s5 =	rddreg [dreg:$0x1];
	s0 =	stileid.u32;
	s1 =	sshll.u32 s3, $0x4  }
0x4: {  	s2 =	simm.s32 $0x0;
	s9 =	simm.s32 $0x400;
	s6 =	sor.u32 s0, s1  }
0x5: {  	s10 =	simm.s32 $0x0;
	[smem:$0x7FF] =	sst s2;
	s7 =	sshrl.u32 s6, $0x3  }
0x6: {  	s8 =	sshll.u32 s0, $0x7;
	s3 =	ssub.s32 $0x2, s3;
	s7 =	smul.u32 $0x14000, s7  }
0x7: {  	s1 =	rddreg [dreg:$0x2];
	s8 =	sand.u32 $0x380, s8;
	s6 =	smul.u32 $0x4E2, s6  }
0x8: {  	_ =	strace $0x80000047;
	s31 =	sshrl.u32 s3, $0x1;
	s7 =	sor.u32 s8, s7  }
0x9: {  	s4 =	sadd.s32 s6, s4;
	s6 =	ssub.s32 s3, s31;
	s7 =	sshrl.u32 s7, $0x3  }
0xa: {  	s3 =	sadd.s32 $0x2200, s4;
	s8 =	simm.s32 $0x80;
	s4 =	sadd.s32 s5, s7  }
0xb: {  	v0 =	vimm.f32 $0.0e+00;
	v1 =	vimm.f32 $1.000000000e+00;
	s5 =	smax.u32 s6, $0x1;
	s6 =	simm.s32 $0x2800;
	s7 =	simm.s32 $0x1  }
.LBB2_1:
0xc: {  	s11 =	simm.s32 $0x40;
	s12 =	simm.s32 $0x0  }
.LBB2_2:
0xd: {  	p0 =	sne.s32 s11, $0x9FC0;
	[tilespmem:s12+$0x0] =	vst v0;
	s12 =	smov.u32 s11;
	s11 =	sadd.s32 $0x40, s11  }
.Ltmp0:
0xe: {  	(pc) =	sbr.rel @p0 .LBB2_2-.Ltmp0, $2  }
0xf: {  	_ =	sdelay $0x2  }
0x10: {  	s12 =	sshra.s32 s12, $0x2  }
0x11: {  	[tilespmem:s12+$0x0] =	vst v0;
	s11 =	simm.s32 $0x0  }
0x12: {  	[tilespmem:s6], [sflag:$0x1] =	stream.linear.gather [hbm4b:s3+s11], $0x2710, $0x38;
	[tilespmem:$0x4F80] =	vst v63  }
0x13: {  	_ =	swait.ge [sflag:s7], $0x2710  }
0x14: {  	[sflag:s7] =	ssyncset.done $0x0  }
0x15: {  	s12 =	simm.s32 $0x0;
	s11 =	simm.s32 $0x40;
	[sflag:s7] =	ssyncadd.s32 $0xFFFFD8F0  }
.LBB2_4:
0x16: {  	p0 =	sne.s32 s11, $0x9C00;
	v2 =	vld [tilespmem:s12+$0x2800];
	_ =	sdelay $0x3  }
.Ltmp1:
0x17: {  	(pc) =	sbr.rel @p0 .LBB2_4-.Ltmp1, $2  }
0x18: {  	_ =	sdelay $0x2  }
0x19: {  	s12 =	sshra.s32 s11, $0x2;
	s11 =	sadd.s32 $0x40, s11;
	[tilespmem:v2+s2+$0x0] =	vst.idx.add.f32.msk $0xffff, v1  }
0x1a: {  	v2 =	vld [tilespmem:s12+$0x2800];
	_ =	sdelay $0x5  }
0x1b: {  	s10 =	sadd.s32 $0x1, s10  }
0x1c: {  	p0 =	sne.s32 s10, s5  }
.Ltmp2:
0x1d: {  	[tilespmem:v2+s2+$0x0] =	vst.idx.add.f32.msk $0xffff, v1;
	(pc) =	sbr.rel @p0 .LBB2_1-.Ltmp2, $4  }
0x1e: {  	[hbm4b:s4+s8] =	stream.strided.scatter [tilespmem:s2], [sflag:$0x1], $0x2800, s9, s8, $0x38;
	[tilespmem:$0x4F80] =	vst v63  }
0x1f: {  	_ =	swait.ge [sflag:s7], $0x2800  }
0x20: {  	[sflag:s7] =	ssyncset.done $0x0  }
0x21: {  	[sflag:s7] =	ssyncadd.s32 $0xFFFFD800  }
0x22: {  	_ =	sfence.sel $0x180000  }
0x23: {  	[bflag:$0x0] =	sbarrier.arrive $0xFFFF  }
0x24: {  	p0 =	sne.s32 s0, $0x0;
	_ =	strace $0x90000047  }
0x25: {  	s0 =	sadd.s32 @!p0 $0x100000, s1;
	[bflag:$0x2] =	sbarrier.arrive $0xFFFF  }
0x26: {  	[sflag:s0] =	ssyncadd.tile.s32 @!p0 $0x1;
	_ =	shalt  }
.Lfunc_end2:
_tile_overlayer_lowered:
.L_overlay_start_2:
0x27: {  	(tag) =	ssettag $0x2  }
0x28: {  	s0 =	rddreg [dreg:$0x0];
	s2 =	stileid.u32  }
0x29: {  	s1 =	rddreg [dreg:$0x1];
	p0 =	sne.s32 s2, $0x0  }
0x2a: {  	s3 =	rddreg [dreg:$0x2];
	[bflag:$0x3] =	sbarrier.arrive $0xFFFF;
	s2 =	simm.s32 @!p0 $0x1C01  }
0x2b: {  	[timem:s3], [sflag:s2] =	dma.local @!p0 [hbm:s0], s1  }
0x2c: {  	s0 =	simm.s32 @!p0 $0x1  }
0x2d: {  	_ =	swait.ge @!p0 [sflag:s0], s1  }
0x2e: {  	s1 =	ssub.s32 @!p0 $0x0, s1;
	[sflag:s0] =	ssyncset.done @!p0 $0x0  }
0x2f: {  	[sflag:s0] =	ssyncadd.s32 @!p0 s1  }
0x30: {  	[bflag:$0x3] =	sbarrier.arrive $0xFFFF  }
0x31: {  	_ =	shalt  }

</sc_bundles>
